<compile_context>
chip_gen: v7x
topology: tpu7x:2x2x1
jax: 0.10.2.dev20260603
libtpu: 0.0.44.dev20260713+nightly
codegen_flags: <defaults>
</compile_context>

<pallas_src>
import functools

import jax
import jax.numpy as jnp
from jax import lax
from jax.experimental import pallas as pl
from jax.experimental.pallas import tpu as pltpu
from jax.experimental.pallas import tpu_sc as plsc

N_NODES = 100000
F = 16
NC, NS = 2, 16
NW = NC * NS
CHUNK = 512
BLK = 1
ZR = 512
N_PAD = 100096


@functools.lru_cache(maxsize=None)
def _make_sc_agg(n_chunks_total):
  c0_t = int(n_chunks_total * 0.553 / NS) // 2 * 2
  rem = n_chunks_total - NS * c0_t
  c1_t = (rem // NS) // 2 * 2
  c1_last = rem - (NS - 1) * c1_t
  assert c1_last % 2 == 0 and c1_last >= 0
  zrows = N_PAD // NS
  out_a = 6256
  out_b = N_NODES - (NS - 1) * out_a

  @functools.partial(
      pl.kernel,
      out_type=jax.ShapeDtypeStruct((NC, N_NODES, F), jnp.float32),
      mesh=plsc.VectorSubcoreMesh(core_axis_name="c", subcore_axis_name="s"),
      compiler_params=pltpu.CompilerParams(use_tc_tiling_on_sc=False),
      scratch_types=[
          pltpu.VMEM_SHARED((N_PAD, F), jnp.float32),
          pltpu.VMEM((2, BLK, CHUNK), jnp.int32),
          pltpu.VMEM((2, BLK, CHUNK), jnp.int32),
          pltpu.VMEM((2, BLK * CHUNK, F), jnp.float32),
          pltpu.VMEM((ZR, F), jnp.float32),
          pltpu.SemaphoreType.DMA,
          pltpu.SemaphoreType.DMA,
          pltpu.SemaphoreType.DMA,
          pltpu.SemaphoreType.DMA,
          pltpu.SemaphoreType.DMA,
          pltpu.SemaphoreType.DMA,
      ],
  )
  def agg(table_hbm, src_hbm, dst_hbm, out_hbm,
          acc, src_v, dst_v, rows_v, zbuf,
          gsem0, gsem1, ssem0, ssem1, isem0, isem1):
    c = lax.axis_index("c")
    s = lax.axis_index("s")
    gsem = (gsem0, gsem1)
    ssem = (ssem0, ssem1)
    isem = (isem0, isem1)
    n_my = jnp.where(c == 0, c0_t,
                     jnp.where(s < NS - 1, c1_t, c1_last)) // BLK
    base_chunk = jnp.where(c == 0, s * c0_t, NS * c0_t + s * c1_t)

    def zero_body(i, carry):
      zbuf[i, :] = jnp.zeros((F,), jnp.float32)
      return carry
    lax.fori_loop(0, ZR, zero_body, 0)
    zfull, zrem = divmod(zrows, ZR)
    for r in range(zfull):
      zoff = pl.multiple_of(s * zrows + r * ZR, 8)
      pltpu.sync_copy(zbuf, acc.at[pl.ds(zoff, ZR)])
    if zrem:
      zoff = pl.multiple_of(s * zrows + zfull * ZR, 8)
      pltpu.sync_copy(zbuf.at[pl.ds(0, zrem)], acc.at[pl.ds(zoff, zrem)])
    plsc.subcore_barrier()

    def rv(b, j):
      return rows_v.at[b, pl.ds(j * CHUNK, CHUNK)]

    def load_idx(i, b):
      base = base_chunk + i * BLK
      pltpu.async_copy(src_hbm.at[pl.ds(base, BLK)], src_v.at[b], isem[b])
      pltpu.async_copy(dst_hbm.at[pl.ds(base, BLK)], dst_v.at[b], isem[b])

    def drain_idx(b):
      pltpu.make_async_copy(src_hbm.at[pl.ds(0, BLK)], src_v.at[b],
                            isem[b]).wait()
      pltpu.make_async_copy(dst_hbm.at[pl.ds(0, BLK)], dst_v.at[b],
                            isem[b]).wait()

    def fire_gathers(b):
      for j in range(BLK):
        pltpu.async_copy(table_hbm.at[src_v.at[b, j]], rv(b, j), gsem[b])

    def drain_gathers(b):
      for j in range(BLK):
        pltpu.make_async_copy(table_hbm.at[src_v.at[b, j]], rv(b, j),
                              gsem[b]).wait()

    load_idx(0, 0)
    drain_idx(0)
    fire_gathers(0)
    load_idx(1, 1)

    def pair(i2, carry):
      for b in range(2):
        i = i2 * 2 + b
        nb = 1 - b
        drain_gathers(b)
        scps = [
            pltpu.async_copy(rv(b, j), acc.at[dst_v.at[b, j]], ssem[b],
                             add=True)
            for j in range(BLK)
        ]

        @pl.when(i + 1 < n_my)
        def _():
          drain_idx(nb)
          fire_gathers(nb)

        for cp in scps:
          cp.wait()

        @pl.when(i + 2 < n_my)
        def _():
          load_idx(i + 2, b)
      return carry
    lax.fori_loop(0, n_my // 2, pair, 0)

    plsc.subcore_barrier()
    base_o = pl.multiple_of(s * out_a, 8)

    @pl.when(s < NS - 1)
    def _():
      pltpu.sync_copy(acc.at[pl.ds(base_o, out_a)],
                      out_hbm.at[c, pl.ds(base_o, out_a)])

    @pl.when(s == NS - 1)
    def _():
      pltpu.sync_copy(acc.at[pl.ds((NS - 1) * out_a, out_b)],
                      out_hbm.at[c, pl.ds((NS - 1) * out_a, out_b)])

  return agg


def _mm_body(x_ref, w_ref, o_ref):
  o_ref[...] = jnp.dot(x_ref[...], w_ref[...],
                       preferred_element_type=jnp.float32)


def _relu_body(p_ref, b_ref, o_ref):
  o_ref[...] = jnp.maximum(p_ref[0] + p_ref[1] + b_ref[...], 0.0)


def _out_body(q_ref, w_ref, b_ref, o_ref):
  o_ref[...] = jnp.dot(q_ref[0] + q_ref[1], w_ref[...],
                       preferred_element_type=jnp.float32) + b_ref[...]


def _bdiag(w, k):
  eye = jnp.eye(k, dtype=w.dtype)
  return jnp.einsum("ab,ij->aibj", eye, w).reshape(k * w.shape[0],
                                                   k * w.shape[1])


def kernel(x, edge_index, W1, b1, W2, b2):
  n, in_c = x.shape
  hid = W1.shape[1]
  out_c = W2.shape[1]
  e = edge_index.shape[1]
  k = 128 // hid

  assert e % CHUNK == 0
  src2d = edge_index[0].reshape(-1, CHUNK)
  dst2d = edge_index[1].reshape(-1, CHUNK)

  agg = _make_sc_agg(e // CHUNK)
  nk = n // k

  x8 = x.reshape(nk, k * in_c)
  w1b = _bdiag(W1, k)
  b1t = jnp.tile(b1, k).reshape(1, k * hid)
  w2b = _bdiag(W2, k)
  b2t = jnp.tile(b2, k).reshape(1, k * out_c)

  h1 = pl.pallas_call(
      _mm_body,
      out_shape=jax.ShapeDtypeStruct((nk, k * hid), jnp.float32),
  )(x8, w1b)

  p = agg(h1.reshape(n, hid), src2d, dst2d)

  h2 = pl.pallas_call(
      _relu_body,
      out_shape=jax.ShapeDtypeStruct((nk, k * hid), jnp.float32),
  )(p.reshape(NC, nk, k * hid), b1t)

  q = agg(h2.reshape(n, hid), src2d, dst2d)

  out128 = pl.pallas_call(
      _out_body,
      out_shape=jax.ShapeDtypeStruct((nk, k * out_c), jnp.float32),
  )(q.reshape(NC, nk, k * hid), w2b, b2t)

  return out128.reshape(n, out_c)

# --- scband reference (transcript-rebuilt; emitter-appended) ---
"""Pipeline reference for scband-gnn-28226525070351 (READ-ONLY COPY).

The authoritative reference and input builder live on the scoring server;
editing this copy changes nothing except your own understanding.
"""

import jax, jax.numpy as jnp
import numpy as np

N = 100000
E = 3200000
IN_C = 10
HID = 16
OUT_C = 10


def setup_inputs(seed: int = 0) -> dict:
    key = jax.random.key(seed)
    k1, k2, k3, k4 = jax.random.split(key, 4)
    x = jax.random.normal(k1, (N, IN_C), dtype=jnp.float32)
    edge_index = jax.random.randint(k2, (2, E), 0, N, dtype=jnp.int32)
    W1 = jax.random.normal(k3, (IN_C, HID), dtype=jnp.float32) * (1.0 / np.sqrt(IN_C))
    b1 = jnp.zeros((HID,), dtype=jnp.float32)
    W2 = jax.random.normal(k4, (HID, OUT_C), dtype=jnp.float32) * (1.0 / np.sqrt(HID))
    b2 = jnp.zeros((OUT_C,), dtype=jnp.float32)
    return {"x": x, "edge_index": edge_index, "W1": W1, "b1": b1, "W2": W2, "b2": b2}


def reference(x, edge_index, W1, b1, W2, b2):
    # GCNConv with normalize=False: h = x @ W, then sum-aggregate messages
    # from source nodes into destination nodes, then add bias.
    src = edge_index[0]
    dst = edge_index[1]
    # layer 1
    h = x @ W1
    h = jax.ops.segment_sum(h[src], dst, num_segments=N) + b1
    h = jax.nn.relu(h)
    # dropout is identity in eval mode (training=False)
    # layer 2
    h = h @ W2
    out = jax.ops.segment_sum(h[src], dst, num_segments=N) + b2
    return out

if __name__ == "__main__":
    import jax
    _d = setup_inputs()
    print(jax.jit(kernel)(*tuple(_d.values())))

</pallas_src>

<mosaic_0001>
#map = affine_map<(d0, d1) -> (0, 0)>
#map1 = affine_map<(d0, d1) -> (0, 0, 0)>
module attributes {stable_mosaic.version = 14 : i64} {
  func.func @agg(%arg0: i32, %arg1: i32, %arg2: memref<100000x16xf32, #tpu.memory_space<hbm>>, %arg3: memref<6250x512xi32, #tpu.memory_space<hbm>>, %arg4: memref<6250x512xi32, #tpu.memory_space<hbm>>, %arg5: memref<2x100000x16xf32, #tpu.memory_space<hbm>>, %arg6: memref<100096x16xf32, #tpu.memory_space<vmem_shared>>, %arg7: memref<2x1x512xi32, #tpu.memory_space<vmem>>, %arg8: memref<2x1x512xi32, #tpu.memory_space<vmem>>, %arg9: memref<2x512x16xf32, #tpu.memory_space<vmem>>, %arg10: memref<512x16xf32, #tpu.memory_space<vmem>>, %arg11: memref<!tpu.dma_semaphore, #tpu.memory_space<semaphore_mem>>, %arg12: memref<!tpu.dma_semaphore, #tpu.memory_space<semaphore_mem>>, %arg13: memref<!tpu.dma_semaphore, #tpu.memory_space<semaphore_mem>>, %arg14: memref<!tpu.dma_semaphore, #tpu.memory_space<semaphore_mem>>, %arg15: memref<!tpu.dma_semaphore, #tpu.memory_space<semaphore_mem>>, %arg16: memref<!tpu.dma_semaphore, #tpu.memory_space<semaphore_mem>>) attributes {dimension_semantics = [#tpu.dimension_semantics<core_parallel>, #tpu.dimension_semantics<subcore_parallel>], iteration_bounds = array<i64: 2, 16>, scalar_prefetch = 0 : i64, scratch_operands = 11 : i64, tpu.core_type = #tpu.core_type<sc_vector_subcore>, window_params = [{transform_indices = #map}, {transform_indices = #map}, {transform_indices = #map}, {transform_indices = #map1}]} {
    %eq3A = arith.constant 0 : i32
    %eq3A_0 = arith.cmpi eq, %arg0, %eq3A : i32
    %lt3A = arith.constant 15 : i32
    %lt3A_1 = arith.cmpi slt, %arg1, %lt3A : i32
    %jit3A = arith.constant 174 : i32
    %jit3A_2 = arith.constant 184 : i32
    %select_n3A = arith.select %lt3A_1, %jit3A, %jit3A_2 : i32
    %jit3A_3 = arith.constant 216 : i32
    %select_n3A_4 = arith.select %eq3A_0, %jit3A_3, %select_n3A : i32
    %jit3A_5 = arith.constant 1 : i32
    %div3A = arith.divsi %select_n3A_4, %jit3A_5 : i32
    %sign3A = arith.constant 0 : i32
    %sign3A_6 = arith.cmpi sgt, %select_n3A_4, %sign3A : i32
    %sign3A_7 = arith.extui %sign3A_6 : i1 to i32
    %sign3A_8 = arith.constant 0 : i32
    %sign3A_9 = arith.cmpi slt, %select_n3A_4, %sign3A_8 : i32
    %sign3A_10 = arith.extui %sign3A_9 : i1 to i32
    %sign3A_11 = arith.subi %sign3A_7, %sign3A_10 : i32
    %sign3A_12 = arith.constant 0 : i32
    %sign3A_13 = arith.cmpi sgt, %jit3A_5, %sign3A_12 : i32
    %sign3A_14 = arith.extui %sign3A_13 : i1 to i32
    %sign3A_15 = arith.constant 0 : i32
    %sign3A_16 = arith.cmpi slt, %jit3A_5, %sign3A_15 : i32
    %sign3A_17 = arith.extui %sign3A_16 : i1 to i32
    %sign3A_18 = arith.subi %sign3A_14, %sign3A_17 : i32
    %ne3A = arith.cmpi ne, %sign3A_11, %sign3A_18 : i32
    %rem3A = arith.remsi %select_n3A_4, %jit3A_5 : i32
    %ne3A_19 = arith.constant 0 : i32
    %ne3A_20 = arith.cmpi ne, %rem3A, %ne3A_19 : i32
    %and3A = arith.andi %ne3A, %ne3A_20 : i1
    %sub3A = arith.constant 1 : i32
    %sub3A_21 = arith.subi %div3A, %sub3A : i32
    %select_n3A_22 = arith.select %and3A, %sub3A_21, %div3A : i32
    %eq3A_23 = arith.constant 0 : i32
    %eq3A_24 = arith.cmpi eq, %arg0, %eq3A_23 : i32
    %mul3A = arith.constant 216 : i32
    %mul3A_25 = arith.muli %arg1, %mul3A : i32
    %mul3A_26 = arith.constant 174 : i32
    %mul3A_27 = arith.muli %arg1, %mul3A_26 : i32
    %add3A = arith.constant 3456 : i32
    %add3A_28 = arith.addi %add3A, %mul3A_27 : i32
    %select_n3A_29 = arith.select %eq3A_24, %mul3A_25, %add3A_28 : i32
    %scan3A = arith.constant 0 : i32
    %scan3A_30 = arith.constant 0 : i32
    %scan3A_31 = arith.constant 512 : i32
    %scan3A_32 = arith.addi %scan3A_30, %scan3A_31 : i32
    %scan3A_33 = arith.constant 1 : i32
    scf.for %scan3A_241 = %scan3A_30 to %scan3A_32 step %scan3A_33  : i32 {
      %broadcast_in_dim3A = arith.constant 0.000000e+00 : f32
      %broadcast_in_dim3A_242 = vector.broadcast %broadcast_in_dim3A : f32 to vector<16xf32>
      %swap3A = arith.index_cast %scan3A_241 : i32 to index
      %swap3A_243 = arith.constant 0 : index
      %swap3A_244 = tpu.vector_load %arg10[%swap3A, %swap3A_243] {strides = array<i32>} : memref<512x16xf32, #tpu.memory_space<vmem>>, vector<1x16xf32>,
      %swap3A_245 = vector.shape_cast %swap3A_244 : vector<1x16xf32> to vector<16xf32>
      %swap3A_246 = vector.shape_cast %broadcast_in_dim3A_242 : vector<16xf32> to vector<1x16xf32>
      tpu.vector_store %arg10[%swap3A, %swap3A_243], %swap3A_246 {strides = array<i32>} : memref<512x16xf32, #tpu.memory_space<vmem>>, vector<1x16xf32>,
    }
    %scan3A_34 = arith.constant 512 : i32
    %mul3A_35 = arith.constant 6256 : i32
    %mul3A_36 = arith.muli %arg1, %mul3A_35 : i32
    %add3A_37 = arith.constant 0 : i32
    %add3A_38 = arith.addi %mul3A_36, %add3A_37 : i32
    %multiple_of3A = tpu.assume_multiple %add3A_38, 8 : i32
    "tpu.region"() ({
      %run_scoped3A = tpu.sem_alloc : memref<!tpu.dma_semaphore, #tpu.memory_space<semaphore_mem>>
      %dma_start3A_241 = arith.constant 0 : i32
      %dma_start3A_242 = tpu.memref_slice %arg6[%multiple_of3A, %dma_start3A_241] : memref<100096x16xf32, #tpu.memory_space<vmem_shared>> -> memref<512x16xf32, #tpu.memory_space<vmem_shared>>
      %dma_start3A_243 = arith.constant 0 : i32
      %dma_start3A_244 = tpu.memref_slice %arg6[%multiple_of3A, %dma_start3A_243] : memref<100096x16xf32, #tpu.memory_space<vmem_shared>> -> memref<512x16xf32, #tpu.memory_space<vmem_shared>>
      tpu.enqueue_dma source(%arg10 : memref<512x16xf32, #tpu.memory_space<vmem>>) target(%dma_start3A_244 : memref<512x16xf32, #tpu.memory_space<vmem_shared>>) target_semaphore(%run_scoped3A : memref<!tpu.dma_semaphore, #tpu.memory_space<semaphore_mem>>)
      %dma_wait3A_245 = arith.constant 0 : i32
      %dma_wait3A_246 = tpu.memref_slice %arg6[%multiple_of3A, %dma_wait3A_245] : memref<100096x16xf32, #tpu.memory_space<vmem_shared>> -> memref<512x16xf32, #tpu.memory_space<vmem_shared>>
      %dma_wait3A_247 = arith.constant 0 : i32
      %dma_wait3A_248 = tpu.memref_slice %arg6[%multiple_of3A, %dma_wait3A_247] : memref<100096x16xf32, #tpu.memory_space<vmem_shared>> -> memref<512x16xf32, #tpu.memory_space<vmem_shared>>
      tpu.wait_dma2 semaphore(%run_scoped3A : memref<!tpu.dma_semaphore, #tpu.memory_space<semaphore_mem>>) src(%arg10 : memref<512x16xf32, #tpu.memory_space<vmem>>) dst(%dma_wait3A_248 : memref<512x16xf32, #tpu.memory_space<vmem_shared>>)
      tpu.yield
    }) : () -> ()
    %mul3A_39 = arith.constant 6256 : i32
    %mul3A_40 = arith.muli %arg1, %mul3A_39 : i32
    %add3A_41 = arith.constant 512 : i32
    %add3A_42 = arith.addi %mul3A_40, %add3A_41 : i32
    %multiple_of3A_43 = tpu.assume_multiple %add3A_42, 8 : i32
    "tpu.region"() ({
      %run_scoped3A = tpu.sem_alloc : memref<!tpu.dma_semaphore, #tpu.memory_space<semaphore_mem>>
      %dma_start3A_241 = arith.constant 0 : i32
      %dma_start3A_242 = tpu.memref_slice %arg6[%multiple_of3A_43, %dma_start3A_241] : memref<100096x16xf32, #tpu.memory_space<vmem_shared>> -> memref<512x16xf32, #tpu.memory_space<vmem_shared>>
      %dma_start3A_243 = arith.constant 0 : i32
      %dma_start3A_244 = tpu.memref_slice %arg6[%multiple_of3A_43, %dma_start3A_243] : memref<100096x16xf32, #tpu.memory_space<vmem_shared>> -> memref<512x16xf32, #tpu.memory_space<vmem_shared>>
      tpu.enqueue_dma source(%arg10 : memref<512x16xf32, #tpu.memory_space<vmem>>) target(%dma_start3A_244 : memref<512x16xf32, #tpu.memory_space<vmem_shared>>) target_semaphore(%run_scoped3A : memref<!tpu.dma_semaphore, #tpu.memory_space<semaphore_mem>>)
      %dma_wait3A_245 = arith.constant 0 : i32
      %dma_wait3A_246 = tpu.memref_slice %arg6[%multiple_of3A_43, %dma_wait3A_245] : memref<100096x16xf32, #tpu.memory_space<vmem_shared>> -> memref<512x16xf32, #tpu.memory_space<vmem_shared>>
      %dma_wait3A_247 = arith.constant 0 : i32
      %dma_wait3A_248 = tpu.memref_slice %arg6[%multiple_of3A_43, %dma_wait3A_247] : memref<100096x16xf32, #tpu.memory_space<vmem_shared>> -> memref<512x16xf32, #tpu.memory_space<vmem_shared>>
      tpu.wait_dma2 semaphore(%run_scoped3A : memref<!tpu.dma_semaphore, #tpu.memory_space<semaphore_mem>>) src(%arg10 : memref<512x16xf32, #tpu.memory_space<vmem>>) dst(%dma_wait3A_248 : memref<512x16xf32, #tpu.memory_space<vmem_shared>>)
      tpu.yield
    }) : () -> ()
    %mul3A_44 = arith.constant 6256 : i32
    %mul3A_45 = arith.muli %arg1, %mul3A_44 : i32
    %add3A_46 = arith.constant 1024 : i32
    %add3A_47 = arith.addi %mul3A_45, %add3A_46 : i32
    %multiple_of3A_48 = tpu.assume_multiple %add3A_47, 8 : i32
    "tpu.region"() ({
      %run_scoped3A = tpu.sem_alloc : memref<!tpu.dma_semaphore, #tpu.memory_space<semaphore_mem>>
      %dma_start3A_241 = arith.constant 0 : i32
      %dma_start3A_242 = tpu.memref_slice %arg6[%multiple_of3A_48, %dma_start3A_241] : memref<100096x16xf32, #tpu.memory_space<vmem_shared>> -> memref<512x16xf32, #tpu.memory_space<vmem_shared>>
      %dma_start3A_243 = arith.constant 0 : i32
      %dma_start3A_244 = tpu.memref_slice %arg6[%multiple_of3A_48, %dma_start3A_243] : memref<100096x16xf32, #tpu.memory_space<vmem_shared>> -> memref<512x16xf32, #tpu.memory_space<vmem_shared>>
      tpu.enqueue_dma source(%arg10 : memref<512x16xf32, #tpu.memory_space<vmem>>) target(%dma_start3A_244 : memref<512x16xf32, #tpu.memory_space<vmem_shared>>) target_semaphore(%run_scoped3A : memref<!tpu.dma_semaphore, #tpu.memory_space<semaphore_mem>>)
      %dma_wait3A_245 = arith.constant 0 : i32
      %dma_wait3A_246 = tpu.memref_slice %arg6[%multiple_of3A_48, %dma_wait3A_245] : memref<100096x16xf32, #tpu.memory_space<vmem_shared>> -> memref<512x16xf32, #tpu.memory_space<vmem_shared>>
      %dma_wait3A_247 = arith.constant 0 : i32
      %dma_wait3A_248 = tpu.memref_slice %arg6[%multiple_of3A_48, %dma_wait3A_247] : memref<100096x16xf32, #tpu.memory_space<vmem_shared>> -> memref<512x16xf32, #tpu.memory_space<vmem_shared>>
      tpu.wait_dma2 semaphore(%run_scoped3A : memref<!tpu.dma_semaphore, #tpu.memory_space<semaphore_mem>>) src(%arg10 : memref<512x16xf32, #tpu.memory_space<vmem>>) dst(%dma_wait3A_248 : memref<512x16xf32, #tpu.memory_space<vmem_shared>>)
      tpu.yield
    }) : () -> ()
    %mul3A_49 = arith.constant 6256 : i32
    %mul3A_50 = arith.muli %arg1, %mul3A_49 : i32
    %add3A_51 = arith.constant 1536 : i32
    %add3A_52 = arith.addi %mul3A_50, %add3A_51 : i32
    %multiple_of3A_53 = tpu.assume_multiple %add3A_52, 8 : i32
    "tpu.region"() ({
      %run_scoped3A = tpu.sem_alloc : memref<!tpu.dma_semaphore, #tpu.memory_space<semaphore_mem>>
      %dma_start3A_241 = arith.constant 0 : i32
      %dma_start3A_242 = tpu.memref_slice %arg6[%multiple_of3A_53, %dma_start3A_241] : memref<100096x16xf32, #tpu.memory_space<vmem_shared>> -> memref<512x16xf32, #tpu.memory_space<vmem_shared>>
      %dma_start3A_243 = arith.constant 0 : i32
      %dma_start3A_244 = tpu.memref_slice %arg6[%multiple_of3A_53, %dma_start3A_243] : memref<100096x16xf32, #tpu.memory_space<vmem_shared>> -> memref<512x16xf32, #tpu.memory_space<vmem_shared>>
      tpu.enqueue_dma source(%arg10 : memref<512x16xf32, #tpu.memory_space<vmem>>) target(%dma_start3A_244 : memref<512x16xf32, #tpu.memory_space<vmem_shared>>) target_semaphore(%run_scoped3A : memref<!tpu.dma_semaphore, #tpu.memory_space<semaphore_mem>>)
      %dma_wait3A_245 = arith.constant 0 : i32
      %dma_wait3A_246 = tpu.memref_slice %arg6[%multiple_of3A_53, %dma_wait3A_245] : memref<100096x16xf32, #tpu.memory_space<vmem_shared>> -> memref<512x16xf32, #tpu.memory_space<vmem_shared>>
      %dma_wait3A_247 = arith.constant 0 : i32
      %dma_wait3A_248 = tpu.memref_slice %arg6[%multiple_of3A_53, %dma_wait3A_247] : memref<100096x16xf32, #tpu.memory_space<vmem_shared>> -> memref<512x16xf32, #tpu.memory_space<vmem_shared>>
      tpu.wait_dma2 semaphore(%run_scoped3A : memref<!tpu.dma_semaphore, #tpu.memory_space<semaphore_mem>>) src(%arg10 : memref<512x16xf32, #tpu.memory_space<vmem>>) dst(%dma_wait3A_248 : memref<512x16xf32, #tpu.memory_space<vmem_shared>>)
      tpu.yield
    }) : () -> ()
    %mul3A_54 = arith.constant 6256 : i32
    %mul3A_55 = arith.muli %arg1, %mul3A_54 : i32
    %add3A_56 = arith.constant 2048 : i32
    %add3A_57 = arith.addi %mul3A_55, %add3A_56 : i32
    %multiple_of3A_58 = tpu.assume_multiple %add3A_57, 8 : i32
    "tpu.region"() ({
      %run_scoped3A = tpu.sem_alloc : memref<!tpu.dma_semaphore, #tpu.memory_space<semaphore_mem>>
      %dma_start3A_241 = arith.constant 0 : i32
      %dma_start3A_242 = tpu.memref_slice %arg6[%multiple_of3A_58, %dma_start3A_241] : memref<100096x16xf32, #tpu.memory_space<vmem_shared>> -> memref<512x16xf32, #tpu.memory_space<vmem_shared>>
      %dma_start3A_243 = arith.constant 0 : i32
      %dma_start3A_244 = tpu.memref_slice %arg6[%multiple_of3A_58, %dma_start3A_243] : memref<100096x16xf32, #tpu.memory_space<vmem_shared>> -> memref<512x16xf32, #tpu.memory_space<vmem_shared>>
      tpu.enqueue_dma source(%arg10 : memref<512x16xf32, #tpu.memory_space<vmem>>) target(%dma_start3A_244 : memref<512x16xf32, #tpu.memory_space<vmem_shared>>) target_semaphore(%run_scoped3A : memref<!tpu.dma_semaphore, #tpu.memory_space<semaphore_mem>>)
      %dma_wait3A_245 = arith.constant 0 : i32
      %dma_wait3A_246 = tpu.memref_slice %arg6[%multiple_of3A_58, %dma_wait3A_245] : memref<100096x16xf32, #tpu.memory_space<vmem_shared>> -> memref<512x16xf32, #tpu.memory_space<vmem_shared>>
      %dma_wait3A_247 = arith.constant 0 : i32
      %dma_wait3A_248 = tpu.memref_slice %arg6[%multiple_of3A_58, %dma_wait3A_247] : memref<100096x16xf32, #tpu.memory_space<vmem_shared>> -> memref<512x16xf32, #tpu.memory_space<vmem_shared>>
      tpu.wait_dma2 semaphore(%run_scoped3A : memref<!tpu.dma_semaphore, #tpu.memory_space<semaphore_mem>>) src(%arg10 : memref<512x16xf32, #tpu.memory_space<vmem>>) dst(%dma_wait3A_248 : memref<512x16xf32, #tpu.memory_space<vmem_shared>>)
      tpu.yield
    }) : () -> ()
    %mul3A_59 = arith.constant 6256 : i32
    %mul3A_60 = arith.muli %arg1, %mul3A_59 : i32
    %add3A_61 = arith.constant 2560 : i32
    %add3A_62 = arith.addi %mul3A_60, %add3A_61 : i32
    %multiple_of3A_63 = tpu.assume_multiple %add3A_62, 8 : i32
    "tpu.region"() ({
      %run_scoped3A = tpu.sem_alloc : memref<!tpu.dma_semaphore, #tpu.memory_space<semaphore_mem>>
      %dma_start3A_241 = arith.constant 0 : i32
      %dma_start3A_242 = tpu.memref_slice %arg6[%multiple_of3A_63, %dma_start3A_241] : memref<100096x16xf32, #tpu.memory_space<vmem_shared>> -> memref<512x16xf32, #tpu.memory_space<vmem_shared>>
      %dma_start3A_243 = arith.constant 0 : i32
      %dma_start3A_244 = tpu.memref_slice %arg6[%multiple_of3A_63, %dma_start3A_243] : memref<100096x16xf32, #tpu.memory_space<vmem_shared>> -> memref<512x16xf32, #tpu.memory_space<vmem_shared>>
      tpu.enqueue_dma source(%arg10 : memref<512x16xf32, #tpu.memory_space<vmem>>) target(%dma_start3A_244 : memref<512x16xf32, #tpu.memory_space<vmem_shared>>) target_semaphore(%run_scoped3A : memref<!tpu.dma_semaphore, #tpu.memory_space<semaphore_mem>>)
      %dma_wait3A_245 = arith.constant 0 : i32
      %dma_wait3A_246 = tpu.memref_slice %arg6[%multiple_of3A_63, %dma_wait3A_245] : memref<100096x16xf32, #tpu.memory_space<vmem_shared>> -> memref<512x16xf32, #tpu.memory_space<vmem_shared>>
      %dma_wait3A_247 = arith.constant 0 : i32
      %dma_wait3A_248 = tpu.memref_slice %arg6[%multiple_of3A_63, %dma_wait3A_247] : memref<100096x16xf32, #tpu.memory_space<vmem_shared>> -> memref<512x16xf32, #tpu.memory_space<vmem_shared>>
      tpu.wait_dma2 semaphore(%run_scoped3A : memref<!tpu.dma_semaphore, #tpu.memory_space<semaphore_mem>>) src(%arg10 : memref<512x16xf32, #tpu.memory_space<vmem>>) dst(%dma_wait3A_248 : memref<512x16xf32, #tpu.memory_space<vmem_shared>>)
      tpu.yield
    }) : () -> ()
    %mul3A_64 = arith.constant 6256 : i32
    %mul3A_65 = arith.muli %arg1, %mul3A_64 : i32
    %add3A_66 = arith.constant 3072 : i32
    %add3A_67 = arith.addi %mul3A_65, %add3A_66 : i32
    %multiple_of3A_68 = tpu.assume_multiple %add3A_67, 8 : i32
    "tpu.region"() ({
      %run_scoped3A = tpu.sem_alloc : memref<!tpu.dma_semaphore, #tpu.memory_space<semaphore_mem>>
      %dma_start3A_241 = arith.constant 0 : i32
      %dma_start3A_242 = tpu.memref_slice %arg6[%multiple_of3A_68, %dma_start3A_241] : memref<100096x16xf32, #tpu.memory_space<vmem_shared>> -> memref<512x16xf32, #tpu.memory_space<vmem_shared>>
      %dma_start3A_243 = arith.constant 0 : i32
      %dma_start3A_244 = tpu.memref_slice %arg6[%multiple_of3A_68, %dma_start3A_243] : memref<100096x16xf32, #tpu.memory_space<vmem_shared>> -> memref<512x16xf32, #tpu.memory_space<vmem_shared>>
      tpu.enqueue_dma source(%arg10 : memref<512x16xf32, #tpu.memory_space<vmem>>) target(%dma_start3A_244 : memref<512x16xf32, #tpu.memory_space<vmem_shared>>) target_semaphore(%run_scoped3A : memref<!tpu.dma_semaphore, #tpu.memory_space<semaphore_mem>>)
      %dma_wait3A_245 = arith.constant 0 : i32
      %dma_wait3A_246 = tpu.memref_slice %arg6[%multiple_of3A_68, %dma_wait3A_245] : memref<100096x16xf32, #tpu.memory_space<vmem_shared>> -> memref<512x16xf32, #tpu.memory_space<vmem_shared>>
      %dma_wait3A_247 = arith.constant 0 : i32
      %dma_wait3A_248 = tpu.memref_slice %arg6[%multiple_of3A_68, %dma_wait3A_247] : memref<100096x16xf32, #tpu.memory_space<vmem_shared>> -> memref<512x16xf32, #tpu.memory_space<vmem_shared>>
      tpu.wait_dma2 semaphore(%run_scoped3A : memref<!tpu.dma_semaphore, #tpu.memory_space<semaphore_mem>>) src(%arg10 : memref<512x16xf32, #tpu.memory_space<vmem>>) dst(%dma_wait3A_248 : memref<512x16xf32, #tpu.memory_space<vmem_shared>>)
      tpu.yield
    }) : () -> ()
    %mul3A_69 = arith.constant 6256 : i32
    %mul3A_70 = arith.muli %arg1, %mul3A_69 : i32
    %add3A_71 = arith.constant 3584 : i32
    %add3A_72 = arith.addi %mul3A_70, %add3A_71 : i32
    %multiple_of3A_73 = tpu.assume_multiple %add3A_72, 8 : i32
    "tpu.region"() ({
      %run_scoped3A = tpu.sem_alloc : memref<!tpu.dma_semaphore, #tpu.memory_space<semaphore_mem>>
      %dma_start3A_241 = arith.constant 0 : i32
      %dma_start3A_242 = tpu.memref_slice %arg6[%multiple_of3A_73, %dma_start3A_241] : memref<100096x16xf32, #tpu.memory_space<vmem_shared>> -> memref<512x16xf32, #tpu.memory_space<vmem_shared>>
      %dma_start3A_243 = arith.constant 0 : i32
      %dma_start3A_244 = tpu.memref_slice %arg6[%multiple_of3A_73, %dma_start3A_243] : memref<100096x16xf32, #tpu.memory_space<vmem_shared>> -> memref<512x16xf32, #tpu.memory_space<vmem_shared>>
      tpu.enqueue_dma source(%arg10 : memref<512x16xf32, #tpu.memory_space<vmem>>) target(%dma_start3A_244 : memref<512x16xf32, #tpu.memory_space<vmem_shared>>) target_semaphore(%run_scoped3A : memref<!tpu.dma_semaphore, #tpu.memory_space<semaphore_mem>>)
      %dma_wait3A_245 = arith.constant 0 : i32
      %dma_wait3A_246 = tpu.memref_slice %arg6[%multiple_of3A_73, %dma_wait3A_245] : memref<100096x16xf32, #tpu.memory_space<vmem_shared>> -> memref<512x16xf32, #tpu.memory_space<vmem_shared>>
      %dma_wait3A_247 = arith.constant 0 : i32
      %dma_wait3A_248 = tpu.memref_slice %arg6[%multiple_of3A_73, %dma_wait3A_247] : memref<100096x16xf32, #tpu.memory_space<vmem_shared>> -> memref<512x16xf32, #tpu.memory_space<vmem_shared>>
      tpu.wait_dma2 semaphore(%run_scoped3A : memref<!tpu.dma_semaphore, #tpu.memory_space<semaphore_mem>>) src(%arg10 : memref<512x16xf32, #tpu.memory_space<vmem>>) dst(%dma_wait3A_248 : memref<512x16xf32, #tpu.memory_space<vmem_shared>>)
      tpu.yield
    }) : () -> ()
    %mul3A_74 = arith.constant 6256 : i32
    %mul3A_75 = arith.muli %arg1, %mul3A_74 : i32
    %add3A_76 = arith.constant 4096 : i32
    %add3A_77 = arith.addi %mul3A_75, %add3A_76 : i32
    %multiple_of3A_78 = tpu.assume_multiple %add3A_77, 8 : i32
    "tpu.region"() ({
      %run_scoped3A = tpu.sem_alloc : memref<!tpu.dma_semaphore, #tpu.memory_space<semaphore_mem>>
      %dma_start3A_241 = arith.constant 0 : i32
      %dma_start3A_242 = tpu.memref_slice %arg6[%multiple_of3A_78, %dma_start3A_241] : memref<100096x16xf32, #tpu.memory_space<vmem_shared>> -> memref<512x16xf32, #tpu.memory_space<vmem_shared>>
      %dma_start3A_243 = arith.constant 0 : i32
      %dma_start3A_244 = tpu.memref_slice %arg6[%multiple_of3A_78, %dma_start3A_243] : memref<100096x16xf32, #tpu.memory_space<vmem_shared>> -> memref<512x16xf32, #tpu.memory_space<vmem_shared>>
      tpu.enqueue_dma source(%arg10 : memref<512x16xf32, #tpu.memory_space<vmem>>) target(%dma_start3A_244 : memref<512x16xf32, #tpu.memory_space<vmem_shared>>) target_semaphore(%run_scoped3A : memref<!tpu.dma_semaphore, #tpu.memory_space<semaphore_mem>>)
      %dma_wait3A_245 = arith.constant 0 : i32
      %dma_wait3A_246 = tpu.memref_slice %arg6[%multiple_of3A_78, %dma_wait3A_245] : memref<100096x16xf32, #tpu.memory_space<vmem_shared>> -> memref<512x16xf32, #tpu.memory_space<vmem_shared>>
      %dma_wait3A_247 = arith.constant 0 : i32
      %dma_wait3A_248 = tpu.memref_slice %arg6[%multiple_of3A_78, %dma_wait3A_247] : memref<100096x16xf32, #tpu.memory_space<vmem_shared>> -> memref<512x16xf32, #tpu.memory_space<vmem_shared>>
      tpu.wait_dma2 semaphore(%run_scoped3A : memref<!tpu.dma_semaphore, #tpu.memory_space<semaphore_mem>>) src(%arg10 : memref<512x16xf32, #tpu.memory_space<vmem>>) dst(%dma_wait3A_248 : memref<512x16xf32, #tpu.memory_space<vmem_shared>>)
      tpu.yield
    }) : () -> ()
    %mul3A_79 = arith.constant 6256 : i32
    %mul3A_80 = arith.muli %arg1, %mul3A_79 : i32
    %add3A_81 = arith.constant 4608 : i32
    %add3A_82 = arith.addi %mul3A_80, %add3A_81 : i32
    %multiple_of3A_83 = tpu.assume_multiple %add3A_82, 8 : i32
    "tpu.region"() ({
      %run_scoped3A = tpu.sem_alloc : memref<!tpu.dma_semaphore, #tpu.memory_space<semaphore_mem>>
      %dma_start3A_241 = arith.constant 0 : i32
      %dma_start3A_242 = tpu.memref_slice %arg6[%multiple_of3A_83, %dma_start3A_241] : memref<100096x16xf32, #tpu.memory_space<vmem_shared>> -> memref<512x16xf32, #tpu.memory_space<vmem_shared>>
      %dma_start3A_243 = arith.constant 0 : i32
      %dma_start3A_244 = tpu.memref_slice %arg6[%multiple_of3A_83, %dma_start3A_243] : memref<100096x16xf32, #tpu.memory_space<vmem_shared>> -> memref<512x16xf32, #tpu.memory_space<vmem_shared>>
      tpu.enqueue_dma source(%arg10 : memref<512x16xf32, #tpu.memory_space<vmem>>) target(%dma_start3A_244 : memref<512x16xf32, #tpu.memory_space<vmem_shared>>) target_semaphore(%run_scoped3A : memref<!tpu.dma_semaphore, #tpu.memory_space<semaphore_mem>>)
      %dma_wait3A_245 = arith.constant 0 : i32
      %dma_wait3A_246 = tpu.memref_slice %arg6[%multiple_of3A_83, %dma_wait3A_245] : memref<100096x16xf32, #tpu.memory_space<vmem_shared>> -> memref<512x16xf32, #tpu.memory_space<vmem_shared>>
      %dma_wait3A_247 = arith.constant 0 : i32
      %dma_wait3A_248 = tpu.memref_slice %arg6[%multiple_of3A_83, %dma_wait3A_247] : memref<100096x16xf32, #tpu.memory_space<vmem_shared>> -> memref<512x16xf32, #tpu.memory_space<vmem_shared>>
      tpu.wait_dma2 semaphore(%run_scoped3A : memref<!tpu.dma_semaphore, #tpu.memory_space<semaphore_mem>>) src(%arg10 : memref<512x16xf32, #tpu.memory_space<vmem>>) dst(%dma_wait3A_248 : memref<512x16xf32, #tpu.memory_space<vmem_shared>>)
      tpu.yield
    }) : () -> ()
    %mul3A_84 = arith.constant 6256 : i32
    %mul3A_85 = arith.muli %arg1, %mul3A_84 : i32
    %add3A_86 = arith.constant 5120 : i32
    %add3A_87 = arith.addi %mul3A_85, %add3A_86 : i32
    %multiple_of3A_88 = tpu.assume_multiple %add3A_87, 8 : i32
    "tpu.region"() ({
      %run_scoped3A = tpu.sem_alloc : memref<!tpu.dma_semaphore, #tpu.memory_space<semaphore_mem>>
      %dma_start3A_241 = arith.constant 0 : i32
      %dma_start3A_242 = tpu.memref_slice %arg6[%multiple_of3A_88, %dma_start3A_241] : memref<100096x16xf32, #tpu.memory_space<vmem_shared>> -> memref<512x16xf32, #tpu.memory_space<vmem_shared>>
      %dma_start3A_243 = arith.constant 0 : i32
      %dma_start3A_244 = tpu.memref_slice %arg6[%multiple_of3A_88, %dma_start3A_243] : memref<100096x16xf32, #tpu.memory_space<vmem_shared>> -> memref<512x16xf32, #tpu.memory_space<vmem_shared>>
      tpu.enqueue_dma source(%arg10 : memref<512x16xf32, #tpu.memory_space<vmem>>) target(%dma_start3A_244 : memref<512x16xf32, #tpu.memory_space<vmem_shared>>) target_semaphore(%run_scoped3A : memref<!tpu.dma_semaphore, #tpu.memory_space<semaphore_mem>>)
      %dma_wait3A_245 = arith.constant 0 : i32
      %dma_wait3A_246 = tpu.memref_slice %arg6[%multiple_of3A_88, %dma_wait3A_245] : memref<100096x16xf32, #tpu.memory_space<vmem_shared>> -> memref<512x16xf32, #tpu.memory_space<vmem_shared>>
      %dma_wait3A_247 = arith.constant 0 : i32
      %dma_wait3A_248 = tpu.memref_slice %arg6[%multiple_of3A_88, %dma_wait3A_247] : memref<100096x16xf32, #tpu.memory_space<vmem_shared>> -> memref<512x16xf32, #tpu.memory_space<vmem_shared>>
      tpu.wait_dma2 semaphore(%run_scoped3A : memref<!tpu.dma_semaphore, #tpu.memory_space<semaphore_mem>>) src(%arg10 : memref<512x16xf32, #tpu.memory_space<vmem>>) dst(%dma_wait3A_248 : memref<512x16xf32, #tpu.memory_space<vmem_shared>>)
      tpu.yield
    }) : () -> ()
    %mul3A_89 = arith.constant 6256 : i32
    %mul3A_90 = arith.muli %arg1, %mul3A_89 : i32
    %add3A_91 = arith.constant 5632 : i32
    %add3A_92 = arith.addi %mul3A_90, %add3A_91 : i32
    %multiple_of3A_93 = tpu.assume_multiple %add3A_92, 8 : i32
    "tpu.region"() ({
      %run_scoped3A = tpu.sem_alloc : memref<!tpu.dma_semaphore, #tpu.memory_space<semaphore_mem>>
      %dma_start3A_241 = arith.constant 0 : i32
      %dma_start3A_242 = tpu.memref_slice %arg6[%multiple_of3A_93, %dma_start3A_241] : memref<100096x16xf32, #tpu.memory_space<vmem_shared>> -> memref<512x16xf32, #tpu.memory_space<vmem_shared>>
      %dma_start3A_243 = arith.constant 0 : i32
      %dma_start3A_244 = tpu.memref_slice %arg6[%multiple_of3A_93, %dma_start3A_243] : memref<100096x16xf32, #tpu.memory_space<vmem_shared>> -> memref<512x16xf32, #tpu.memory_space<vmem_shared>>
      tpu.enqueue_dma source(%arg10 : memref<512x16xf32, #tpu.memory_space<vmem>>) target(%dma_start3A_244 : memref<512x16xf32, #tpu.memory_space<vmem_shared>>) target_semaphore(%run_scoped3A : memref<!tpu.dma_semaphore, #tpu.memory_space<semaphore_mem>>)
      %dma_wait3A_245 = arith.constant 0 : i32
      %dma_wait3A_246 = tpu.memref_slice %arg6[%multiple_of3A_93, %dma_wait3A_245] : memref<100096x16xf32, #tpu.memory_space<vmem_shared>> -> memref<512x16xf32, #tpu.memory_space<vmem_shared>>
      %dma_wait3A_247 = arith.constant 0 : i32
      %dma_wait3A_248 = tpu.memref_slice %arg6[%multiple_of3A_93, %dma_wait3A_247] : memref<100096x16xf32, #tpu.memory_space<vmem_shared>> -> memref<512x16xf32, #tpu.memory_space<vmem_shared>>
      tpu.wait_dma2 semaphore(%run_scoped3A : memref<!tpu.dma_semaphore, #tpu.memory_space<semaphore_mem>>) src(%arg10 : memref<512x16xf32, #tpu.memory_space<vmem>>) dst(%dma_wait3A_248 : memref<512x16xf32, #tpu.memory_space<vmem_shared>>)
      tpu.yield
    }) : () -> ()
    %mul3A_94 = arith.constant 6256 : i32
    %mul3A_95 = arith.muli %arg1, %mul3A_94 : i32
    %add3A_96 = arith.constant 6144 : i32
    %add3A_97 = arith.addi %mul3A_95, %add3A_96 : i32
    %multiple_of3A_98 = tpu.assume_multiple %add3A_97, 8 : i32
    "tpu.region"() ({
      %run_scoped3A = tpu.sem_alloc : memref<!tpu.dma_semaphore, #tpu.memory_space<semaphore_mem>>
      %dma_start3A_241 = arith.constant 0 : i32
      %dma_start3A_242 = arith.constant 0 : i32
      %dma_start3A_243 = tpu.memref_slice %arg10[%dma_start3A_241, %dma_start3A_242] : memref<512x16xf32, #tpu.memory_space<vmem>> -> memref<112x16xf32, #tpu.memory_space<vmem>>
      %dma_start3A_244 = arith.constant 0 : i32
      %dma_start3A_245 = tpu.memref_slice %arg6[%multiple_of3A_98, %dma_start3A_244] : memref<100096x16xf32, #tpu.memory_space<vmem_shared>> -> memref<112x16xf32, #tpu.memory_space<vmem_shared>>
      %dma_start3A_246 = arith.constant 0 : i32
      %dma_start3A_247 = tpu.memref_slice %arg6[%multiple_of3A_98, %dma_start3A_246] : memref<100096x16xf32, #tpu.memory_space<vmem_shared>> -> memref<112x16xf32, #tpu.memory_space<vmem_shared>>
      %dma_start3A_248 = arith.constant 0 : i32
      %dma_start3A_249 = arith.constant 0 : i32
      %dma_start3A_250 = tpu.memref_slice %arg10[%dma_start3A_248, %dma_start3A_249] : memref<512x16xf32, #tpu.memory_space<vmem>> -> memref<112x16xf32, #tpu.memory_space<vmem>>
      tpu.enqueue_dma source(%dma_start3A_250 : memref<112x16xf32, #tpu.memory_space<vmem>>) target(%dma_start3A_247 : memref<112x16xf32, #tpu.memory_space<vmem_shared>>) target_semaphore(%run_scoped3A : memref<!tpu.dma_semaphore, #tpu.memory_space<semaphore_mem>>)
      %dma_wait3A_251 = arith.constant 0 : i32
      %dma_wait3A_252 = arith.constant 0 : i32
      %dma_wait3A_253 = tpu.memref_slice %arg10[%dma_wait3A_251, %dma_wait3A_252] : memref<512x16xf32, #tpu.memory_space<vmem>> -> memref<112x16xf32, #tpu.memory_space<vmem>>
      %dma_wait3A_254 = arith.constant 0 : i32
      %dma_wait3A_255 = tpu.memref_slice %arg6[%multiple_of3A_98, %dma_wait3A_254] : memref<100096x16xf32, #tpu.memory_space<vmem_shared>> -> memref<112x16xf32, #tpu.memory_space<vmem_shared>>
      %dma_wait3A_256 = arith.constant 0 : i32
      %dma_wait3A_257 = tpu.memref_slice %arg6[%multiple_of3A_98, %dma_wait3A_256] : memref<100096x16xf32, #tpu.memory_space<vmem_shared>> -> memref<112x16xf32, #tpu.memory_space<vmem_shared>>
      %dma_wait3A_258 = arith.constant 0 : i32
      %dma_wait3A_259 = arith.constant 0 : i32
      %dma_wait3A_260 = tpu.memref_slice %arg10[%dma_wait3A_258, %dma_wait3A_259] : memref<512x16xf32, #tpu.memory_space<vmem>> -> memref<112x16xf32, #tpu.memory_space<vmem>>
      tpu.wait_dma2 semaphore(%run_scoped3A : memref<!tpu.dma_semaphore, #tpu.memory_space<semaphore_mem>>) src(%dma_wait3A_260 : memref<112x16xf32, #tpu.memory_space<vmem>>) dst(%dma_wait3A_257 : memref<112x16xf32, #tpu.memory_space<vmem_shared>>)
      tpu.yield
    }) : () -> ()
    %barrier3A = arith.constant 0 : index
    tpu.barrier barrier_id(%barrier3A)
    %add3A_99 = arith.constant 0 : i32
    %add3A_100 = arith.addi %select_n3A_29, %add3A_99 : i32
    %dma_start3A = arith.constant 0 : i32
    %dma_start3A_101 = arith.constant 0 : i32
    %dma_start3A_102 = arith.constant 0 : i32
    %dma_start3A_103 = tpu.memref_slice %arg7[%dma_start3A, %dma_start3A_101, %dma_start3A_102] : memref<2x1x512xi32, #tpu.memory_space<vmem>> -> memref<1x1x512xi32, #tpu.memory_space<vmem>>
    %dma_start3A_104 = tpu.memref_squeeze %dma_start3A_103 : memref<1x1x512xi32, #tpu.memory_space<vmem>> -> memref<1x512xi32, #tpu.memory_space<vmem>>
    %dma_start3A_105 = arith.constant 0 : i32
    %dma_start3A_106 = tpu.memref_slice %arg3[%add3A_100, %dma_start3A_105] : memref<6250x512xi32, #tpu.memory_space<hbm>> -> memref<1x512xi32, #tpu.memory_space<hbm>>
    %dma_start3A_107 = arith.constant 0 : i32
    %dma_start3A_108 = arith.constant 0 : i32
    %dma_start3A_109 = tpu.memref_slice %arg7[%dma_start3A, %dma_start3A_107, %dma_start3A_108] : memref<2x1x512xi32, #tpu.memory_space<vmem>> -> memref<1x1x512xi32, #tpu.memory_space<vmem>>
    %dma_start3A_110 = tpu.memref_squeeze %dma_start3A_109 : memref<1x1x512xi32, #tpu.memory_space<vmem>> -> memref<1x512xi32, #tpu.memory_space<vmem>>
    %dma_start3A_111 = arith.constant 0 : i32
    %dma_start3A_112 = tpu.memref_slice %arg3[%add3A_100, %dma_start3A_111] : memref<6250x512xi32, #tpu.memory_space<hbm>> -> memref<1x512xi32, #tpu.memory_space<hbm>>
    tpu.enqueue_dma source(%dma_start3A_112 : memref<1x512xi32, #tpu.memory_space<hbm>>) target(%dma_start3A_110 : memref<1x512xi32, #tpu.memory_space<vmem>>) target_semaphore(%arg15 : memref<!tpu.dma_semaphore, #tpu.memory_space<semaphore_mem>>)
    %dma_start3A_113 = arith.constant 0 : i32
    %dma_start3A_114 = arith.constant 0 : i32
    %dma_start3A_115 = arith.constant 0 : i32
    %dma_start3A_116 = tpu.memref_slice %arg8[%dma_start3A_113, %dma_start3A_114, %dma_start3A_115] : memref<2x1x512xi32, #tpu.memory_space<vmem>> -> memref<1x1x512xi32, #tpu.memory_space<vmem>>
    %dma_start3A_117 = tpu.memref_squeeze %dma_start3A_116 : memref<1x1x512xi32, #tpu.memory_space<vmem>> -> memref<1x512xi32, #tpu.memory_space<vmem>>
    %dma_start3A_118 = arith.constant 0 : i32
    %dma_start3A_119 = tpu.memref_slice %arg4[%add3A_100, %dma_start3A_118] : memref<6250x512xi32, #tpu.memory_space<hbm>> -> memref<1x512xi32, #tpu.memory_space<hbm>>
    %dma_start3A_120 = arith.constant 0 : i32
    %dma_start3A_121 = arith.constant 0 : i32
    %dma_start3A_122 = tpu.memref_slice %arg8[%dma_start3A_113, %dma_start3A_120, %dma_start3A_121] : memref<2x1x512xi32, #tpu.memory_space<vmem>> -> memref<1x1x512xi32, #tpu.memory_space<vmem>>
    %dma_start3A_123 = tpu.memref_squeeze %dma_start3A_122 : memref<1x1x512xi32, #tpu.memory_space<vmem>> -> memref<1x512xi32, #tpu.memory_space<vmem>>
    %dma_start3A_124 = arith.constant 0 : i32
    %dma_start3A_125 = tpu.memref_slice %arg4[%add3A_100, %dma_start3A_124] : memref<6250x512xi32, #tpu.memory_space<hbm>> -> memref<1x512xi32, #tpu.memory_space<hbm>>
    tpu.enqueue_dma source(%dma_start3A_125 : memref<1x512xi32, #tpu.memory_space<hbm>>) target(%dma_start3A_123 : memref<1x512xi32, #tpu.memory_space<vmem>>) target_semaphore(%arg15 : memref<!tpu.dma_semaphore, #tpu.memory_space<semaphore_mem>>)
    %dma_wait3A = arith.constant 0 : i32
    %dma_wait3A_126 = arith.constant 0 : i32
    %dma_wait3A_127 = arith.constant 0 : i32
    %dma_wait3A_128 = tpu.memref_slice %arg7[%dma_wait3A, %dma_wait3A_126, %dma_wait3A_127] : memref<2x1x512xi32, #tpu.memory_space<vmem>> -> memref<1x1x512xi32, #tpu.memory_space<vmem>>
    %dma_wait3A_129 = tpu.memref_squeeze %dma_wait3A_128 : memref<1x1x512xi32, #tpu.memory_space<vmem>> -> memref<1x512xi32, #tpu.memory_space<vmem>>
    %dma_wait3A_130 = arith.constant 0 : i32
    %dma_wait3A_131 = arith.constant 0 : i32
    %dma_wait3A_132 = tpu.memref_slice %arg3[%dma_wait3A_130, %dma_wait3A_131] : memref<6250x512xi32, #tpu.memory_space<hbm>> -> memref<1x512xi32, #tpu.memory_space<hbm>>
    %dma_wait3A_133 = arith.constant 0 : i32
    %dma_wait3A_134 = arith.constant 0 : i32
    %dma_wait3A_135 = tpu.memref_slice %arg7[%dma_wait3A, %dma_wait3A_133, %dma_wait3A_134] : memref<2x1x512xi32, #tpu.memory_space<vmem>> -> memref<1x1x512xi32, #tpu.memory_space<vmem>>
    %dma_wait3A_136 = tpu.memref_squeeze %dma_wait3A_135 : memref<1x1x512xi32, #tpu.memory_space<vmem>> -> memref<1x512xi32, #tpu.memory_space<vmem>>
    %dma_wait3A_137 = arith.constant 0 : i32
    %dma_wait3A_138 = arith.constant 0 : i32
    %dma_wait3A_139 = tpu.memref_slice %arg3[%dma_wait3A_137, %dma_wait3A_138] : memref<6250x512xi32, #tpu.memory_space<hbm>> -> memref<1x512xi32, #tpu.memory_space<hbm>>
    tpu.wait_dma2 semaphore(%arg15 : memref<!tpu.dma_semaphore, #tpu.memory_space<semaphore_mem>>) src(%dma_wait3A_139 : memref<1x512xi32, #tpu.memory_space<hbm>>) dst(%dma_wait3A_136 : memref<1x512xi32, #tpu.memory_space<vmem>>)
    %dma_wait3A_140 = arith.constant 0 : i32
    %dma_wait3A_141 = arith.constant 0 : i32
    %dma_wait3A_142 = arith.constant 0 : i32
    %dma_wait3A_143 = tpu.memref_slice %arg8[%dma_wait3A_140, %dma_wait3A_141, %dma_wait3A_142] : memref<2x1x512xi32, #tpu.memory_space<vmem>> -> memref<1x1x512xi32, #tpu.memory_space<vmem>>
    %dma_wait3A_144 = tpu.memref_squeeze %dma_wait3A_143 : memref<1x1x512xi32, #tpu.memory_space<vmem>> -> memref<1x512xi32, #tpu.memory_space<vmem>>
    %dma_wait3A_145 = arith.constant 0 : i32
    %dma_wait3A_146 = arith.constant 0 : i32
    %dma_wait3A_147 = tpu.memref_slice %arg4[%dma_wait3A_145, %dma_wait3A_146] : memref<6250x512xi32, #tpu.memory_space<hbm>> -> memref<1x512xi32, #tpu.memory_space<hbm>>
    %dma_wait3A_148 = arith.constant 0 : i32
    %dma_wait3A_149 = arith.constant 0 : i32
    %dma_wait3A_150 = tpu.memref_slice %arg8[%dma_wait3A_140, %dma_wait3A_148, %dma_wait3A_149] : memref<2x1x512xi32, #tpu.memory_space<vmem>> -> memref<1x1x512xi32, #tpu.memory_space<vmem>>
    %dma_wait3A_151 = tpu.memref_squeeze %dma_wait3A_150 : memref<1x1x512xi32, #tpu.memory_space<vmem>> -> memref<1x512xi32, #tpu.memory_space<vmem>>
    %dma_wait3A_152 = arith.constant 0 : i32
    %dma_wait3A_153 = arith.constant 0 : i32
    %dma_wait3A_154 = tpu.memref_slice %arg4[%dma_wait3A_152, %dma_wait3A_153] : memref<6250x512xi32, #tpu.memory_space<hbm>> -> memref<1x512xi32, #tpu.memory_space<hbm>>
    tpu.wait_dma2 semaphore(%arg15 : memref<!tpu.dma_semaphore, #tpu.memory_space<semaphore_mem>>) src(%dma_wait3A_154 : memref<1x512xi32, #tpu.memory_space<hbm>>) dst(%dma_wait3A_151 : memref<1x512xi32, #tpu.memory_space<vmem>>)
    %dma_start3A_155 = arith.constant 0 : i32
    %dma_start3A_156 = arith.constant 0 : i32
    %dma_start3A_157 = arith.constant 0 : i32
    %dma_start3A_158 = arith.constant 0 : i32
    %dma_start3A_159 = arith.constant 0 : i32
    %dma_start3A_160 = tpu.memref_slice %arg9[%dma_start3A_157, %dma_start3A_158, %dma_start3A_159] : memref<2x512x16xf32, #tpu.memory_space<vmem>> -> memref<1x512x16xf32, #tpu.memory_space<vmem>>
    %dma_start3A_161 = tpu.memref_squeeze %dma_start3A_160 : memref<1x512x16xf32, #tpu.memory_space<vmem>> -> memref<512x16xf32, #tpu.memory_space<vmem>>
    %dma_start3A_162 = arith.constant 0 : i32
    %dma_start3A_163 = tpu.memref_slice %arg7[%dma_start3A_155, %dma_start3A_156, %dma_start3A_162] : memref<2x1x512xi32, #tpu.memory_space<vmem>> -> memref<1x1x512xi32, #tpu.memory_space<vmem>>
    %dma_start3A_164 = tpu.memref_squeeze %dma_start3A_163 : memref<1x1x512xi32, #tpu.memory_space<vmem>> -> memref<512xi32, #tpu.memory_space<vmem>>
    %dma_start3A_165 = arith.constant 0 : i32
    %dma_start3A_166 = arith.constant 0 : i32
    %dma_start3A_167 = tpu.memref_slice %arg2[%dma_start3A_165, %dma_start3A_166] : memref<100000x16xf32, #tpu.memory_space<hbm>> -> memref<100000x16xf32, #tpu.memory_space<hbm>>
    tpu.enqueue_indirect_dma source(%dma_start3A_167 : memref<100000x16xf32, #tpu.memory_space<hbm>>) target(%dma_start3A_161 : memref<512x16xf32, #tpu.memory_space<vmem>>) offsets(%dma_start3A_164 : memref<512xi32, #tpu.memory_space<vmem>>) semaphore(%arg11 : memref<!tpu.dma_semaphore, #tpu.memory_space<semaphore_mem>>)
    %add3A_168 = arith.constant 1 : i32
    %add3A_169 = arith.addi %select_n3A_29, %add3A_168 : i32
    %dma_start3A_170 = arith.constant 1 : i32
    %dma_start3A_171 = arith.constant 0 : i32
    %dma_start3A_172 = arith.constant 0 : i32
    %dma_start3A_173 = tpu.memref_slice %arg7[%dma_start3A_170, %dma_start3A_171, %dma_start3A_172] : memref<2x1x512xi32, #tpu.memory_space<vmem>> -> memref<1x1x512xi32, #tpu.memory_space<vmem>>
    %dma_start3A_174 = tpu.memref_squeeze %dma_start3A_173 : memref<1x1x512xi32, #tpu.memory_space<vmem>> -> memref<1x512xi32, #tpu.memory_space<vmem>>
    %dma_start3A_175 = arith.constant 0 : i32
    %dma_start3A_176 = tpu.memref_slice %arg3[%add3A_169, %dma_start3A_175] : memref<6250x512xi32, #tpu.memory_space<hbm>> -> memref<1x512xi32, #tpu.memory_space<hbm>>
    %dma_start3A_177 = arith.constant 0 : i32
    %dma_start3A_178 = arith.constant 0 : i32
    %dma_start3A_179 = tpu.memref_slice %arg7[%dma_start3A_170, %dma_start3A_177, %dma_start3A_178] : memref<2x1x512xi32, #tpu.memory_space<vmem>> -> memref<1x1x512xi32, #tpu.memory_space<vmem>>
    %dma_start3A_180 = tpu.memref_squeeze %dma_start3A_179 : memref<1x1x512xi32, #tpu.memory_space<vmem>> -> memref<1x512xi32, #tpu.memory_space<vmem>>
    %dma_start3A_181 = arith.constant 0 : i32
    %dma_start3A_182 = tpu.memref_slice %arg3[%add3A_169, %dma_start3A_181] : memref<6250x512xi32, #tpu.memory_space<hbm>> -> memref<1x512xi32, #tpu.memory_space<hbm>>
    tpu.enqueue_dma source(%dma_start3A_182 : memref<1x512xi32, #tpu.memory_space<hbm>>) target(%dma_start3A_180 : memref<1x512xi32, #tpu.memory_space<vmem>>) target_semaphore(%arg16 : memref<!tpu.dma_semaphore, #tpu.memory_space<semaphore_mem>>)
    %dma_start3A_183 = arith.constant 1 : i32
    %dma_start3A_184 = arith.constant 0 : i32
    %dma_start3A_185 = arith.constant 0 : i32
    %dma_start3A_186 = tpu.memref_slice %arg8[%dma_start3A_183, %dma_start3A_184, %dma_start3A_185] : memref<2x1x512xi32, #tpu.memory_space<vmem>> -> memref<1x1x512xi32, #tpu.memory_space<vmem>>
    %dma_start3A_187 = tpu.memref_squeeze %dma_start3A_186 : memref<1x1x512xi32, #tpu.memory_space<vmem>> -> memref<1x512xi32, #tpu.memory_space<vmem>>
    %dma_start3A_188 = arith.constant 0 : i32
    %dma_start3A_189 = tpu.memref_slice %arg4[%add3A_169, %dma_start3A_188] : memref<6250x512xi32, #tpu.memory_space<hbm>> -> memref<1x512xi32, #tpu.memory_space<hbm>>
    %dma_start3A_190 = arith.constant 0 : i32
    %dma_start3A_191 = arith.constant 0 : i32
    %dma_start3A_192 = tpu.memref_slice %arg8[%dma_start3A_183, %dma_start3A_190, %dma_start3A_191] : memref<2x1x512xi32, #tpu.memory_space<vmem>> -> memref<1x1x512xi32, #tpu.memory_space<vmem>>
    %dma_start3A_193 = tpu.memref_squeeze %dma_start3A_192 : memref<1x1x512xi32, #tpu.memory_space<vmem>> -> memref<1x512xi32, #tpu.memory_space<vmem>>
    %dma_start3A_194 = arith.constant 0 : i32
    %dma_start3A_195 = tpu.memref_slice %arg4[%add3A_169, %dma_start3A_194] : memref<6250x512xi32, #tpu.memory_space<hbm>> -> memref<1x512xi32, #tpu.memory_space<hbm>>
    tpu.enqueue_dma source(%dma_start3A_195 : memref<1x512xi32, #tpu.memory_space<hbm>>) target(%dma_start3A_193 : memref<1x512xi32, #tpu.memory_space<vmem>>) target_semaphore(%arg16 : memref<!tpu.dma_semaphore, #tpu.memory_space<semaphore_mem>>)
    %jit3A_196 = arith.constant 2 : i32
    %div3A_197 = arith.divsi %select_n3A_22, %jit3A_196 : i32
    %sign3A_198 = arith.constant 0 : i32
    %sign3A_199 = arith.cmpi sgt, %select_n3A_22, %sign3A_198 : i32
    %sign3A_200 = arith.extui %sign3A_199 : i1 to i32
    %sign3A_201 = arith.constant 0 : i32
    %sign3A_202 = arith.cmpi slt, %select_n3A_22, %sign3A_201 : i32
    %sign3A_203 = arith.extui %sign3A_202 : i1 to i32
    %sign3A_204 = arith.subi %sign3A_200, %sign3A_203 : i32
    %sign3A_205 = arith.constant 0 : i32
    %sign3A_206 = arith.cmpi sgt, %jit3A_196, %sign3A_205 : i32
    %sign3A_207 = arith.extui %sign3A_206 : i1 to i32
    %sign3A_208 = arith.constant 0 : i32
    %sign3A_209 = arith.cmpi slt, %jit3A_196, %sign3A_208 : i32
    %sign3A_210 = arith.extui %sign3A_209 : i1 to i32
    %sign3A_211 = arith.subi %sign3A_207, %sign3A_210 : i32
    %ne3A_212 = arith.cmpi ne, %sign3A_204, %sign3A_211 : i32
    %rem3A_213 = arith.remsi %select_n3A_22, %jit3A_196 : i32
    %ne3A_214 = arith.constant 0 : i32
    %ne3A_215 = arith.cmpi ne, %rem3A_213, %ne3A_214 : i32
    %and3A_216 = arith.andi %ne3A_212, %ne3A_215 : i1
    %sub3A_217 = arith.constant 1 : i32
    %sub3A_218 = arith.subi %div3A_197, %sub3A_217 : i32
    %select_n3A_219 = arith.select %and3A_216, %sub3A_218, %div3A_197 : i32
    %while3A = arith.constant 0 : i32
    %while3A_220 = arith.constant 0 : i32
    %while3A_221 = arith.subi %select_n3A_219, %while3A_220 : i32
    %while3A_222 = arith.addi %while3A_220, %while3A_221 : i32
    %while3A_223 = arith.constant 1 : i32
    %while3A_224 = arith.divsi %while3A_221, %while3A_223 : i32
    %while3A_225 = arith.muli %while3A_224, %while3A_223 : i32
    %while3A_226 = arith.addi %while3A_220, %while3A_225 : i32
    %while3A_227 = arith.constant 1 : i32
    scf.for %while3A_241 = %while3A_220 to %while3A_226 step %while3A_227  : i32 {
      %mul3A_242 = arith.constant 2 : i32
      %mul3A_243 = arith.muli %while3A_241, %mul3A_242 : i32
      %add3A_244 = arith.constant 0 : i32
      %add3A_245 = arith.addi %mul3A_243, %add3A_244 : i32
      %dma_wait3A_246 = arith.constant 0 : i32
      %dma_wait3A_247 = arith.constant 0 : i32
      %dma_wait3A_248 = arith.constant 0 : i32
      %dma_wait3A_249 = arith.constant 0 : i32
      %dma_wait3A_250 = arith.constant 0 : i32
      %dma_wait3A_251 = tpu.memref_slice %arg9[%dma_wait3A_248, %dma_wait3A_249, %dma_wait3A_250] : memref<2x512x16xf32, #tpu.memory_space<vmem>> -> memref<1x512x16xf32, #tpu.memory_space<vmem>>
      %dma_wait3A_252 = tpu.memref_squeeze %dma_wait3A_251 : memref<1x512x16xf32, #tpu.memory_space<vmem>> -> memref<512x16xf32, #tpu.memory_space<vmem>>
      %dma_wait3A_253 = arith.constant 0 : i32
      %dma_wait3A_254 = tpu.memref_slice %arg7[%dma_wait3A_246, %dma_wait3A_247, %dma_wait3A_253] : memref<2x1x512xi32, #tpu.memory_space<vmem>> -> memref<1x1x512xi32, #tpu.memory_space<vmem>>
      %dma_wait3A_255 = tpu.memref_squeeze %dma_wait3A_254 : memref<1x1x512xi32, #tpu.memory_space<vmem>> -> memref<512xi32, #tpu.memory_space<vmem>>
      %dma_wait3A_256 = arith.constant 0 : i32
      %dma_wait3A_257 = arith.constant 0 : i32
      %dma_wait3A_258 = tpu.memref_slice %arg2[%dma_wait3A_256, %dma_wait3A_257] : memref<100000x16xf32, #tpu.memory_space<hbm>> -> memref<100000x16xf32, #tpu.memory_space<hbm>>
      tpu.wait_indirect_dma semaphore(%arg11 : memref<!tpu.dma_semaphore, #tpu.memory_space<semaphore_mem>>) src(%dma_wait3A_258 : memref<100000x16xf32, #tpu.memory_space<hbm>>) dst(%dma_wait3A_252 : memref<512x16xf32, #tpu.memory_space<vmem>>)
      %dma_start3A_259 = arith.constant 0 : i32
      %dma_start3A_260 = arith.constant 0 : i32
      %dma_start3A_261 = arith.constant 0 : i32
      %dma_start3A_262 = arith.constant 0 : i32
      %dma_start3A_263 = arith.constant 0 : i32
      %dma_start3A_264 = tpu.memref_slice %arg9[%dma_start3A_259, %dma_start3A_262, %dma_start3A_263] : memref<2x512x16xf32, #tpu.memory_space<vmem>> -> memref<1x512x16xf32, #tpu.memory_space<vmem>>
      %dma_start3A_265 = tpu.memref_squeeze %dma_start3A_264 : memref<1x512x16xf32, #tpu.memory_space<vmem>> -> memref<512x16xf32, #tpu.memory_space<vmem>>
      %dma_start3A_266 = arith.constant 0 : i32
      %dma_start3A_267 = tpu.memref_slice %arg8[%dma_start3A_260, %dma_start3A_261, %dma_start3A_266] : memref<2x1x512xi32, #tpu.memory_space<vmem>> -> memref<1x1x512xi32, #tpu.memory_space<vmem>>
      %dma_start3A_268 = tpu.memref_squeeze %dma_start3A_267 : memref<1x1x512xi32, #tpu.memory_space<vmem>> -> memref<512xi32, #tpu.memory_space<vmem>>
      %dma_start3A_269 = arith.constant 0 : i32
      %dma_start3A_270 = arith.constant 0 : i32
      %dma_start3A_271 = tpu.memref_slice %arg6[%dma_start3A_269, %dma_start3A_270] : memref<100096x16xf32, #tpu.memory_space<vmem_shared>> -> memref<100096x16xf32, #tpu.memory_space<vmem_shared>>
      tpu.enqueue_indirect_dma source(%dma_start3A_265 : memref<512x16xf32, #tpu.memory_space<vmem>>) target(%dma_start3A_271 : memref<100096x16xf32, #tpu.memory_space<vmem_shared>>) offsets(%dma_start3A_268 : memref<512xi32, #tpu.memory_space<vmem>>) semaphore(%arg13 : memref<!tpu.dma_semaphore, #tpu.memory_space<semaphore_mem>>) {add = true}
      %add3A_272 = arith.constant 1 : i32
      %add3A_273 = arith.addi %add3A_245, %add3A_272 : i32
      %lt3A_274 = arith.cmpi slt, %add3A_273, %select_n3A_22 : i32
      %convert_element_type3A_275 = arith.extui %lt3A_274 : i1 to i32
      %cond3A_276 = arith.constant 0 : i32
      %cond3A_277 = arith.cmpi ne, %convert_element_type3A_275, %cond3A_276 : i32
      scf.if %cond3A_277 {
        %dma_wait3A_352 = arith.constant 1 : i32
        %dma_wait3A_353 = arith.constant 0 : i32
        %dma_wait3A_354 = arith.constant 0 : i32
        %dma_wait3A_355 = tpu.memref_slice %arg7[%dma_wait3A_352, %dma_wait3A_353, %dma_wait3A_354] : memref<2x1x512xi32, #tpu.memory_space<vmem>> -> memref<1x1x512xi32, #tpu.memory_space<vmem>>
        %dma_wait3A_356 = tpu.memref_squeeze %dma_wait3A_355 : memref<1x1x512xi32, #tpu.memory_space<vmem>> -> memref<1x512xi32, #tpu.memory_space<vmem>>
        %dma_wait3A_357 = arith.constant 0 : i32
        %dma_wait3A_358 = arith.constant 0 : i32
        %dma_wait3A_359 = tpu.memref_slice %arg3[%dma_wait3A_357, %dma_wait3A_358] : memref<6250x512xi32, #tpu.memory_space<hbm>> -> memref<1x512xi32, #tpu.memory_space<hbm>>
        %dma_wait3A_360 = arith.constant 0 : i32
        %dma_wait3A_361 = arith.constant 0 : i32
        %dma_wait3A_362 = tpu.memref_slice %arg7[%dma_wait3A_352, %dma_wait3A_360, %dma_wait3A_361] : memref<2x1x512xi32, #tpu.memory_space<vmem>> -> memref<1x1x512xi32, #tpu.memory_space<vmem>>
        %dma_wait3A_363 = tpu.memref_squeeze %dma_wait3A_362 : memref<1x1x512xi32, #tpu.memory_space<vmem>> -> memref<1x512xi32, #tpu.memory_space<vmem>>
        %dma_wait3A_364 = arith.constant 0 : i32
        %dma_wait3A_365 = arith.constant 0 : i32
        %dma_wait3A_366 = tpu.memref_slice %arg3[%dma_wait3A_364, %dma_wait3A_365] : memref<6250x512xi32, #tpu.memory_space<hbm>> -> memref<1x512xi32, #tpu.memory_space<hbm>>
        tpu.wait_dma2 semaphore(%arg16 : memref<!tpu.dma_semaphore, #tpu.memory_space<semaphore_mem>>) src(%dma_wait3A_366 : memref<1x512xi32, #tpu.memory_space<hbm>>) dst(%dma_wait3A_363 : memref<1x512xi32, #tpu.memory_space<vmem>>)
        %dma_wait3A_367 = arith.constant 1 : i32
        %dma_wait3A_368 = arith.constant 0 : i32
        %dma_wait3A_369 = arith.constant 0 : i32
        %dma_wait3A_370 = tpu.memref_slice %arg8[%dma_wait3A_367, %dma_wait3A_368, %dma_wait3A_369] : memref<2x1x512xi32, #tpu.memory_space<vmem>> -> memref<1x1x512xi32, #tpu.memory_space<vmem>>
        %dma_wait3A_371 = tpu.memref_squeeze %dma_wait3A_370 : memref<1x1x512xi32, #tpu.memory_space<vmem>> -> memref<1x512xi32, #tpu.memory_space<vmem>>
        %dma_wait3A_372 = arith.constant 0 : i32
        %dma_wait3A_373 = arith.constant 0 : i32
        %dma_wait3A_374 = tpu.memref_slice %arg4[%dma_wait3A_372, %dma_wait3A_373] : memref<6250x512xi32, #tpu.memory_space<hbm>> -> memref<1x512xi32, #tpu.memory_space<hbm>>
        %dma_wait3A_375 = arith.constant 0 : i32
        %dma_wait3A_376 = arith.constant 0 : i32
        %dma_wait3A_377 = tpu.memref_slice %arg8[%dma_wait3A_367, %dma_wait3A_375, %dma_wait3A_376] : memref<2x1x512xi32, #tpu.memory_space<vmem>> -> memref<1x1x512xi32, #tpu.memory_space<vmem>>
        %dma_wait3A_378 = tpu.memref_squeeze %dma_wait3A_377 : memref<1x1x512xi32, #tpu.memory_space<vmem>> -> memref<1x512xi32, #tpu.memory_space<vmem>>
        %dma_wait3A_379 = arith.constant 0 : i32
        %dma_wait3A_380 = arith.constant 0 : i32
        %dma_wait3A_381 = tpu.memref_slice %arg4[%dma_wait3A_379, %dma_wait3A_380] : memref<6250x512xi32, #tpu.memory_space<hbm>> -> memref<1x512xi32, #tpu.memory_space<hbm>>
        tpu.wait_dma2 semaphore(%arg16 : memref<!tpu.dma_semaphore, #tpu.memory_space<semaphore_mem>>) src(%dma_wait3A_381 : memref<1x512xi32, #tpu.memory_space<hbm>>) dst(%dma_wait3A_378 : memref<1x512xi32, #tpu.memory_space<vmem>>)
        %dma_start3A_382 = arith.constant 1 : i32
        %dma_start3A_383 = arith.constant 0 : i32
        %dma_start3A_384 = arith.constant 1 : i32
        %dma_start3A_385 = arith.constant 0 : i32
        %dma_start3A_386 = arith.constant 0 : i32
        %dma_start3A_387 = tpu.memref_slice %arg9[%dma_start3A_384, %dma_start3A_385, %dma_start3A_386] : memref<2x512x16xf32, #tpu.memory_space<vmem>> -> memref<1x512x16xf32, #tpu.memory_space<vmem>>
        %dma_start3A_388 = tpu.memref_squeeze %dma_start3A_387 : memref<1x512x16xf32, #tpu.memory_space<vmem>> -> memref<512x16xf32, #tpu.memory_space<vmem>>
        %dma_start3A_389 = arith.constant 0 : i32
        %dma_start3A_390 = tpu.memref_slice %arg7[%dma_start3A_382, %dma_start3A_383, %dma_start3A_389] : memref<2x1x512xi32, #tpu.memory_space<vmem>> -> memref<1x1x512xi32, #tpu.memory_space<vmem>>
        %dma_start3A_391 = tpu.memref_squeeze %dma_start3A_390 : memref<1x1x512xi32, #tpu.memory_space<vmem>> -> memref<512xi32, #tpu.memory_space<vmem>>
        %dma_start3A_392 = arith.constant 0 : i32
        %dma_start3A_393 = arith.constant 0 : i32
        %dma_start3A_394 = tpu.memref_slice %arg2[%dma_start3A_392, %dma_start3A_393] : memref<100000x16xf32, #tpu.memory_space<hbm>> -> memref<100000x16xf32, #tpu.memory_space<hbm>>
        tpu.enqueue_indirect_dma source(%dma_start3A_394 : memref<100000x16xf32, #tpu.memory_space<hbm>>) target(%dma_start3A_388 : memref<512x16xf32, #tpu.memory_space<vmem>>) offsets(%dma_start3A_391 : memref<512xi32, #tpu.memory_space<vmem>>) semaphore(%arg12 : memref<!tpu.dma_semaphore, #tpu.memory_space<semaphore_mem>>)
      } else {
      }
      %dma_wait3A_278 = arith.constant 0 : i32
      %dma_wait3A_279 = arith.constant 0 : i32
      %dma_wait3A_280 = arith.constant 0 : i32
      %dma_wait3A_281 = arith.constant 0 : i32
      %dma_wait3A_282 = arith.constant 0 : i32
      %dma_wait3A_283 = tpu.memref_slice %arg9[%dma_wait3A_278, %dma_wait3A_281, %dma_wait3A_282] : memref<2x512x16xf32, #tpu.memory_space<vmem>> -> memref<1x512x16xf32, #tpu.memory_space<vmem>>
      %dma_wait3A_284 = tpu.memref_squeeze %dma_wait3A_283 : memref<1x512x16xf32, #tpu.memory_space<vmem>> -> memref<512x16xf32, #tpu.memory_space<vmem>>
      %dma_wait3A_285 = arith.constant 0 : i32
      %dma_wait3A_286 = tpu.memref_slice %arg8[%dma_wait3A_279, %dma_wait3A_280, %dma_wait3A_285] : memref<2x1x512xi32, #tpu.memory_space<vmem>> -> memref<1x1x512xi32, #tpu.memory_space<vmem>>
      %dma_wait3A_287 = tpu.memref_squeeze %dma_wait3A_286 : memref<1x1x512xi32, #tpu.memory_space<vmem>> -> memref<512xi32, #tpu.memory_space<vmem>>
      %dma_wait3A_288 = arith.constant 0 : i32
      %dma_wait3A_289 = arith.constant 0 : i32
      %dma_wait3A_290 = tpu.memref_slice %arg6[%dma_wait3A_288, %dma_wait3A_289] : memref<100096x16xf32, #tpu.memory_space<vmem_shared>> -> memref<100096x16xf32, #tpu.memory_space<vmem_shared>>
      tpu.wait_indirect_dma semaphore(%arg13 : memref<!tpu.dma_semaphore, #tpu.memory_space<semaphore_mem>>) src(%dma_wait3A_284 : memref<512x16xf32, #tpu.memory_space<vmem>>) dst(%dma_wait3A_290 : memref<100096x16xf32, #tpu.memory_space<vmem_shared>>)
      %add3A_291 = arith.constant 2 : i32
      %add3A_292 = arith.addi %add3A_245, %add3A_291 : i32
      %lt3A_293 = arith.cmpi slt, %add3A_292, %select_n3A_22 : i32
      %convert_element_type3A_294 = arith.extui %lt3A_293 : i1 to i32
      %cond3A_295 = arith.constant 0 : i32
      %cond3A_296 = arith.cmpi ne, %convert_element_type3A_294, %cond3A_295 : i32
      scf.if %cond3A_296 {
        %add3A_352 = arith.constant 2 : i32
        %add3A_353 = arith.addi %add3A_245, %add3A_352 : i32
        %mul3A_354 = arith.constant 1 : i32
        %mul3A_355 = arith.muli %add3A_353, %mul3A_354 : i32
        %add3A_356 = arith.addi %select_n3A_29, %mul3A_355 : i32
        %dma_start3A_357 = arith.constant 0 : i32
        %dma_start3A_358 = arith.constant 0 : i32
        %dma_start3A_359 = arith.constant 0 : i32
        %dma_start3A_360 = tpu.memref_slice %arg7[%dma_start3A_357, %dma_start3A_358, %dma_start3A_359] : memref<2x1x512xi32, #tpu.memory_space<vmem>> -> memref<1x1x512xi32, #tpu.memory_space<vmem>>
        %dma_start3A_361 = tpu.memref_squeeze %dma_start3A_360 : memref<1x1x512xi32, #tpu.memory_space<vmem>> -> memref<1x512xi32, #tpu.memory_space<vmem>>
        %dma_start3A_362 = arith.constant 0 : i32
        %dma_start3A_363 = tpu.memref_slice %arg3[%add3A_356, %dma_start3A_362] : memref<6250x512xi32, #tpu.memory_space<hbm>> -> memref<1x512xi32, #tpu.memory_space<hbm>>
        %dma_start3A_364 = arith.constant 0 : i32
        %dma_start3A_365 = arith.constant 0 : i32
        %dma_start3A_366 = tpu.memref_slice %arg7[%dma_start3A_357, %dma_start3A_364, %dma_start3A_365] : memref<2x1x512xi32, #tpu.memory_space<vmem>> -> memref<1x1x512xi32, #tpu.memory_space<vmem>>
        %dma_start3A_367 = tpu.memref_squeeze %dma_start3A_366 : memref<1x1x512xi32, #tpu.memory_space<vmem>> -> memref<1x512xi32, #tpu.memory_space<vmem>>
        %dma_start3A_368 = arith.constant 0 : i32
        %dma_start3A_369 = tpu.memref_slice %arg3[%add3A_356, %dma_start3A_368] : memref<6250x512xi32, #tpu.memory_space<hbm>> -> memref<1x512xi32, #tpu.memory_space<hbm>>
        tpu.enqueue_dma source(%dma_start3A_369 : memref<1x512xi32, #tpu.memory_space<hbm>>) target(%dma_start3A_367 : memref<1x512xi32, #tpu.memory_space<vmem>>) target_semaphore(%arg15 : memref<!tpu.dma_semaphore, #tpu.memory_space<semaphore_mem>>)
        %dma_start3A_370 = arith.constant 0 : i32
        %dma_start3A_371 = arith.constant 0 : i32
        %dma_start3A_372 = arith.constant 0 : i32
        %dma_start3A_373 = tpu.memref_slice %arg8[%dma_start3A_370, %dma_start3A_371, %dma_start3A_372] : memref<2x1x512xi32, #tpu.memory_space<vmem>> -> memref<1x1x512xi32, #tpu.memory_space<vmem>>
        %dma_start3A_374 = tpu.memref_squeeze %dma_start3A_373 : memref<1x1x512xi32, #tpu.memory_space<vmem>> -> memref<1x512xi32, #tpu.memory_space<vmem>>
        %dma_start3A_375 = arith.constant 0 : i32
        %dma_start3A_376 = tpu.memref_slice %arg4[%add3A_356, %dma_start3A_375] : memref<6250x512xi32, #tpu.memory_space<hbm>> -> memref<1x512xi32, #tpu.memory_space<hbm>>
        %dma_start3A_377 = arith.constant 0 : i32
        %dma_start3A_378 = arith.constant 0 : i32
        %dma_start3A_379 = tpu.memref_slice %arg8[%dma_start3A_370, %dma_start3A_377, %dma_start3A_378] : memref<2x1x512xi32, #tpu.memory_space<vmem>> -> memref<1x1x512xi32, #tpu.memory_space<vmem>>
        %dma_start3A_380 = tpu.memref_squeeze %dma_start3A_379 : memref<1x1x512xi32, #tpu.memory_space<vmem>> -> memref<1x512xi32, #tpu.memory_space<vmem>>
        %dma_start3A_381 = arith.constant 0 : i32
        %dma_start3A_382 = tpu.memref_slice %arg4[%add3A_356, %dma_start3A_381] : memref<6250x512xi32, #tpu.memory_space<hbm>> -> memref<1x512xi32, #tpu.memory_space<hbm>>
        tpu.enqueue_dma source(%dma_start3A_382 : memref<1x512xi32, #tpu.memory_space<hbm>>) target(%dma_start3A_380 : memref<1x512xi32, #tpu.memory_space<vmem>>) target_semaphore(%arg15 : memref<!tpu.dma_semaphore, #tpu.memory_space<semaphore_mem>>)
      } else {
      }
      %mul3A_297 = arith.constant 2 : i32
      %mul3A_298 = arith.muli %while3A_241, %mul3A_297 : i32
      %add3A_299 = arith.constant 1 : i32
      %add3A_300 = arith.addi %mul3A_298, %add3A_299 : i32
      %dma_wait3A_301 = arith.constant 1 : i32
      %dma_wait3A_302 = arith.constant 0 : i32
      %dma_wait3A_303 = arith.constant 1 : i32
      %dma_wait3A_304 = arith.constant 0 : i32
      %dma_wait3A_305 = arith.constant 0 : i32
      %dma_wait3A_306 = tpu.memref_slice %arg9[%dma_wait3A_303, %dma_wait3A_304, %dma_wait3A_305] : memref<2x512x16xf32, #tpu.memory_space<vmem>> -> memref<1x512x16xf32, #tpu.memory_space<vmem>>
      %dma_wait3A_307 = tpu.memref_squeeze %dma_wait3A_306 : memref<1x512x16xf32, #tpu.memory_space<vmem>> -> memref<512x16xf32, #tpu.memory_space<vmem>>
      %dma_wait3A_308 = arith.constant 0 : i32
      %dma_wait3A_309 = tpu.memref_slice %arg7[%dma_wait3A_301, %dma_wait3A_302, %dma_wait3A_308] : memref<2x1x512xi32, #tpu.memory_space<vmem>> -> memref<1x1x512xi32, #tpu.memory_space<vmem>>
      %dma_wait3A_310 = tpu.memref_squeeze %dma_wait3A_309 : memref<1x1x512xi32, #tpu.memory_space<vmem>> -> memref<512xi32, #tpu.memory_space<vmem>>
      %dma_wait3A_311 = arith.constant 0 : i32
      %dma_wait3A_312 = arith.constant 0 : i32
      %dma_wait3A_313 = tpu.memref_slice %arg2[%dma_wait3A_311, %dma_wait3A_312] : memref<100000x16xf32, #tpu.memory_space<hbm>> -> memref<100000x16xf32, #tpu.memory_space<hbm>>
      tpu.wait_indirect_dma semaphore(%arg12 : memref<!tpu.dma_semaphore, #tpu.memory_space<semaphore_mem>>) src(%dma_wait3A_313 : memref<100000x16xf32, #tpu.memory_space<hbm>>) dst(%dma_wait3A_307 : memref<512x16xf32, #tpu.memory_space<vmem>>)
      %dma_start3A_314 = arith.constant 1 : i32
      %dma_start3A_315 = arith.constant 1 : i32
      %dma_start3A_316 = arith.constant 0 : i32
      %dma_start3A_317 = arith.constant 0 : i32
      %dma_start3A_318 = arith.constant 0 : i32
      %dma_start3A_319 = tpu.memref_slice %arg9[%dma_start3A_314, %dma_start3A_317, %dma_start3A_318] : memref<2x512x16xf32, #tpu.memory_space<vmem>> -> memref<1x512x16xf32, #tpu.memory_space<vmem>>
      %dma_start3A_320 = tpu.memref_squeeze %dma_start3A_319 : memref<1x512x16xf32, #tpu.memory_space<vmem>> -> memref<512x16xf32, #tpu.memory_space<vmem>>
      %dma_start3A_321 = arith.constant 0 : i32
      %dma_start3A_322 = tpu.memref_slice %arg8[%dma_start3A_315, %dma_start3A_316, %dma_start3A_321] : memref<2x1x512xi32, #tpu.memory_space<vmem>> -> memref<1x1x512xi32, #tpu.memory_space<vmem>>
      %dma_start3A_323 = tpu.memref_squeeze %dma_start3A_322 : memref<1x1x512xi32, #tpu.memory_space<vmem>> -> memref<512xi32, #tpu.memory_space<vmem>>
      %dma_start3A_324 = arith.constant 0 : i32
      %dma_start3A_325 = arith.constant 0 : i32
      %dma_start3A_326 = tpu.memref_slice %arg6[%dma_start3A_324, %dma_start3A_325] : memref<100096x16xf32, #tpu.memory_space<vmem_shared>> -> memref<100096x16xf32, #tpu.memory_space<vmem_shared>>
      tpu.enqueue_indirect_dma source(%dma_start3A_320 : memref<512x16xf32, #tpu.memory_space<vmem>>) target(%dma_start3A_326 : memref<100096x16xf32, #tpu.memory_space<vmem_shared>>) offsets(%dma_start3A_323 : memref<512xi32, #tpu.memory_space<vmem>>) semaphore(%arg14 : memref<!tpu.dma_semaphore, #tpu.memory_space<semaphore_mem>>) {add = true}
      %add3A_327 = arith.constant 1 : i32
      %add3A_328 = arith.addi %add3A_300, %add3A_327 : i32
      %lt3A_329 = arith.cmpi slt, %add3A_328, %select_n3A_22 : i32
      %convert_element_type3A_330 = arith.extui %lt3A_329 : i1 to i32
      %cond3A_331 = arith.constant 0 : i32
      %cond3A_332 = arith.cmpi ne, %convert_element_type3A_330, %cond3A_331 : i32
      scf.if %cond3A_332 {
        %dma_wait3A_352 = arith.constant 0 : i32
        %dma_wait3A_353 = arith.constant 0 : i32
        %dma_wait3A_354 = arith.constant 0 : i32
        %dma_wait3A_355 = tpu.memref_slice %arg7[%dma_wait3A_352, %dma_wait3A_353, %dma_wait3A_354] : memref<2x1x512xi32, #tpu.memory_space<vmem>> -> memref<1x1x512xi32, #tpu.memory_space<vmem>>
        %dma_wait3A_356 = tpu.memref_squeeze %dma_wait3A_355 : memref<1x1x512xi32, #tpu.memory_space<vmem>> -> memref<1x512xi32, #tpu.memory_space<vmem>>
        %dma_wait3A_357 = arith.constant 0 : i32
        %dma_wait3A_358 = arith.constant 0 : i32
        %dma_wait3A_359 = tpu.memref_slice %arg3[%dma_wait3A_357, %dma_wait3A_358] : memref<6250x512xi32, #tpu.memory_space<hbm>> -> memref<1x512xi32, #tpu.memory_space<hbm>>
        %dma_wait3A_360 = arith.constant 0 : i32
        %dma_wait3A_361 = arith.constant 0 : i32
        %dma_wait3A_362 = tpu.memref_slice %arg7[%dma_wait3A_352, %dma_wait3A_360, %dma_wait3A_361] : memref<2x1x512xi32, #tpu.memory_space<vmem>> -> memref<1x1x512xi32, #tpu.memory_space<vmem>>
        %dma_wait3A_363 = tpu.memref_squeeze %dma_wait3A_362 : memref<1x1x512xi32, #tpu.memory_space<vmem>> -> memref<1x512xi32, #tpu.memory_space<vmem>>
        %dma_wait3A_364 = arith.constant 0 : i32
        %dma_wait3A_365 = arith.constant 0 : i32
        %dma_wait3A_366 = tpu.memref_slice %arg3[%dma_wait3A_364, %dma_wait3A_365] : memref<6250x512xi32, #tpu.memory_space<hbm>> -> memref<1x512xi32, #tpu.memory_space<hbm>>
        tpu.wait_dma2 semaphore(%arg15 : memref<!tpu.dma_semaphore, #tpu.memory_space<semaphore_mem>>) src(%dma_wait3A_366 : memref<1x512xi32, #tpu.memory_space<hbm>>) dst(%dma_wait3A_363 : memref<1x512xi32, #tpu.memory_space<vmem>>)
        %dma_wait3A_367 = arith.constant 0 : i32
        %dma_wait3A_368 = arith.constant 0 : i32
        %dma_wait3A_369 = arith.constant 0 : i32
        %dma_wait3A_370 = tpu.memref_slice %arg8[%dma_wait3A_367, %dma_wait3A_368, %dma_wait3A_369] : memref<2x1x512xi32, #tpu.memory_space<vmem>> -> memref<1x1x512xi32, #tpu.memory_space<vmem>>
        %dma_wait3A_371 = tpu.memref_squeeze %dma_wait3A_370 : memref<1x1x512xi32, #tpu.memory_space<vmem>> -> memref<1x512xi32, #tpu.memory_space<vmem>>
        %dma_wait3A_372 = arith.constant 0 : i32
        %dma_wait3A_373 = arith.constant 0 : i32
        %dma_wait3A_374 = tpu.memref_slice %arg4[%dma_wait3A_372, %dma_wait3A_373] : memref<6250x512xi32, #tpu.memory_space<hbm>> -> memref<1x512xi32, #tpu.memory_space<hbm>>
        %dma_wait3A_375 = arith.constant 0 : i32
        %dma_wait3A_376 = arith.constant 0 : i32
        %dma_wait3A_377 = tpu.memref_slice %arg8[%dma_wait3A_367, %dma_wait3A_375, %dma_wait3A_376] : memref<2x1x512xi32, #tpu.memory_space<vmem>> -> memref<1x1x512xi32, #tpu.memory_space<vmem>>
        %dma_wait3A_378 = tpu.memref_squeeze %dma_wait3A_377 : memref<1x1x512xi32, #tpu.memory_space<vmem>> -> memref<1x512xi32, #tpu.memory_space<vmem>>
        %dma_wait3A_379 = arith.constant 0 : i32
        %dma_wait3A_380 = arith.constant 0 : i32
        %dma_wait3A_381 = tpu.memref_slice %arg4[%dma_wait3A_379, %dma_wait3A_380] : memref<6250x512xi32, #tpu.memory_space<hbm>> -> memref<1x512xi32, #tpu.memory_space<hbm>>
        tpu.wait_dma2 semaphore(%arg15 : memref<!tpu.dma_semaphore, #tpu.memory_space<semaphore_mem>>) src(%dma_wait3A_381 : memref<1x512xi32, #tpu.memory_space<hbm>>) dst(%dma_wait3A_378 : memref<1x512xi32, #tpu.memory_space<vmem>>)
        %dma_start3A_382 = arith.constant 0 : i32
        %dma_start3A_383 = arith.constant 0 : i32
        %dma_start3A_384 = arith.constant 0 : i32
        %dma_start3A_385 = arith.constant 0 : i32
        %dma_start3A_386 = arith.constant 0 : i32
        %dma_start3A_387 = tpu.memref_slice %arg9[%dma_start3A_384, %dma_start3A_385, %dma_start3A_386] : memref<2x512x16xf32, #tpu.memory_space<vmem>> -> memref<1x512x16xf32, #tpu.memory_space<vmem>>
        %dma_start3A_388 = tpu.memref_squeeze %dma_start3A_387 : memref<1x512x16xf32, #tpu.memory_space<vmem>> -> memref<512x16xf32, #tpu.memory_space<vmem>>
        %dma_start3A_389 = arith.constant 0 : i32
        %dma_start3A_390 = tpu.memref_slice %arg7[%dma_start3A_382, %dma_start3A_383, %dma_start3A_389] : memref<2x1x512xi32, #tpu.memory_space<vmem>> -> memref<1x1x512xi32, #tpu.memory_space<vmem>>
        %dma_start3A_391 = tpu.memref_squeeze %dma_start3A_390 : memref<1x1x512xi32, #tpu.memory_space<vmem>> -> memref<512xi32, #tpu.memory_space<vmem>>
        %dma_start3A_392 = arith.constant 0 : i32
        %dma_start3A_393 = arith.constant 0 : i32
        %dma_start3A_394 = tpu.memref_slice %arg2[%dma_start3A_392, %dma_start3A_393] : memref<100000x16xf32, #tpu.memory_space<hbm>> -> memref<100000x16xf32, #tpu.memory_space<hbm>>
        tpu.enqueue_indirect_dma source(%dma_start3A_394 : memref<100000x16xf32, #tpu.memory_space<hbm>>) target(%dma_start3A_388 : memref<512x16xf32, #tpu.memory_space<vmem>>) offsets(%dma_start3A_391 : memref<512xi32, #tpu.memory_space<vmem>>) semaphore(%arg11 : memref<!tpu.dma_semaphore, #tpu.memory_space<semaphore_mem>>)
      } else {
      }
      %dma_wait3A_333 = arith.constant 1 : i32
      %dma_wait3A_334 = arith.constant 1 : i32
      %dma_wait3A_335 = arith.constant 0 : i32
      %dma_wait3A_336 = arith.constant 0 : i32
      %dma_wait3A_337 = arith.constant 0 : i32
      %dma_wait3A_338 = tpu.memref_slice %arg9[%dma_wait3A_333, %dma_wait3A_336, %dma_wait3A_337] : memref<2x512x16xf32, #tpu.memory_space<vmem>> -> memref<1x512x16xf32, #tpu.memory_space<vmem>>
      %dma_wait3A_339 = tpu.memref_squeeze %dma_wait3A_338 : memref<1x512x16xf32, #tpu.memory_space<vmem>> -> memref<512x16xf32, #tpu.memory_space<vmem>>
      %dma_wait3A_340 = arith.constant 0 : i32
      %dma_wait3A_341 = tpu.memref_slice %arg8[%dma_wait3A_334, %dma_wait3A_335, %dma_wait3A_340] : memref<2x1x512xi32, #tpu.memory_space<vmem>> -> memref<1x1x512xi32, #tpu.memory_space<vmem>>
      %dma_wait3A_342 = tpu.memref_squeeze %dma_wait3A_341 : memref<1x1x512xi32, #tpu.memory_space<vmem>> -> memref<512xi32, #tpu.memory_space<vmem>>
      %dma_wait3A_343 = arith.constant 0 : i32
      %dma_wait3A_344 = arith.constant 0 : i32
      %dma_wait3A_345 = tpu.memref_slice %arg6[%dma_wait3A_343, %dma_wait3A_344] : memref<100096x16xf32, #tpu.memory_space<vmem_shared>> -> memref<100096x16xf32, #tpu.memory_space<vmem_shared>>
      tpu.wait_indirect_dma semaphore(%arg14 : memref<!tpu.dma_semaphore, #tpu.memory_space<semaphore_mem>>) src(%dma_wait3A_339 : memref<512x16xf32, #tpu.memory_space<vmem>>) dst(%dma_wait3A_345 : memref<100096x16xf32, #tpu.memory_space<vmem_shared>>)
      %add3A_346 = arith.constant 2 : i32
      %add3A_347 = arith.addi %add3A_300, %add3A_346 : i32
      %lt3A_348 = arith.cmpi slt, %add3A_347, %select_n3A_22 : i32
      %convert_element_type3A_349 = arith.extui %lt3A_348 : i1 to i32
      %cond3A_350 = arith.constant 0 : i32
      %cond3A_351 = arith.cmpi ne, %convert_element_type3A_349, %cond3A_350 : i32
      scf.if %cond3A_351 {
        %add3A_352 = arith.constant 2 : i32
        %add3A_353 = arith.addi %add3A_300, %add3A_352 : i32
        %mul3A_354 = arith.constant 1 : i32
        %mul3A_355 = arith.muli %add3A_353, %mul3A_354 : i32
        %add3A_356 = arith.addi %select_n3A_29, %mul3A_355 : i32
        %dma_start3A_357 = arith.constant 1 : i32
        %dma_start3A_358 = arith.constant 0 : i32
        %dma_start3A_359 = arith.constant 0 : i32
        %dma_start3A_360 = tpu.memref_slice %arg7[%dma_start3A_357, %dma_start3A_358, %dma_start3A_359] : memref<2x1x512xi32, #tpu.memory_space<vmem>> -> memref<1x1x512xi32, #tpu.memory_space<vmem>>
        %dma_start3A_361 = tpu.memref_squeeze %dma_start3A_360 : memref<1x1x512xi32, #tpu.memory_space<vmem>> -> memref<1x512xi32, #tpu.memory_space<vmem>>
        %dma_start3A_362 = arith.constant 0 : i32
        %dma_start3A_363 = tpu.memref_slice %arg3[%add3A_356, %dma_start3A_362] : memref<6250x512xi32, #tpu.memory_space<hbm>> -> memref<1x512xi32, #tpu.memory_space<hbm>>
        %dma_start3A_364 = arith.constant 0 : i32
        %dma_start3A_365 = arith.constant 0 : i32
        %dma_start3A_366 = tpu.memref_slice %arg7[%dma_start3A_357, %dma_start3A_364, %dma_start3A_365] : memref<2x1x512xi32, #tpu.memory_space<vmem>> -> memref<1x1x512xi32, #tpu.memory_space<vmem>>
        %dma_start3A_367 = tpu.memref_squeeze %dma_start3A_366 : memref<1x1x512xi32, #tpu.memory_space<vmem>> -> memref<1x512xi32, #tpu.memory_space<vmem>>
        %dma_start3A_368 = arith.constant 0 : i32
        %dma_start3A_369 = tpu.memref_slice %arg3[%add3A_356, %dma_start3A_368] : memref<6250x512xi32, #tpu.memory_space<hbm>> -> memref<1x512xi32, #tpu.memory_space<hbm>>
        tpu.enqueue_dma source(%dma_start3A_369 : memref<1x512xi32, #tpu.memory_space<hbm>>) target(%dma_start3A_367 : memref<1x512xi32, #tpu.memory_space<vmem>>) target_semaphore(%arg16 : memref<!tpu.dma_semaphore, #tpu.memory_space<semaphore_mem>>)
        %dma_start3A_370 = arith.constant 1 : i32
        %dma_start3A_371 = arith.constant 0 : i32
        %dma_start3A_372 = arith.constant 0 : i32
        %dma_start3A_373 = tpu.memref_slice %arg8[%dma_start3A_370, %dma_start3A_371, %dma_start3A_372] : memref<2x1x512xi32, #tpu.memory_space<vmem>> -> memref<1x1x512xi32, #tpu.memory_space<vmem>>
        %dma_start3A_374 = tpu.memref_squeeze %dma_start3A_373 : memref<1x1x512xi32, #tpu.memory_space<vmem>> -> memref<1x512xi32, #tpu.memory_space<vmem>>
        %dma_start3A_375 = arith.constant 0 : i32
        %dma_start3A_376 = tpu.memref_slice %arg4[%add3A_356, %dma_start3A_375] : memref<6250x512xi32, #tpu.memory_space<hbm>> -> memref<1x512xi32, #tpu.memory_space<hbm>>
        %dma_start3A_377 = arith.constant 0 : i32
        %dma_start3A_378 = arith.constant 0 : i32
        %dma_start3A_379 = tpu.memref_slice %arg8[%dma_start3A_370, %dma_start3A_377, %dma_start3A_378] : memref<2x1x512xi32, #tpu.memory_space<vmem>> -> memref<1x1x512xi32, #tpu.memory_space<vmem>>
        %dma_start3A_380 = tpu.memref_squeeze %dma_start3A_379 : memref<1x1x512xi32, #tpu.memory_space<vmem>> -> memref<1x512xi32, #tpu.memory_space<vmem>>
        %dma_start3A_381 = arith.constant 0 : i32
        %dma_start3A_382 = tpu.memref_slice %arg4[%add3A_356, %dma_start3A_381] : memref<6250x512xi32, #tpu.memory_space<hbm>> -> memref<1x512xi32, #tpu.memory_space<hbm>>
        tpu.enqueue_dma source(%dma_start3A_382 : memref<1x512xi32, #tpu.memory_space<hbm>>) target(%dma_start3A_380 : memref<1x512xi32, #tpu.memory_space<vmem>>) target_semaphore(%arg16 : memref<!tpu.dma_semaphore, #tpu.memory_space<semaphore_mem>>)
      } else {
      }
    }
    %while3A_228 = arith.constant 1 : i32
    scf.for %while3A_241 = %while3A_226 to %while3A_222 step %while3A_228  : i32 {
      %mul3A_242 = arith.constant 2 : i32
      %mul3A_243 = arith.muli %while3A_241, %mul3A_242 : i32
      %add3A_244 = arith.constant 0 : i32
      %add3A_245 = arith.addi %mul3A_243, %add3A_244 : i32
      %dma_wait3A_246 = arith.constant 0 : i32
      %dma_wait3A_247 = arith.constant 0 : i32
      %dma_wait3A_248 = arith.constant 0 : i32
      %dma_wait3A_249 = arith.constant 0 : i32
      %dma_wait3A_250 = arith.constant 0 : i32
      %dma_wait3A_251 = tpu.memref_slice %arg9[%dma_wait3A_248, %dma_wait3A_249, %dma_wait3A_250] : memref<2x512x16xf32, #tpu.memory_space<vmem>> -> memref<1x512x16xf32, #tpu.memory_space<vmem>>
      %dma_wait3A_252 = tpu.memref_squeeze %dma_wait3A_251 : memref<1x512x16xf32, #tpu.memory_space<vmem>> -> memref<512x16xf32, #tpu.memory_space<vmem>>
      %dma_wait3A_253 = arith.constant 0 : i32
      %dma_wait3A_254 = tpu.memref_slice %arg7[%dma_wait3A_246, %dma_wait3A_247, %dma_wait3A_253] : memref<2x1x512xi32, #tpu.memory_space<vmem>> -> memref<1x1x512xi32, #tpu.memory_space<vmem>>
      %dma_wait3A_255 = tpu.memref_squeeze %dma_wait3A_254 : memref<1x1x512xi32, #tpu.memory_space<vmem>> -> memref<512xi32, #tpu.memory_space<vmem>>
      %dma_wait3A_256 = arith.constant 0 : i32
      %dma_wait3A_257 = arith.constant 0 : i32
      %dma_wait3A_258 = tpu.memref_slice %arg2[%dma_wait3A_256, %dma_wait3A_257] : memref<100000x16xf32, #tpu.memory_space<hbm>> -> memref<100000x16xf32, #tpu.memory_space<hbm>>
      tpu.wait_indirect_dma semaphore(%arg11 : memref<!tpu.dma_semaphore, #tpu.memory_space<semaphore_mem>>) src(%dma_wait3A_258 : memref<100000x16xf32, #tpu.memory_space<hbm>>) dst(%dma_wait3A_252 : memref<512x16xf32, #tpu.memory_space<vmem>>)
      %dma_start3A_259 = arith.constant 0 : i32
      %dma_start3A_260 = arith.constant 0 : i32
      %dma_start3A_261 = arith.constant 0 : i32
      %dma_start3A_262 = arith.constant 0 : i32
      %dma_start3A_263 = arith.constant 0 : i32
      %dma_start3A_264 = tpu.memref_slice %arg9[%dma_start3A_259, %dma_start3A_262, %dma_start3A_263] : memref<2x512x16xf32, #tpu.memory_space<vmem>> -> memref<1x512x16xf32, #tpu.memory_space<vmem>>
      %dma_start3A_265 = tpu.memref_squeeze %dma_start3A_264 : memref<1x512x16xf32, #tpu.memory_space<vmem>> -> memref<512x16xf32, #tpu.memory_space<vmem>>
      %dma_start3A_266 = arith.constant 0 : i32
      %dma_start3A_267 = tpu.memref_slice %arg8[%dma_start3A_260, %dma_start3A_261, %dma_start3A_266] : memref<2x1x512xi32, #tpu.memory_space<vmem>> -> memref<1x1x512xi32, #tpu.memory_space<vmem>>
      %dma_start3A_268 = tpu.memref_squeeze %dma_start3A_267 : memref<1x1x512xi32, #tpu.memory_space<vmem>> -> memref<512xi32, #tpu.memory_space<vmem>>
      %dma_start3A_269 = arith.constant 0 : i32
      %dma_start3A_270 = arith.constant 0 : i32
      %dma_start3A_271 = tpu.memref_slice %arg6[%dma_start3A_269, %dma_start3A_270] : memref<100096x16xf32, #tpu.memory_space<vmem_shared>> -> memref<100096x16xf32, #tpu.memory_space<vmem_shared>>
      tpu.enqueue_indirect_dma source(%dma_start3A_265 : memref<512x16xf32, #tpu.memory_space<vmem>>) target(%dma_start3A_271 : memref<100096x16xf32, #tpu.memory_space<vmem_shared>>) offsets(%dma_start3A_268 : memref<512xi32, #tpu.memory_space<vmem>>) semaphore(%arg13 : memref<!tpu.dma_semaphore, #tpu.memory_space<semaphore_mem>>) {add = true}
      %add3A_272 = arith.constant 1 : i32
      %add3A_273 = arith.addi %add3A_245, %add3A_272 : i32
      %lt3A_274 = arith.cmpi slt, %add3A_273, %select_n3A_22 : i32
      %convert_element_type3A_275 = arith.extui %lt3A_274 : i1 to i32
      %cond3A_276 = arith.constant 0 : i32
      %cond3A_277 = arith.cmpi ne, %convert_element_type3A_275, %cond3A_276 : i32
      scf.if %cond3A_277 {
        %dma_wait3A_352 = arith.constant 1 : i32
        %dma_wait3A_353 = arith.constant 0 : i32
        %dma_wait3A_354 = arith.constant 0 : i32
        %dma_wait3A_355 = tpu.memref_slice %arg7[%dma_wait3A_352, %dma_wait3A_353, %dma_wait3A_354] : memref<2x1x512xi32, #tpu.memory_space<vmem>> -> memref<1x1x512xi32, #tpu.memory_space<vmem>>
        %dma_wait3A_356 = tpu.memref_squeeze %dma_wait3A_355 : memref<1x1x512xi32, #tpu.memory_space<vmem>> -> memref<1x512xi32, #tpu.memory_space<vmem>>
        %dma_wait3A_357 = arith.constant 0 : i32
        %dma_wait3A_358 = arith.constant 0 : i32
        %dma_wait3A_359 = tpu.memref_slice %arg3[%dma_wait3A_357, %dma_wait3A_358] : memref<6250x512xi32, #tpu.memory_space<hbm>> -> memref<1x512xi32, #tpu.memory_space<hbm>>
        %dma_wait3A_360 = arith.constant 0 : i32
        %dma_wait3A_361 = arith.constant 0 : i32
        %dma_wait3A_362 = tpu.memref_slice %arg7[%dma_wait3A_352, %dma_wait3A_360, %dma_wait3A_361] : memref<2x1x512xi32, #tpu.memory_space<vmem>> -> memref<1x1x512xi32, #tpu.memory_space<vmem>>
        %dma_wait3A_363 = tpu.memref_squeeze %dma_wait3A_362 : memref<1x1x512xi32, #tpu.memory_space<vmem>> -> memref<1x512xi32, #tpu.memory_space<vmem>>
        %dma_wait3A_364 = arith.constant 0 : i32
        %dma_wait3A_365 = arith.constant 0 : i32
        %dma_wait3A_366 = tpu.memref_slice %arg3[%dma_wait3A_364, %dma_wait3A_365] : memref<6250x512xi32, #tpu.memory_space<hbm>> -> memref<1x512xi32, #tpu.memory_space<hbm>>
        tpu.wait_dma2 semaphore(%arg16 : memref<!tpu.dma_semaphore, #tpu.memory_space<semaphore_mem>>) src(%dma_wait3A_366 : memref<1x512xi32, #tpu.memory_space<hbm>>) dst(%dma_wait3A_363 : memref<1x512xi32, #tpu.memory_space<vmem>>)
        %dma_wait3A_367 = arith.constant 1 : i32
        %dma_wait3A_368 = arith.constant 0 : i32
        %dma_wait3A_369 = arith.constant 0 : i32
        %dma_wait3A_370 = tpu.memref_slice %arg8[%dma_wait3A_367, %dma_wait3A_368, %dma_wait3A_369] : memref<2x1x512xi32, #tpu.memory_space<vmem>> -> memref<1x1x512xi32, #tpu.memory_space<vmem>>
        %dma_wait3A_371 = tpu.memref_squeeze %dma_wait3A_370 : memref<1x1x512xi32, #tpu.memory_space<vmem>> -> memref<1x512xi32, #tpu.memory_space<vmem>>
        %dma_wait3A_372 = arith.constant 0 : i32
        %dma_wait3A_373 = arith.constant 0 : i32
        %dma_wait3A_374 = tpu.memref_slice %arg4[%dma_wait3A_372, %dma_wait3A_373] : memref<6250x512xi32, #tpu.memory_space<hbm>> -> memref<1x512xi32, #tpu.memory_space<hbm>>
        %dma_wait3A_375 = arith.constant 0 : i32
        %dma_wait3A_376 = arith.constant 0 : i32
        %dma_wait3A_377 = tpu.memref_slice %arg8[%dma_wait3A_367, %dma_wait3A_375, %dma_wait3A_376] : memref<2x1x512xi32, #tpu.memory_space<vmem>> -> memref<1x1x512xi32, #tpu.memory_space<vmem>>
        %dma_wait3A_378 = tpu.memref_squeeze %dma_wait3A_377 : memref<1x1x512xi32, #tpu.memory_space<vmem>> -> memref<1x512xi32, #tpu.memory_space<vmem>>
        %dma_wait3A_379 = arith.constant 0 : i32
        %dma_wait3A_380 = arith.constant 0 : i32
        %dma_wait3A_381 = tpu.memref_slice %arg4[%dma_wait3A_379, %dma_wait3A_380] : memref<6250x512xi32, #tpu.memory_space<hbm>> -> memref<1x512xi32, #tpu.memory_space<hbm>>
        tpu.wait_dma2 semaphore(%arg16 : memref<!tpu.dma_semaphore, #tpu.memory_space<semaphore_mem>>) src(%dma_wait3A_381 : memref<1x512xi32, #tpu.memory_space<hbm>>) dst(%dma_wait3A_378 : memref<1x512xi32, #tpu.memory_space<vmem>>)
        %dma_start3A_382 = arith.constant 1 : i32
        %dma_start3A_383 = arith.constant 0 : i32
        %dma_start3A_384 = arith.constant 1 : i32
        %dma_start3A_385 = arith.constant 0 : i32
        %dma_start3A_386 = arith.constant 0 : i32
        %dma_start3A_387 = tpu.memref_slice %arg9[%dma_start3A_384, %dma_start3A_385, %dma_start3A_386] : memref<2x512x16xf32, #tpu.memory_space<vmem>> -> memref<1x512x16xf32, #tpu.memory_space<vmem>>
        %dma_start3A_388 = tpu.memref_squeeze %dma_start3A_387 : memref<1x512x16xf32, #tpu.memory_space<vmem>> -> memref<512x16xf32, #tpu.memory_space<vmem>>
        %dma_start3A_389 = arith.constant 0 : i32
        %dma_start3A_390 = tpu.memref_slice %arg7[%dma_start3A_382, %dma_start3A_383, %dma_start3A_389] : memref<2x1x512xi32, #tpu.memory_space<vmem>> -> memref<1x1x512xi32, #tpu.memory_space<vmem>>
        %dma_start3A_391 = tpu.memref_squeeze %dma_start3A_390 : memref<1x1x512xi32, #tpu.memory_space<vmem>> -> memref<512xi32, #tpu.memory_space<vmem>>
        %dma_start3A_392 = arith.constant 0 : i32
        %dma_start3A_393 = arith.constant 0 : i32
        %dma_start3A_394 = tpu.memref_slice %arg2[%dma_start3A_392, %dma_start3A_393] : memref<100000x16xf32, #tpu.memory_space<hbm>> -> memref<100000x16xf32, #tpu.memory_space<hbm>>
        tpu.enqueue_indirect_dma source(%dma_start3A_394 : memref<100000x16xf32, #tpu.memory_space<hbm>>) target(%dma_start3A_388 : memref<512x16xf32, #tpu.memory_space<vmem>>) offsets(%dma_start3A_391 : memref<512xi32, #tpu.memory_space<vmem>>) semaphore(%arg12 : memref<!tpu.dma_semaphore, #tpu.memory_space<semaphore_mem>>)
      } else {
      }
      %dma_wait3A_278 = arith.constant 0 : i32
      %dma_wait3A_279 = arith.constant 0 : i32
      %dma_wait3A_280 = arith.constant 0 : i32
      %dma_wait3A_281 = arith.constant 0 : i32
      %dma_wait3A_282 = arith.constant 0 : i32
      %dma_wait3A_283 = tpu.memref_slice %arg9[%dma_wait3A_278, %dma_wait3A_281, %dma_wait3A_282] : memref<2x512x16xf32, #tpu.memory_space<vmem>> -> memref<1x512x16xf32, #tpu.memory_space<vmem>>
      %dma_wait3A_284 = tpu.memref_squeeze %dma_wait3A_283 : memref<1x512x16xf32, #tpu.memory_space<vmem>> -> memref<512x16xf32, #tpu.memory_space<vmem>>
      %dma_wait3A_285 = arith.constant 0 : i32
      %dma_wait3A_286 = tpu.memref_slice %arg8[%dma_wait3A_279, %dma_wait3A_280, %dma_wait3A_285] : memref<2x1x512xi32, #tpu.memory_space<vmem>> -> memref<1x1x512xi32, #tpu.memory_space<vmem>>
      %dma_wait3A_287 = tpu.memref_squeeze %dma_wait3A_286 : memref<1x1x512xi32, #tpu.memory_space<vmem>> -> memref<512xi32, #tpu.memory_space<vmem>>
      %dma_wait3A_288 = arith.constant 0 : i32
      %dma_wait3A_289 = arith.constant 0 : i32
      %dma_wait3A_290 = tpu.memref_slice %arg6[%dma_wait3A_288, %dma_wait3A_289] : memref<100096x16xf32, #tpu.memory_space<vmem_shared>> -> memref<100096x16xf32, #tpu.memory_space<vmem_shared>>
      tpu.wait_indirect_dma semaphore(%arg13 : memref<!tpu.dma_semaphore, #tpu.memory_space<semaphore_mem>>) src(%dma_wait3A_284 : memref<512x16xf32, #tpu.memory_space<vmem>>) dst(%dma_wait3A_290 : memref<100096x16xf32, #tpu.memory_space<vmem_shared>>)
      %add3A_291 = arith.constant 2 : i32
      %add3A_292 = arith.addi %add3A_245, %add3A_291 : i32
      %lt3A_293 = arith.cmpi slt, %add3A_292, %select_n3A_22 : i32
      %convert_element_type3A_294 = arith.extui %lt3A_293 : i1 to i32
      %cond3A_295 = arith.constant 0 : i32
      %cond3A_296 = arith.cmpi ne, %convert_element_type3A_294, %cond3A_295 : i32
      scf.if %cond3A_296 {
        %add3A_352 = arith.constant 2 : i32
        %add3A_353 = arith.addi %add3A_245, %add3A_352 : i32
        %mul3A_354 = arith.constant 1 : i32
        %mul3A_355 = arith.muli %add3A_353, %mul3A_354 : i32
        %add3A_356 = arith.addi %select_n3A_29, %mul3A_355 : i32
        %dma_start3A_357 = arith.constant 0 : i32
        %dma_start3A_358 = arith.constant 0 : i32
        %dma_start3A_359 = arith.constant 0 : i32
        %dma_start3A_360 = tpu.memref_slice %arg7[%dma_start3A_357, %dma_start3A_358, %dma_start3A_359] : memref<2x1x512xi32, #tpu.memory_space<vmem>> -> memref<1x1x512xi32, #tpu.memory_space<vmem>>
        %dma_start3A_361 = tpu.memref_squeeze %dma_start3A_360 : memref<1x1x512xi32, #tpu.memory_space<vmem>> -> memref<1x512xi32, #tpu.memory_space<vmem>>
        %dma_start3A_362 = arith.constant 0 : i32
        %dma_start3A_363 = tpu.memref_slice %arg3[%add3A_356, %dma_start3A_362] : memref<6250x512xi32, #tpu.memory_space<hbm>> -> memref<1x512xi32, #tpu.memory_space<hbm>>
        %dma_start3A_364 = arith.constant 0 : i32
        %dma_start3A_365 = arith.constant 0 : i32
        %dma_start3A_366 = tpu.memref_slice %arg7[%dma_start3A_357, %dma_start3A_364, %dma_start3A_365] : memref<2x1x512xi32, #tpu.memory_space<vmem>> -> memref<1x1x512xi32, #tpu.memory_space<vmem>>
        %dma_start3A_367 = tpu.memref_squeeze %dma_start3A_366 : memref<1x1x512xi32, #tpu.memory_space<vmem>> -> memref<1x512xi32, #tpu.memory_space<vmem>>
        %dma_start3A_368 = arith.constant 0 : i32
        %dma_start3A_369 = tpu.memref_slice %arg3[%add3A_356, %dma_start3A_368] : memref<6250x512xi32, #tpu.memory_space<hbm>> -> memref<1x512xi32, #tpu.memory_space<hbm>>
        tpu.enqueue_dma source(%dma_start3A_369 : memref<1x512xi32, #tpu.memory_space<hbm>>) target(%dma_start3A_367 : memref<1x512xi32, #tpu.memory_space<vmem>>) target_semaphore(%arg15 : memref<!tpu.dma_semaphore, #tpu.memory_space<semaphore_mem>>)
        %dma_start3A_370 = arith.constant 0 : i32
        %dma_start3A_371 = arith.constant 0 : i32
        %dma_start3A_372 = arith.constant 0 : i32
        %dma_start3A_373 = tpu.memref_slice %arg8[%dma_start3A_370, %dma_start3A_371, %dma_start3A_372] : memref<2x1x512xi32, #tpu.memory_space<vmem>> -> memref<1x1x512xi32, #tpu.memory_space<vmem>>
        %dma_start3A_374 = tpu.memref_squeeze %dma_start3A_373 : memref<1x1x512xi32, #tpu.memory_space<vmem>> -> memref<1x512xi32, #tpu.memory_space<vmem>>
        %dma_start3A_375 = arith.constant 0 : i32
        %dma_start3A_376 = tpu.memref_slice %arg4[%add3A_356, %dma_start3A_375] : memref<6250x512xi32, #tpu.memory_space<hbm>> -> memref<1x512xi32, #tpu.memory_space<hbm>>
        %dma_start3A_377 = arith.constant 0 : i32
        %dma_start3A_378 = arith.constant 0 : i32
        %dma_start3A_379 = tpu.memref_slice %arg8[%dma_start3A_370, %dma_start3A_377, %dma_start3A_378] : memref<2x1x512xi32, #tpu.memory_space<vmem>> -> memref<1x1x512xi32, #tpu.memory_space<vmem>>
        %dma_start3A_380 = tpu.memref_squeeze %dma_start3A_379 : memref<1x1x512xi32, #tpu.memory_space<vmem>> -> memref<1x512xi32, #tpu.memory_space<vmem>>
        %dma_start3A_381 = arith.constant 0 : i32
        %dma_start3A_382 = tpu.memref_slice %arg4[%add3A_356, %dma_start3A_381] : memref<6250x512xi32, #tpu.memory_space<hbm>> -> memref<1x512xi32, #tpu.memory_space<hbm>>
        tpu.enqueue_dma source(%dma_start3A_382 : memref<1x512xi32, #tpu.memory_space<hbm>>) target(%dma_start3A_380 : memref<1x512xi32, #tpu.memory_space<vmem>>) target_semaphore(%arg15 : memref<!tpu.dma_semaphore, #tpu.memory_space<semaphore_mem>>)
      } else {
      }
      %mul3A_297 = arith.constant 2 : i32
      %mul3A_298 = arith.muli %while3A_241, %mul3A_297 : i32
      %add3A_299 = arith.constant 1 : i32
      %add3A_300 = arith.addi %mul3A_298, %add3A_299 : i32
      %dma_wait3A_301 = arith.constant 1 : i32
      %dma_wait3A_302 = arith.constant 0 : i32
      %dma_wait3A_303 = arith.constant 1 : i32
      %dma_wait3A_304 = arith.constant 0 : i32
      %dma_wait3A_305 = arith.constant 0 : i32
      %dma_wait3A_306 = tpu.memref_slice %arg9[%dma_wait3A_303, %dma_wait3A_304, %dma_wait3A_305] : memref<2x512x16xf32, #tpu.memory_space<vmem>> -> memref<1x512x16xf32, #tpu.memory_space<vmem>>
      %dma_wait3A_307 = tpu.memref_squeeze %dma_wait3A_306 : memref<1x512x16xf32, #tpu.memory_space<vmem>> -> memref<512x16xf32, #tpu.memory_space<vmem>>
      %dma_wait3A_308 = arith.constant 0 : i32
      %dma_wait3A_309 = tpu.memref_slice %arg7[%dma_wait3A_301, %dma_wait3A_302, %dma_wait3A_308] : memref<2x1x512xi32, #tpu.memory_space<vmem>> -> memref<1x1x512xi32, #tpu.memory_space<vmem>>
      %dma_wait3A_310 = tpu.memref_squeeze %dma_wait3A_309 : memref<1x1x512xi32, #tpu.memory_space<vmem>> -> memref<512xi32, #tpu.memory_space<vmem>>
      %dma_wait3A_311 = arith.constant 0 : i32
      %dma_wait3A_312 = arith.constant 0 : i32
      %dma_wait3A_313 = tpu.memref_slice %arg2[%dma_wait3A_311, %dma_wait3A_312] : memref<100000x16xf32, #tpu.memory_space<hbm>> -> memref<100000x16xf32, #tpu.memory_space<hbm>>
      tpu.wait_indirect_dma semaphore(%arg12 : memref<!tpu.dma_semaphore, #tpu.memory_space<semaphore_mem>>) src(%dma_wait3A_313 : memref<100000x16xf32, #tpu.memory_space<hbm>>) dst(%dma_wait3A_307 : memref<512x16xf32, #tpu.memory_space<vmem>>)
      %dma_start3A_314 = arith.constant 1 : i32
      %dma_start3A_315 = arith.constant 1 : i32
      %dma_start3A_316 = arith.constant 0 : i32
      %dma_start3A_317 = arith.constant 0 : i32
      %dma_start3A_318 = arith.constant 0 : i32
      %dma_start3A_319 = tpu.memref_slice %arg9[%dma_start3A_314, %dma_start3A_317, %dma_start3A_318] : memref<2x512x16xf32, #tpu.memory_space<vmem>> -> memref<1x512x16xf32, #tpu.memory_space<vmem>>
      %dma_start3A_320 = tpu.memref_squeeze %dma_start3A_319 : memref<1x512x16xf32, #tpu.memory_space<vmem>> -> memref<512x16xf32, #tpu.memory_space<vmem>>
      %dma_start3A_321 = arith.constant 0 : i32
      %dma_start3A_322 = tpu.memref_slice %arg8[%dma_start3A_315, %dma_start3A_316, %dma_start3A_321] : memref<2x1x512xi32, #tpu.memory_space<vmem>> -> memref<1x1x512xi32, #tpu.memory_space<vmem>>
      %dma_start3A_323 = tpu.memref_squeeze %dma_start3A_322 : memref<1x1x512xi32, #tpu.memory_space<vmem>> -> memref<512xi32, #tpu.memory_space<vmem>>
      %dma_start3A_324 = arith.constant 0 : i32
      %dma_start3A_325 = arith.constant 0 : i32
      %dma_start3A_326 = tpu.memref_slice %arg6[%dma_start3A_324, %dma_start3A_325] : memref<100096x16xf32, #tpu.memory_space<vmem_shared>> -> memref<100096x16xf32, #tpu.memory_space<vmem_shared>>
      tpu.enqueue_indirect_dma source(%dma_start3A_320 : memref<512x16xf32, #tpu.memory_space<vmem>>) target(%dma_start3A_326 : memref<100096x16xf32, #tpu.memory_space<vmem_shared>>) offsets(%dma_start3A_323 : memref<512xi32, #tpu.memory_space<vmem>>) semaphore(%arg14 : memref<!tpu.dma_semaphore, #tpu.memory_space<semaphore_mem>>) {add = true}
      %add3A_327 = arith.constant 1 : i32
      %add3A_328 = arith.addi %add3A_300, %add3A_327 : i32
      %lt3A_329 = arith.cmpi slt, %add3A_328, %select_n3A_22 : i32
      %convert_element_type3A_330 = arith.extui %lt3A_329 : i1 to i32
      %cond3A_331 = arith.constant 0 : i32
      %cond3A_332 = arith.cmpi ne, %convert_element_type3A_330, %cond3A_331 : i32
      scf.if %cond3A_332 {
        %dma_wait3A_352 = arith.constant 0 : i32
        %dma_wait3A_353 = arith.constant 0 : i32
        %dma_wait3A_354 = arith.constant 0 : i32
        %dma_wait3A_355 = tpu.memref_slice %arg7[%dma_wait3A_352, %dma_wait3A_353, %dma_wait3A_354] : memref<2x1x512xi32, #tpu.memory_space<vmem>> -> memref<1x1x512xi32, #tpu.memory_space<vmem>>
        %dma_wait3A_356 = tpu.memref_squeeze %dma_wait3A_355 : memref<1x1x512xi32, #tpu.memory_space<vmem>> -> memref<1x512xi32, #tpu.memory_space<vmem>>
        %dma_wait3A_357 = arith.constant 0 : i32
        %dma_wait3A_358 = arith.constant 0 : i32
        %dma_wait3A_359 = tpu.memref_slice %arg3[%dma_wait3A_357, %dma_wait3A_358] : memref<6250x512xi32, #tpu.memory_space<hbm>> -> memref<1x512xi32, #tpu.memory_space<hbm>>
        %dma_wait3A_360 = arith.constant 0 : i32
        %dma_wait3A_361 = arith.constant 0 : i32
        %dma_wait3A_362 = tpu.memref_slice %arg7[%dma_wait3A_352, %dma_wait3A_360, %dma_wait3A_361] : memref<2x1x512xi32, #tpu.memory_space<vmem>> -> memref<1x1x512xi32, #tpu.memory_space<vmem>>
        %dma_wait3A_363 = tpu.memref_squeeze %dma_wait3A_362 : memref<1x1x512xi32, #tpu.memory_space<vmem>> -> memref<1x512xi32, #tpu.memory_space<vmem>>
        %dma_wait3A_364 = arith.constant 0 : i32
        %dma_wait3A_365 = arith.constant 0 : i32
        %dma_wait3A_366 = tpu.memref_slice %arg3[%dma_wait3A_364, %dma_wait3A_365] : memref<6250x512xi32, #tpu.memory_space<hbm>> -> memref<1x512xi32, #tpu.memory_space<hbm>>
        tpu.wait_dma2 semaphore(%arg15 : memref<!tpu.dma_semaphore, #tpu.memory_space<semaphore_mem>>) src(%dma_wait3A_366 : memref<1x512xi32, #tpu.memory_space<hbm>>) dst(%dma_wait3A_363 : memref<1x512xi32, #tpu.memory_space<vmem>>)
        %dma_wait3A_367 = arith.constant 0 : i32
        %dma_wait3A_368 = arith.constant 0 : i32
        %dma_wait3A_369 = arith.constant 0 : i32
        %dma_wait3A_370 = tpu.memref_slice %arg8[%dma_wait3A_367, %dma_wait3A_368, %dma_wait3A_369] : memref<2x1x512xi32, #tpu.memory_space<vmem>> -> memref<1x1x512xi32, #tpu.memory_space<vmem>>
        %dma_wait3A_371 = tpu.memref_squeeze %dma_wait3A_370 : memref<1x1x512xi32, #tpu.memory_space<vmem>> -> memref<1x512xi32, #tpu.memory_space<vmem>>
        %dma_wait3A_372 = arith.constant 0 : i32
        %dma_wait3A_373 = arith.constant 0 : i32
        %dma_wait3A_374 = tpu.memref_slice %arg4[%dma_wait3A_372, %dma_wait3A_373] : memref<6250x512xi32, #tpu.memory_space<hbm>> -> memref<1x512xi32, #tpu.memory_space<hbm>>
        %dma_wait3A_375 = arith.constant 0 : i32
        %dma_wait3A_376 = arith.constant 0 : i32
        %dma_wait3A_377 = tpu.memref_slice %arg8[%dma_wait3A_367, %dma_wait3A_375, %dma_wait3A_376] : memref<2x1x512xi32, #tpu.memory_space<vmem>> -> memref<1x1x512xi32, #tpu.memory_space<vmem>>
        %dma_wait3A_378 = tpu.memref_squeeze %dma_wait3A_377 : memref<1x1x512xi32, #tpu.memory_space<vmem>> -> memref<1x512xi32, #tpu.memory_space<vmem>>
        %dma_wait3A_379 = arith.constant 0 : i32
        %dma_wait3A_380 = arith.constant 0 : i32
        %dma_wait3A_381 = tpu.memref_slice %arg4[%dma_wait3A_379, %dma_wait3A_380] : memref<6250x512xi32, #tpu.memory_space<hbm>> -> memref<1x512xi32, #tpu.memory_space<hbm>>
        tpu.wait_dma2 semaphore(%arg15 : memref<!tpu.dma_semaphore, #tpu.memory_space<semaphore_mem>>) src(%dma_wait3A_381 : memref<1x512xi32, #tpu.memory_space<hbm>>) dst(%dma_wait3A_378 : memref<1x512xi32, #tpu.memory_space<vmem>>)
        %dma_start3A_382 = arith.constant 0 : i32
        %dma_start3A_383 = arith.constant 0 : i32
        %dma_start3A_384 = arith.constant 0 : i32
        %dma_start3A_385 = arith.constant 0 : i32
        %dma_start3A_386 = arith.constant 0 : i32
        %dma_start3A_387 = tpu.memref_slice %arg9[%dma_start3A_384, %dma_start3A_385, %dma_start3A_386] : memref<2x512x16xf32, #tpu.memory_space<vmem>> -> memref<1x512x16xf32, #tpu.memory_space<vmem>>
        %dma_start3A_388 = tpu.memref_squeeze %dma_start3A_387 : memref<1x512x16xf32, #tpu.memory_space<vmem>> -> memref<512x16xf32, #tpu.memory_space<vmem>>
        %dma_start3A_389 = arith.constant 0 : i32
        %dma_start3A_390 = tpu.memref_slice %arg7[%dma_start3A_382, %dma_start3A_383, %dma_start3A_389] : memref<2x1x512xi32, #tpu.memory_space<vmem>> -> memref<1x1x512xi32, #tpu.memory_space<vmem>>
        %dma_start3A_391 = tpu.memref_squeeze %dma_start3A_390 : memref<1x1x512xi32, #tpu.memory_space<vmem>> -> memref<512xi32, #tpu.memory_space<vmem>>
        %dma_start3A_392 = arith.constant 0 : i32
        %dma_start3A_393 = arith.constant 0 : i32
        %dma_start3A_394 = tpu.memref_slice %arg2[%dma_start3A_392, %dma_start3A_393] : memref<100000x16xf32, #tpu.memory_space<hbm>> -> memref<100000x16xf32, #tpu.memory_space<hbm>>
        tpu.enqueue_indirect_dma source(%dma_start3A_394 : memref<100000x16xf32, #tpu.memory_space<hbm>>) target(%dma_start3A_388 : memref<512x16xf32, #tpu.memory_space<vmem>>) offsets(%dma_start3A_391 : memref<512xi32, #tpu.memory_space<vmem>>) semaphore(%arg11 : memref<!tpu.dma_semaphore, #tpu.memory_space<semaphore_mem>>)
      } else {
      }
      %dma_wait3A_333 = arith.constant 1 : i32
      %dma_wait3A_334 = arith.constant 1 : i32
      %dma_wait3A_335 = arith.constant 0 : i32
      %dma_wait3A_336 = arith.constant 0 : i32
      %dma_wait3A_337 = arith.constant 0 : i32
      %dma_wait3A_338 = tpu.memref_slice %arg9[%dma_wait3A_333, %dma_wait3A_336, %dma_wait3A_337] : memref<2x512x16xf32, #tpu.memory_space<vmem>> -> memref<1x512x16xf32, #tpu.memory_space<vmem>>
      %dma_wait3A_339 = tpu.memref_squeeze %dma_wait3A_338 : memref<1x512x16xf32, #tpu.memory_space<vmem>> -> memref<512x16xf32, #tpu.memory_space<vmem>>
      %dma_wait3A_340 = arith.constant 0 : i32
      %dma_wait3A_341 = tpu.memref_slice %arg8[%dma_wait3A_334, %dma_wait3A_335, %dma_wait3A_340] : memref<2x1x512xi32, #tpu.memory_space<vmem>> -> memref<1x1x512xi32, #tpu.memory_space<vmem>>
      %dma_wait3A_342 = tpu.memref_squeeze %dma_wait3A_341 : memref<1x1x512xi32, #tpu.memory_space<vmem>> -> memref<512xi32, #tpu.memory_space<vmem>>
      %dma_wait3A_343 = arith.constant 0 : i32
      %dma_wait3A_344 = arith.constant 0 : i32
      %dma_wait3A_345 = tpu.memref_slice %arg6[%dma_wait3A_343, %dma_wait3A_344] : memref<100096x16xf32, #tpu.memory_space<vmem_shared>> -> memref<100096x16xf32, #tpu.memory_space<vmem_shared>>
      tpu.wait_indirect_dma semaphore(%arg14 : memref<!tpu.dma_semaphore, #tpu.memory_space<semaphore_mem>>) src(%dma_wait3A_339 : memref<512x16xf32, #tpu.memory_space<vmem>>) dst(%dma_wait3A_345 : memref<100096x16xf32, #tpu.memory_space<vmem_shared>>)
      %add3A_346 = arith.constant 2 : i32
      %add3A_347 = arith.addi %add3A_300, %add3A_346 : i32
      %lt3A_348 = arith.cmpi slt, %add3A_347, %select_n3A_22 : i32
      %convert_element_type3A_349 = arith.extui %lt3A_348 : i1 to i32
      %cond3A_350 = arith.constant 0 : i32
      %cond3A_351 = arith.cmpi ne, %convert_element_type3A_349, %cond3A_350 : i32
      scf.if %cond3A_351 {
        %add3A_352 = arith.constant 2 : i32
        %add3A_353 = arith.addi %add3A_300, %add3A_352 : i32
        %mul3A_354 = arith.constant 1 : i32
        %mul3A_355 = arith.muli %add3A_353, %mul3A_354 : i32
        %add3A_356 = arith.addi %select_n3A_29, %mul3A_355 : i32
        %dma_start3A_357 = arith.constant 1 : i32
        %dma_start3A_358 = arith.constant 0 : i32
        %dma_start3A_359 = arith.constant 0 : i32
        %dma_start3A_360 = tpu.memref_slice %arg7[%dma_start3A_357, %dma_start3A_358, %dma_start3A_359] : memref<2x1x512xi32, #tpu.memory_space<vmem>> -> memref<1x1x512xi32, #tpu.memory_space<vmem>>
        %dma_start3A_361 = tpu.memref_squeeze %dma_start3A_360 : memref<1x1x512xi32, #tpu.memory_space<vmem>> -> memref<1x512xi32, #tpu.memory_space<vmem>>
        %dma_start3A_362 = arith.constant 0 : i32
        %dma_start3A_363 = tpu.memref_slice %arg3[%add3A_356, %dma_start3A_362] : memref<6250x512xi32, #tpu.memory_space<hbm>> -> memref<1x512xi32, #tpu.memory_space<hbm>>
        %dma_start3A_364 = arith.constant 0 : i32
        %dma_start3A_365 = arith.constant 0 : i32
        %dma_start3A_366 = tpu.memref_slice %arg7[%dma_start3A_357, %dma_start3A_364, %dma_start3A_365] : memref<2x1x512xi32, #tpu.memory_space<vmem>> -> memref<1x1x512xi32, #tpu.memory_space<vmem>>
        %dma_start3A_367 = tpu.memref_squeeze %dma_start3A_366 : memref<1x1x512xi32, #tpu.memory_space<vmem>> -> memref<1x512xi32, #tpu.memory_space<vmem>>
        %dma_start3A_368 = arith.constant 0 : i32
        %dma_start3A_369 = tpu.memref_slice %arg3[%add3A_356, %dma_start3A_368] : memref<6250x512xi32, #tpu.memory_space<hbm>> -> memref<1x512xi32, #tpu.memory_space<hbm>>
        tpu.enqueue_dma source(%dma_start3A_369 : memref<1x512xi32, #tpu.memory_space<hbm>>) target(%dma_start3A_367 : memref<1x512xi32, #tpu.memory_space<vmem>>) target_semaphore(%arg16 : memref<!tpu.dma_semaphore, #tpu.memory_space<semaphore_mem>>)
        %dma_start3A_370 = arith.constant 1 : i32
        %dma_start3A_371 = arith.constant 0 : i32
        %dma_start3A_372 = arith.constant 0 : i32
        %dma_start3A_373 = tpu.memref_slice %arg8[%dma_start3A_370, %dma_start3A_371, %dma_start3A_372] : memref<2x1x512xi32, #tpu.memory_space<vmem>> -> memref<1x1x512xi32, #tpu.memory_space<vmem>>
        %dma_start3A_374 = tpu.memref_squeeze %dma_start3A_373 : memref<1x1x512xi32, #tpu.memory_space<vmem>> -> memref<1x512xi32, #tpu.memory_space<vmem>>
        %dma_start3A_375 = arith.constant 0 : i32
        %dma_start3A_376 = tpu.memref_slice %arg4[%add3A_356, %dma_start3A_375] : memref<6250x512xi32, #tpu.memory_space<hbm>> -> memref<1x512xi32, #tpu.memory_space<hbm>>
        %dma_start3A_377 = arith.constant 0 : i32
        %dma_start3A_378 = arith.constant 0 : i32
        %dma_start3A_379 = tpu.memref_slice %arg8[%dma_start3A_370, %dma_start3A_377, %dma_start3A_378] : memref<2x1x512xi32, #tpu.memory_space<vmem>> -> memref<1x1x512xi32, #tpu.memory_space<vmem>>
        %dma_start3A_380 = tpu.memref_squeeze %dma_start3A_379 : memref<1x1x512xi32, #tpu.memory_space<vmem>> -> memref<1x512xi32, #tpu.memory_space<vmem>>
        %dma_start3A_381 = arith.constant 0 : i32
        %dma_start3A_382 = tpu.memref_slice %arg4[%add3A_356, %dma_start3A_381] : memref<6250x512xi32, #tpu.memory_space<hbm>> -> memref<1x512xi32, #tpu.memory_space<hbm>>
        tpu.enqueue_dma source(%dma_start3A_382 : memref<1x512xi32, #tpu.memory_space<hbm>>) target(%dma_start3A_380 : memref<1x512xi32, #tpu.memory_space<vmem>>) target_semaphore(%arg16 : memref<!tpu.dma_semaphore, #tpu.memory_space<semaphore_mem>>)
      } else {
      }
    }
    %barrier3A_229 = arith.constant 0 : index
    tpu.barrier barrier_id(%barrier3A_229)
    %mul3A_230 = arith.constant 6256 : i32
    %mul3A_231 = arith.muli %arg1, %mul3A_230 : i32
    %multiple_of3A_232 = tpu.assume_multiple %mul3A_231, 8 : i32
    %lt3A_233 = arith.constant 15 : i32
    %lt3A_234 = arith.cmpi slt, %arg1, %lt3A_233 : i32
    %convert_element_type3A = arith.extui %lt3A_234 : i1 to i32
    %cond3A = arith.constant 0 : i32
    %cond3A_235 = arith.cmpi ne, %convert_element_type3A, %cond3A : i32
    scf.if %cond3A_235 {
      "tpu.region"() ({
        %run_scoped3A = tpu.sem_alloc : memref<!tpu.dma_semaphore, #tpu.memory_space<semaphore_mem>>
        %dma_start3A_241 = arith.constant 0 : i32
        %dma_start3A_242 = tpu.memref_slice %arg5[%arg0, %multiple_of3A_232, %dma_start3A_241] : memref<2x100000x16xf32, #tpu.memory_space<hbm>> -> memref<1x6256x16xf32, #tpu.memory_space<hbm>>
        %dma_start3A_243 = tpu.memref_squeeze %dma_start3A_242 : memref<1x6256x16xf32, #tpu.memory_space<hbm>> -> memref<6256x16xf32, #tpu.memory_space<hbm>>
        %dma_start3A_244 = arith.constant 0 : i32
        %dma_start3A_245 = tpu.memref_slice %arg6[%multiple_of3A_232, %dma_start3A_244] : memref<100096x16xf32, #tpu.memory_space<vmem_shared>> -> memref<6256x16xf32, #tpu.memory_space<vmem_shared>>
        tpu.enqueue_dma source(%dma_start3A_245 : memref<6256x16xf32, #tpu.memory_space<vmem_shared>>) target(%dma_start3A_243 : memref<6256x16xf32, #tpu.memory_space<hbm>>) target_semaphore(%run_scoped3A : memref<!tpu.dma_semaphore, #tpu.memory_space<semaphore_mem>>)
        %dma_wait3A_246 = arith.constant 0 : i32
        %dma_wait3A_247 = tpu.memref_slice %arg5[%arg0, %multiple_of3A_232, %dma_wait3A_246] : memref<2x100000x16xf32, #tpu.memory_space<hbm>> -> memref<1x6256x16xf32, #tpu.memory_space<hbm>>
        %dma_wait3A_248 = tpu.memref_squeeze %dma_wait3A_247 : memref<1x6256x16xf32, #tpu.memory_space<hbm>> -> memref<6256x16xf32, #tpu.memory_space<hbm>>
        %dma_wait3A_249 = arith.constant 0 : i32
        %dma_wait3A_250 = tpu.memref_slice %arg6[%multiple_of3A_232, %dma_wait3A_249] : memref<100096x16xf32, #tpu.memory_space<vmem_shared>> -> memref<6256x16xf32, #tpu.memory_space<vmem_shared>>
        tpu.wait_dma2 semaphore(%run_scoped3A : memref<!tpu.dma_semaphore, #tpu.memory_space<semaphore_mem>>) src(%dma_wait3A_250 : memref<6256x16xf32, #tpu.memory_space<vmem_shared>>) dst(%dma_wait3A_248 : memref<6256x16xf32, #tpu.memory_space<hbm>>)
        tpu.yield
      }) : () -> ()
    } else {
    }
    %eq3A_236 = arith.constant 15 : i32
    %eq3A_237 = arith.cmpi eq, %arg1, %eq3A_236 : i32
    %convert_element_type3A_238 = arith.extui %eq3A_237 : i1 to i32
    %cond3A_239 = arith.constant 0 : i32
    %cond3A_240 = arith.cmpi ne, %convert_element_type3A_238, %cond3A_239 : i32
    scf.if %cond3A_240 {
      "tpu.region"() ({
        %run_scoped3A = tpu.sem_alloc : memref<!tpu.dma_semaphore, #tpu.memory_space<semaphore_mem>>
        %dma_start3A_241 = arith.constant 93840 : i32
        %dma_start3A_242 = arith.constant 0 : i32
        %dma_start3A_243 = tpu.memref_slice %arg5[%arg0, %dma_start3A_241, %dma_start3A_242] : memref<2x100000x16xf32, #tpu.memory_space<hbm>> -> memref<1x6160x16xf32, #tpu.memory_space<hbm>>
        %dma_start3A_244 = tpu.memref_squeeze %dma_start3A_243 : memref<1x6160x16xf32, #tpu.memory_space<hbm>> -> memref<6160x16xf32, #tpu.memory_space<hbm>>
        %dma_start3A_245 = arith.constant 93840 : i32
        %dma_start3A_246 = arith.constant 0 : i32
        %dma_start3A_247 = tpu.memref_slice %arg6[%dma_start3A_245, %dma_start3A_246] : memref<100096x16xf32, #tpu.memory_space<vmem_shared>> -> memref<6160x16xf32, #tpu.memory_space<vmem_shared>>
        tpu.enqueue_dma source(%dma_start3A_247 : memref<6160x16xf32, #tpu.memory_space<vmem_shared>>) target(%dma_start3A_244 : memref<6160x16xf32, #tpu.memory_space<hbm>>) target_semaphore(%run_scoped3A : memref<!tpu.dma_semaphore, #tpu.memory_space<semaphore_mem>>)
        %dma_wait3A_248 = arith.constant 93840 : i32
        %dma_wait3A_249 = arith.constant 0 : i32
        %dma_wait3A_250 = tpu.memref_slice %arg5[%arg0, %dma_wait3A_248, %dma_wait3A_249] : memref<2x100000x16xf32, #tpu.memory_space<hbm>> -> memref<1x6160x16xf32, #tpu.memory_space<hbm>>
        %dma_wait3A_251 = tpu.memref_squeeze %dma_wait3A_250 : memref<1x6160x16xf32, #tpu.memory_space<hbm>> -> memref<6160x16xf32, #tpu.memory_space<hbm>>
        %dma_wait3A_252 = arith.constant 93840 : i32
        %dma_wait3A_253 = arith.constant 0 : i32
        %dma_wait3A_254 = tpu.memref_slice %arg6[%dma_wait3A_252, %dma_wait3A_253] : memref<100096x16xf32, #tpu.memory_space<vmem_shared>> -> memref<6160x16xf32, #tpu.memory_space<vmem_shared>>
        tpu.wait_dma2 semaphore(%run_scoped3A : memref<!tpu.dma_semaphore, #tpu.memory_space<semaphore_mem>>) src(%dma_wait3A_254 : memref<6160x16xf32, #tpu.memory_space<vmem_shared>>) dst(%dma_wait3A_251 : memref<6160x16xf32, #tpu.memory_space<hbm>>)
        tpu.yield
      }) : () -> ()
    } else {
    }
    return
  }
}

#map = affine_map<(d0, d1) -> (0, 0)>
#map1 = affine_map<(d0, d1) -> (0, 0, 0)>
module attributes {stable_mosaic.version = 14 : i64} {
  func.func @agg(%arg0: i32, %arg1: i32, %arg2: memref<100000x16xf32, #tpu.memory_space<hbm>>, %arg3: memref<6250x512xi32, #tpu.memory_space<hbm>>, %arg4: memref<6250x512xi32, #tpu.memory_space<hbm>>, %arg5: memref<2x100000x16xf32, #tpu.memory_space<hbm>>, %arg6: memref<100096x16xf32, #tpu.memory_space<vmem_shared>>, %arg7: memref<2x1x512xi32, #tpu.memory_space<vmem>>, %arg8: memref<2x1x512xi32, #tpu.memory_space<vmem>>, %arg9: memref<2x512x16xf32, #tpu.memory_space<vmem>>, %arg10: memref<512x16xf32, #tpu.memory_space<vmem>>, %arg11: memref<!tpu.dma_semaphore, #tpu.memory_space<semaphore_mem>>, %arg12: memref<!tpu.dma_semaphore, #tpu.memory_space<semaphore_mem>>, %arg13: memref<!tpu.dma_semaphore, #tpu.memory_space<semaphore_mem>>, %arg14: memref<!tpu.dma_semaphore, #tpu.memory_space<semaphore_mem>>, %arg15: memref<!tpu.dma_semaphore, #tpu.memory_space<semaphore_mem>>, %arg16: memref<!tpu.dma_semaphore, #tpu.memory_space<semaphore_mem>>) attributes {dimension_semantics = [#tpu.dimension_semantics<core_parallel>, #tpu.dimension_semantics<subcore_parallel>], iteration_bounds = array<i64: 2, 16>, scalar_prefetch = 0 : i64, scratch_operands = 11 : i64, tpu.core_type = #tpu.core_type<sc_vector_subcore>, window_params = [{transform_indices = #map}, {transform_indices = #map}, {transform_indices = #map}, {transform_indices = #map1}]} {
    %eq3A = arith.constant 0 : i32
    %eq3A_0 = arith.cmpi eq, %arg0, %eq3A : i32
    %lt3A = arith.constant 15 : i32
    %lt3A_1 = arith.cmpi slt, %arg1, %lt3A : i32
    %jit3A = arith.constant 174 : i32
    %jit3A_2 = arith.constant 184 : i32
    %select_n3A = arith.select %lt3A_1, %jit3A, %jit3A_2 : i32
    %jit3A_3 = arith.constant 216 : i32
    %select_n3A_4 = arith.select %eq3A_0, %jit3A_3, %select_n3A : i32
    %jit3A_5 = arith.constant 1 : i32
    %div3A = arith.divsi %select_n3A_4, %jit3A_5 : i32
    %sign3A = arith.constant 0 : i32
    %sign3A_6 = arith.cmpi sgt, %select_n3A_4, %sign3A : i32
    %sign3A_7 = arith.extui %sign3A_6 : i1 to i32
    %sign3A_8 = arith.constant 0 : i32
    %sign3A_9 = arith.cmpi slt, %select_n3A_4, %sign3A_8 : i32
    %sign3A_10 = arith.extui %sign3A_9 : i1 to i32
    %sign3A_11 = arith.subi %sign3A_7, %sign3A_10 : i32
    %sign3A_12 = arith.constant 0 : i32
    %sign3A_13 = arith.cmpi sgt, %jit3A_5, %sign3A_12 : i32
    %sign3A_14 = arith.extui %sign3A_13 : i1 to i32
    %sign3A_15 = arith.constant 0 : i32
    %sign3A_16 = arith.cmpi slt, %jit3A_5, %sign3A_15 : i32
    %sign3A_17 = arith.extui %sign3A_16 : i1 to i32
    %sign3A_18 = arith.subi %sign3A_14, %sign3A_17 : i32
    %ne3A = arith.cmpi ne, %sign3A_11, %sign3A_18 : i32
    %rem3A = arith.remsi %select_n3A_4, %jit3A_5 : i32
    %ne3A_19 = arith.constant 0 : i32
    %ne3A_20 = arith.cmpi ne, %rem3A, %ne3A_19 : i32
    %and3A = arith.andi %ne3A, %ne3A_20 : i1
    %sub3A = arith.constant 1 : i32
    %sub3A_21 = arith.subi %div3A, %sub3A : i32
    %select_n3A_22 = arith.select %and3A, %sub3A_21, %div3A : i32
    %eq3A_23 = arith.constant 0 : i32
    %eq3A_24 = arith.cmpi eq, %arg0, %eq3A_23 : i32
    %mul3A = arith.constant 216 : i32
    %mul3A_25 = arith.muli %arg1, %mul3A : i32
    %mul3A_26 = arith.constant 174 : i32
    %mul3A_27 = arith.muli %arg1, %mul3A_26 : i32
    %add3A = arith.constant 3456 : i32
    %add3A_28 = arith.addi %add3A, %mul3A_27 : i32
    %select_n3A_29 = arith.select %eq3A_24, %mul3A_25, %add3A_28 : i32
    %scan3A = arith.constant 0 : i32
    %scan3A_30 = arith.constant 0 : i32
    %scan3A_31 = arith.constant 512 : i32
    %scan3A_32 = arith.addi %scan3A_30, %scan3A_31 : i32
    %scan3A_33 = arith.constant 1 : i32
    scf.for %scan3A_241 = %scan3A_30 to %scan3A_32 step %scan3A_33  : i32 {
      %broadcast_in_dim3A = arith.constant 0.000000e+00 : f32
      %broadcast_in_dim3A_242 = vector.broadcast %broadcast_in_dim3A : f32 to vector<16xf32>
      %swap3A = arith.index_cast %scan3A_241 : i32 to index
      %swap3A_243 = arith.constant 0 : index
      %swap3A_244 = tpu.vector_load %arg10[%swap3A, %swap3A_243] {strides = array<i32>} : memref<512x16xf32, #tpu.memory_space<vmem>>, vector<1x16xf32>,
      %swap3A_245 = vector.shape_cast %swap3A_244 : vector<1x16xf32> to vector<16xf32>
      %swap3A_246 = vector.shape_cast %broadcast_in_dim3A_242 : vector<16xf32> to vector<1x16xf32>
      tpu.vector_store %arg10[%swap3A, %swap3A_243], %swap3A_246 {strides = array<i32>} : memref<512x16xf32, #tpu.memory_space<vmem>>, vector<1x16xf32>,
    }
    %scan3A_34 = arith.constant 512 : i32
    %mul3A_35 = arith.constant 6256 : i32
    %mul3A_36 = arith.muli %arg1, %mul3A_35 : i32
    %add3A_37 = arith.constant 0 : i32
    %add3A_38 = arith.addi %mul3A_36, %add3A_37 : i32
    %multiple_of3A = tpu.assume_multiple %add3A_38, 8 : i32
    "tpu.region"() ({
      %run_scoped3A = tpu.sem_alloc : memref<!tpu.dma_semaphore, #tpu.memory_space<semaphore_mem>>
      %dma_start3A_241 = arith.constant 0 : i32
      %dma_start3A_242 = tpu.memref_slice %arg6[%multiple_of3A, %dma_start3A_241] : memref<100096x16xf32, #tpu.memory_space<vmem_shared>> -> memref<512x16xf32, #tpu.memory_space<vmem_shared>>
      %dma_start3A_243 = arith.constant 0 : i32
      %dma_start3A_244 = tpu.memref_slice %arg6[%multiple_of3A, %dma_start3A_243] : memref<100096x16xf32, #tpu.memory_space<vmem_shared>> -> memref<512x16xf32, #tpu.memory_space<vmem_shared>>
      tpu.enqueue_dma source(%arg10 : memref<512x16xf32, #tpu.memory_space<vmem>>) target(%dma_start3A_244 : memref<512x16xf32, #tpu.memory_space<vmem_shared>>) target_semaphore(%run_scoped3A : memref<!tpu.dma_semaphore, #tpu.memory_space<semaphore_mem>>)
      %dma_wait3A_245 = arith.constant 0 : i32
      %dma_wait3A_246 = tpu.memref_slice %arg6[%multiple_of3A, %dma_wait3A_245] : memref<100096x16xf32, #tpu.memory_space<vmem_shared>> -> memref<512x16xf32, #tpu.memory_space<vmem_shared>>
      %dma_wait3A_247 = arith.constant 0 : i32
      %dma_wait3A_248 = tpu.memref_slice %arg6[%multiple_of3A, %dma_wait3A_247] : memref<100096x16xf32, #tpu.memory_space<vmem_shared>> -> memref<512x16xf32, #tpu.memory_space<vmem_shared>>
      tpu.wait_dma2 semaphore(%run_scoped3A : memref<!tpu.dma_semaphore, #tpu.memory_space<semaphore_mem>>) src(%arg10 : memref<512x16xf32, #tpu.memory_space<vmem>>) dst(%dma_wait3A_248 : memref<512x16xf32, #tpu.memory_space<vmem_shared>>)
      tpu.yield
    }) : () -> ()
    %mul3A_39 = arith.constant 6256 : i32
    %mul3A_40 = arith.muli %arg1, %mul3A_39 : i32
    %add3A_41 = arith.constant 512 : i32
    %add3A_42 = arith.addi %mul3A_40, %add3A_41 : i32
    %multiple_of3A_43 = tpu.assume_multiple %add3A_42, 8 : i32
    "tpu.region"() ({
      %run_scoped3A = tpu.sem_alloc : memref<!tpu.dma_semaphore, #tpu.memory_space<semaphore_mem>>
      %dma_start3A_241 = arith.constant 0 : i32
      %dma_start3A_242 = tpu.memref_slice %arg6[%multiple_of3A_43, %dma_start3A_241] : memref<100096x16xf32, #tpu.memory_space<vmem_shared>> -> memref<512x16xf32, #tpu.memory_space<vmem_shared>>
      %dma_start3A_243 = arith.constant 0 : i32
      %dma_start3A_244 = tpu.memref_slice %arg6[%multiple_of3A_43, %dma_start3A_243] : memref<100096x16xf32, #tpu.memory_space<vmem_shared>> -> memref<512x16xf32, #tpu.memory_space<vmem_shared>>
      tpu.enqueue_dma source(%arg10 : memref<512x16xf32, #tpu.memory_space<vmem>>) target(%dma_start3A_244 : memref<512x16xf32, #tpu.memory_space<vmem_shared>>) target_semaphore(%run_scoped3A : memref<!tpu.dma_semaphore, #tpu.memory_space<semaphore_mem>>)
      %dma_wait3A_245 = arith.constant 0 : i32
      %dma_wait3A_246 = tpu.memref_slice %arg6[%multiple_of3A_43, %dma_wait3A_245] : memref<100096x16xf32, #tpu.memory_space<vmem_shared>> -> memref<512x16xf32, #tpu.memory_space<vmem_shared>>
      %dma_wait3A_247 = arith.constant 0 : i32
      %dma_wait3A_248 = tpu.memref_slice %arg6[%multiple_of3A_43, %dma_wait3A_247] : memref<100096x16xf32, #tpu.memory_space<vmem_shared>> -> memref<512x16xf32, #tpu.memory_space<vmem_shared>>
      tpu.wait_dma2 semaphore(%run_scoped3A : memref<!tpu.dma_semaphore, #tpu.memory_space<semaphore_mem>>) src(%arg10 : memref<512x16xf32, #tpu.memory_space<vmem>>) dst(%dma_wait3A_248 : memref<512x16xf32, #tpu.memory_space<vmem_shared>>)
      tpu.yield
    }) : () -> ()
    %mul3A_44 = arith.constant 6256 : i32
    %mul3A_45 = arith.muli %arg1, %mul3A_44 : i32
    %add3A_46 = arith.constant 1024 : i32
    %add3A_47 = arith.addi %mul3A_45, %add3A_46 : i32
    %multiple_of3A_48 = tpu.assume_multiple %add3A_47, 8 : i32
    "tpu.region"() ({
      %run_scoped3A = tpu.sem_alloc : memref<!tpu.dma_semaphore, #tpu.memory_space<semaphore_mem>>
      %dma_start3A_241 = arith.constant 0 : i32
      %dma_start3A_242 = tpu.memref_slice %arg6[%multiple_of3A_48, %dma_start3A_241] : memref<100096x16xf32, #tpu.memory_space<vmem_shared>> -> memref<512x16xf32, #tpu.memory_space<vmem_shared>>
      %dma_start3A_243 = arith.constant 0 : i32
      %dma_start3A_244 = tpu.memref_slice %arg6[%multiple_of3A_48, %dma_start3A_243] : memref<100096x16xf32, #tpu.memory_space<vmem_shared>> -> memref<512x16xf32, #tpu.memory_space<vmem_shared>>
      tpu.enqueue_dma source(%arg10 : memref<512x16xf32, #tpu.memory_space<vmem>>) target(%dma_start3A_244 : memref<512x16xf32, #tpu.memory_space<vmem_shared>>) target_semaphore(%run_scoped3A : memref<!tpu.dma_semaphore, #tpu.memory_space<semaphore_mem>>)
      %dma_wait3A_245 = arith.constant 0 : i32
      %dma_wait3A_246 = tpu.memref_slice %arg6[%multiple_of3A_48, %dma_wait3A_245] : memref<100096x16xf32, #tpu.memory_space<vmem_shared>> -> memref<512x16xf32, #tpu.memory_space<vmem_shared>>
      %dma_wait3A_247 = arith.constant 0 : i32
      %dma_wait3A_248 = tpu.memref_slice %arg6[%multiple_of3A_48, %dma_wait3A_247] : memref<100096x16xf32, #tpu.memory_space<vmem_shared>> -> memref<512x16xf32, #tpu.memory_space<vmem_shared>>
      tpu.wait_dma2 semaphore(%run_scoped3A : memref<!tpu.dma_semaphore, #tpu.memory_space<semaphore_mem>>) src(%arg10 : memref<512x16xf32, #tpu.memory_space<vmem>>) dst(%dma_wait3A_248 : memref<512x16xf32, #tpu.memory_space<vmem_shared>>)
      tpu.yield
    }) : () -> ()
    %mul3A_49 = arith.constant 6256 : i32
    %mul3A_50 = arith.muli %arg1, %mul3A_49 : i32
    %add3A_51 = arith.constant 1536 : i32
    %add3A_52 = arith.addi %mul3A_50, %add3A_51 : i32
    %multiple_of3A_53 = tpu.assume_multiple %add3A_52, 8 : i32
    "tpu.region"() ({
      %run_scoped3A = tpu.sem_alloc : memref<!tpu.dma_semaphore, #tpu.memory_space<semaphore_mem>>
      %dma_start3A_241 = arith.constant 0 : i32
      %dma_start3A_242 = tpu.memref_slice %arg6[%multiple_of3A_53, %dma_start3A_241] : memref<100096x16xf32, #tpu.memory_space<vmem_shared>> -> memref<512x16xf32, #tpu.memory_space<vmem_shared>>
      %dma_start3A_243 = arith.constant 0 : i32
      %dma_start3A_244 = tpu.memref_slice %arg6[%multiple_of3A_53, %dma_start3A_243] : memref<100096x16xf32, #tpu.memory_space<vmem_shared>> -> memref<512x16xf32, #tpu.memory_space<vmem_shared>>
      tpu.enqueue_dma source(%arg10 : memref<512x16xf32, #tpu.memory_space<vmem>>) target(%dma_start3A_244 : memref<512x16xf32, #tpu.memory_space<vmem_shared>>) target_semaphore(%run_scoped3A : memref<!tpu.dma_semaphore, #tpu.memory_space<semaphore_mem>>)
      %dma_wait3A_245 = arith.constant 0 : i32
      %dma_wait3A_246 = tpu.memref_slice %arg6[%multiple_of3A_53, %dma_wait3A_245] : memref<100096x16xf32, #tpu.memory_space<vmem_shared>> -> memref<512x16xf32, #tpu.memory_space<vmem_shared>>
      %dma_wait3A_247 = arith.constant 0 : i32
      %dma_wait3A_248 = tpu.memref_slice %arg6[%multiple_of3A_53, %dma_wait3A_247] : memref<100096x16xf32, #tpu.memory_space<vmem_shared>> -> memref<512x16xf32, #tpu.memory_space<vmem_shared>>
      tpu.wait_dma2 semaphore(%run_scoped3A : memref<!tpu.dma_semaphore, #tpu.memory_space<semaphore_mem>>) src(%arg10 : memref<512x16xf32, #tpu.memory_space<vmem>>) dst(%dma_wait3A_248 : memref<512x16xf32, #tpu.memory_space<vmem_shared>>)
      tpu.yield
    }) : () -> ()
    %mul3A_54 = arith.constant 6256 : i32
    %mul3A_55 = arith.muli %arg1, %mul3A_54 : i32
    %add3A_56 = arith.constant 2048 : i32
    %add3A_57 = arith.addi %mul3A_55, %add3A_56 : i32
    %multiple_of3A_58 = tpu.assume_multiple %add3A_57, 8 : i32
    "tpu.region"() ({
      %run_scoped3A = tpu.sem_alloc : memref<!tpu.dma_semaphore, #tpu.memory_space<semaphore_mem>>
      %dma_start3A_241 = arith.constant 0 : i32
      %dma_start3A_242 = tpu.memref_slice %arg6[%multiple_of3A_58, %dma_start3A_241] : memref<100096x16xf32, #tpu.memory_space<vmem_shared>> -> memref<512x16xf32, #tpu.memory_space<vmem_shared>>
      %dma_start3A_243 = arith.constant 0 : i32
      %dma_start3A_244 = tpu.memref_slice %arg6[%multiple_of3A_58, %dma_start3A_243] : memref<100096x16xf32, #tpu.memory_space<vmem_shared>> -> memref<512x16xf32, #tpu.memory_space<vmem_shared>>
      tpu.enqueue_dma source(%arg10 : memref<512x16xf32, #tpu.memory_space<vmem>>) target(%dma_start3A_244 : memref<512x16xf32, #tpu.memory_space<vmem_shared>>) target_semaphore(%run_scoped3A : memref<!tpu.dma_semaphore, #tpu.memory_space<semaphore_mem>>)
      %dma_wait3A_245 = arith.constant 0 : i32
      %dma_wait3A_246 = tpu.memref_slice %arg6[%multiple_of3A_58, %dma_wait3A_245] : memref<100096x16xf32, #tpu.memory_space<vmem_shared>> -> memref<512x16xf32, #tpu.memory_space<vmem_shared>>
      %dma_wait3A_247 = arith.constant 0 : i32
      %dma_wait3A_248 = tpu.memref_slice %arg6[%multiple_of3A_58, %dma_wait3A_247] : memref<100096x16xf32, #tpu.memory_space<vmem_shared>> -> memref<512x16xf32, #tpu.memory_space<vmem_shared>>
      tpu.wait_dma2 semaphore(%run_scoped3A : memref<!tpu.dma_semaphore, #tpu.memory_space<semaphore_mem>>) src(%arg10 : memref<512x16xf32, #tpu.memory_space<vmem>>) dst(%dma_wait3A_248 : memref<512x16xf32, #tpu.memory_space<vmem_shared>>)
      tpu.yield
    }) : () -> ()
    %mul3A_59 = arith.constant 6256 : i32
    %mul3A_60 = arith.muli %arg1, %mul3A_59 : i32
    %add3A_61 = arith.constant 2560 : i32
    %add3A_62 = arith.addi %mul3A_60, %add3A_61 : i32
    %multiple_of3A_63 = tpu.assume_multiple %add3A_62, 8 : i32
    "tpu.region"() ({
      %run_scoped3A = tpu.sem_alloc : memref<!tpu.dma_semaphore, #tpu.memory_space<semaphore_mem>>
      %dma_start3A_241 = arith.constant 0 : i32
      %dma_start3A_242 = tpu.memref_slice %arg6[%multiple_of3A_63, %dma_start3A_241] : memref<100096x16xf32, #tpu.memory_space<vmem_shared>> -> memref<512x16xf32, #tpu.memory_space<vmem_shared>>
      %dma_start3A_243 = arith.constant 0 : i32
      %dma_start3A_244 = tpu.memref_slice %arg6[%multiple_of3A_63, %dma_start3A_243] : memref<100096x16xf32, #tpu.memory_space<vmem_shared>> -> memref<512x16xf32, #tpu.memory_space<vmem_shared>>
      tpu.enqueue_dma source(%arg10 : memref<512x16xf32, #tpu.memory_space<vmem>>) target(%dma_start3A_244 : memref<512x16xf32, #tpu.memory_space<vmem_shared>>) target_semaphore(%run_scoped3A : memref<!tpu.dma_semaphore, #tpu.memory_space<semaphore_mem>>)
      %dma_wait3A_245 = arith.constant 0 : i32
      %dma_wait3A_246 = tpu.memref_slice %arg6[%multiple_of3A_63, %dma_wait3A_245] : memref<100096x16xf32, #tpu.memory_space<vmem_shared>> -> memref<512x16xf32, #tpu.memory_space<vmem_shared>>
      %dma_wait3A_247 = arith.constant 0 : i32
      %dma_wait3A_248 = tpu.memref_slice %arg6[%multiple_of3A_63, %dma_wait3A_247] : memref<100096x16xf32, #tpu.memory_space<vmem_shared>> -> memref<512x16xf32, #tpu.memory_space<vmem_shared>>
      tpu.wait_dma2 semaphore(%run_scoped3A : memref<!tpu.dma_semaphore, #tpu.memory_space<semaphore_mem>>) src(%arg10 : memref<512x16xf32, #tpu.memory_space<vmem>>) dst(%dma_wait3A_248 : memref<512x16xf32, #tpu.memory_space<vmem_shared>>)
      tpu.yield
    }) : () -> ()
    %mul3A_64 = arith.constant 6256 : i32
    %mul3A_65 = arith.muli %arg1, %mul3A_64 : i32
    %add3A_66 = arith.constant 3072 : i32
    %add3A_67 = arith.addi %mul3A_65, %add3A_66 : i32
    %multiple_of3A_68 = tpu.assume_multiple %add3A_67, 8 : i32
    "tpu.region"() ({
      %run_scoped3A = tpu.sem_alloc : memref<!tpu.dma_semaphore, #tpu.memory_space<semaphore_mem>>
      %dma_start3A_241 = arith.constant 0 : i32
      %dma_start3A_242 = tpu.memref_slice %arg6[%multiple_of3A_68, %dma_start3A_241] : memref<100096x16xf32, #tpu.memory_space<vmem_shared>> -> memref<512x16xf32, #tpu.memory_space<vmem_shared>>
      %dma_start3A_243 = arith.constant 0 : i32
      %dma_start3A_244 = tpu.memref_slice %arg6[%multiple_of3A_68, %dma_start3A_243] : memref<100096x16xf32, #tpu.memory_space<vmem_shared>> -> memref<512x16xf32, #tpu.memory_space<vmem_shared>>
      tpu.enqueue_dma source(%arg10 : memref<512x16xf32, #tpu.memory_space<vmem>>) target(%dma_start3A_244 : memref<512x16xf32, #tpu.memory_space<vmem_shared>>) target_semaphore(%run_scoped3A : memref<!tpu.dma_semaphore, #tpu.memory_space<semaphore_mem>>)
      %dma_wait3A_245 = arith.constant 0 : i32
      %dma_wait3A_246 = tpu.memref_slice %arg6[%multiple_of3A_68, %dma_wait3A_245] : memref<100096x16xf32, #tpu.memory_space<vmem_shared>> -> memref<512x16xf32, #tpu.memory_space<vmem_shared>>
      %dma_wait3A_247 = arith.constant 0 : i32
      %dma_wait3A_248 = tpu.memref_slice %arg6[%multiple_of3A_68, %dma_wait3A_247] : memref<100096x16xf32, #tpu.memory_space<vmem_shared>> -> memref<512x16xf32, #tpu.memory_space<vmem_shared>>
      tpu.wait_dma2 semaphore(%run_scoped3A : memref<!tpu.dma_semaphore, #tpu.memory_space<semaphore_mem>>) src(%arg10 : memref<512x16xf32, #tpu.memory_space<vmem>>) dst(%dma_wait3A_248 : memref<512x16xf32, #tpu.memory_space<vmem_shared>>)
      tpu.yield
    }) : () -> ()
    %mul3A_69 = arith.constant 6256 : i32
    %mul3A_70 = arith.muli %arg1, %mul3A_69 : i32
    %add3A_71 = arith.constant 3584 : i32
    %add3A_72 = arith.addi %mul3A_70, %add3A_71 : i32
    %multiple_of3A_73 = tpu.assume_multiple %add3A_72, 8 : i32
    "tpu.region"() ({
      %run_scoped3A = tpu.sem_alloc : memref<!tpu.dma_semaphore, #tpu.memory_space<semaphore_mem>>
      %dma_start3A_241 = arith.constant 0 : i32
      %dma_start3A_242 = tpu.memref_slice %arg6[%multiple_of3A_73, %dma_start3A_241] : memref<100096x16xf32, #tpu.memory_space<vmem_shared>> -> memref<512x16xf32, #tpu.memory_space<vmem_shared>>
      %dma_start3A_243 = arith.constant 0 : i32
      %dma_start3A_244 = tpu.memref_slice %arg6[%multiple_of3A_73, %dma_start3A_243] : memref<100096x16xf32, #tpu.memory_space<vmem_shared>> -> memref<512x16xf32, #tpu.memory_space<vmem_shared>>
      tpu.enqueue_dma source(%arg10 : memref<512x16xf32, #tpu.memory_space<vmem>>) target(%dma_start3A_244 : memref<512x16xf32, #tpu.memory_space<vmem_shared>>) target_semaphore(%run_scoped3A : memref<!tpu.dma_semaphore, #tpu.memory_space<semaphore_mem>>)
      %dma_wait3A_245 = arith.constant 0 : i32
      %dma_wait3A_246 = tpu.memref_slice %arg6[%multiple_of3A_73, %dma_wait3A_245] : memref<100096x16xf32, #tpu.memory_space<vmem_shared>> -> memref<512x16xf32, #tpu.memory_space<vmem_shared>>
      %dma_wait3A_247 = arith.constant 0 : i32
      %dma_wait3A_248 = tpu.memref_slice %arg6[%multiple_of3A_73, %dma_wait3A_247] : memref<100096x16xf32, #tpu.memory_space<vmem_shared>> -> memref<512x16xf32, #tpu.memory_space<vmem_shared>>
      tpu.wait_dma2 semaphore(%run_scoped3A : memref<!tpu.dma_semaphore, #tpu.memory_space<semaphore_mem>>) src(%arg10 : memref<512x16xf32, #tpu.memory_space<vmem>>) dst(%dma_wait3A_248 : memref<512x16xf32, #tpu.memory_space<vmem_shared>>)
      tpu.yield
    }) : () -> ()
    %mul3A_74 = arith.constant 6256 : i32
    %mul3A_75 = arith.muli %arg1, %mul3A_74 : i32
    %add3A_76 = arith.constant 4096 : i32
    %add3A_77 = arith.addi %mul3A_75, %add3A_76 : i32
    %multiple_of3A_78 = tpu.assume_multiple %add3A_77, 8 : i32
    "tpu.region"() ({
      %run_scoped3A = tpu.sem_alloc : memref<!tpu.dma_semaphore, #tpu.memory_space<semaphore_mem>>
      %dma_start3A_241 = arith.constant 0 : i32
      %dma_start3A_242 = tpu.memref_slice %arg6[%multiple_of3A_78, %dma_start3A_241] : memref<100096x16xf32, #tpu.memory_space<vmem_shared>> -> memref<512x16xf32, #tpu.memory_space<vmem_shared>>
      %dma_start3A_243 = arith.constant 0 : i32
      %dma_start3A_244 = tpu.memref_slice %arg6[%multiple_of3A_78, %dma_start3A_243] : memref<100096x16xf32, #tpu.memory_space<vmem_shared>> -> memref<512x16xf32, #tpu.memory_space<vmem_shared>>
      tpu.enqueue_dma source(%arg10 : memref<512x16xf32, #tpu.memory_space<vmem>>) target(%dma_start3A_244 : memref<512x16xf32, #tpu.memory_space<vmem_shared>>) target_semaphore(%run_scoped3A : memref<!tpu.dma_semaphore, #tpu.memory_space<semaphore_mem>>)
      %dma_wait3A_245 = arith.constant 0 : i32
      %dma_wait3A_246 = tpu.memref_slice %arg6[%multiple_of3A_78, %dma_wait3A_245] : memref<100096x16xf32, #tpu.memory_space<vmem_shared>> -> memref<512x16xf32, #tpu.memory_space<vmem_shared>>
      %dma_wait3A_247 = arith.constant 0 : i32
      %dma_wait3A_248 = tpu.memref_slice %arg6[%multiple_of3A_78, %dma_wait3A_247] : memref<100096x16xf32, #tpu.memory_space<vmem_shared>> -> memref<512x16xf32, #tpu.memory_space<vmem_shared>>
      tpu.wait_dma2 semaphore(%run_scoped3A : memref<!tpu.dma_semaphore, #tpu.memory_space<semaphore_mem>>) src(%arg10 : memref<512x16xf32, #tpu.memory_space<vmem>>) dst(%dma_wait3A_248 : memref<512x16xf32, #tpu.memory_space<vmem_shared>>)
      tpu.yield
    }) : () -> ()
    %mul3A_79 = arith.constant 6256 : i32
    %mul3A_80 = arith.muli %arg1, %mul3A_79 : i32
    %add3A_81 = arith.constant 4608 : i32
    %add3A_82 = arith.addi %mul3A_80, %add3A_81 : i32
    %multiple_of3A_83 = tpu.assume_multiple %add3A_82, 8 : i32
    "tpu.region"() ({
      %run_scoped3A = tpu.sem_alloc : memref<!tpu.dma_semaphore, #tpu.memory_space<semaphore_mem>>
      %dma_start3A_241 = arith.constant 0 : i32
      %dma_start3A_242 = tpu.memref_slice %arg6[%multiple_of3A_83, %dma_start3A_241] : memref<100096x16xf32, #tpu.memory_space<vmem_shared>> -> memref<512x16xf32, #tpu.memory_space<vmem_shared>>
      %dma_start3A_243 = arith.constant 0 : i32
      %dma_start3A_244 = tpu.memref_slice %arg6[%multiple_of3A_83, %dma_start3A_243] : memref<100096x16xf32, #tpu.memory_space<vmem_shared>> -> memref<512x16xf32, #tpu.memory_space<vmem_shared>>
      tpu.enqueue_dma source(%arg10 : memref<512x16xf32, #tpu.memory_space<vmem>>) target(%dma_start3A_244 : memref<512x16xf32, #tpu.memory_space<vmem_shared>>) target_semaphore(%run_scoped3A : memref<!tpu.dma_semaphore, #tpu.memory_space<semaphore_mem>>)
      %dma_wait3A_245 = arith.constant 0 : i32
      %dma_wait3A_246 = tpu.memref_slice %arg6[%multiple_of3A_83, %dma_wait3A_245] : memref<100096x16xf32, #tpu.memory_space<vmem_shared>> -> memref<512x16xf32, #tpu.memory_space<vmem_shared>>
      %dma_wait3A_247 = arith.constant 0 : i32
      %dma_wait3A_248 = tpu.memref_slice %arg6[%multiple_of3A_83, %dma_wait3A_247] : memref<100096x16xf32, #tpu.memory_space<vmem_shared>> -> memref<512x16xf32, #tpu.memory_space<vmem_shared>>
      tpu.wait_dma2 semaphore(%run_scoped3A : memref<!tpu.dma_semaphore, #tpu.memory_space<semaphore_mem>>) src(%arg10 : memref<512x16xf32, #tpu.memory_space<vmem>>) dst(%dma_wait3A_248 : memref<512x16xf32, #tpu.memory_space<vmem_shared>>)
      tpu.yield
    }) : () -> ()
    %mul3A_84 = arith.constant 6256 : i32
    %mul3A_85 = arith.muli %arg1, %mul3A_84 : i32
    %add3A_86 = arith.constant 5120 : i32
    %add3A_87 = arith.addi %mul3A_85, %add3A_86 : i32
    %multiple_of3A_88 = tpu.assume_multiple %add3A_87, 8 : i32
    "tpu.region"() ({
      %run_scoped3A = tpu.sem_alloc : memref<!tpu.dma_semaphore, #tpu.memory_space<semaphore_mem>>
      %dma_start3A_241 = arith.constant 0 : i32
      %dma_start3A_242 = tpu.memref_slice %arg6[%multiple_of3A_88, %dma_start3A_241] : memref<100096x16xf32, #tpu.memory_space<vmem_shared>> -> memref<512x16xf32, #tpu.memory_space<vmem_shared>>
      %dma_start3A_243 = arith.constant 0 : i32
      %dma_start3A_244 = tpu.memref_slice %arg6[%multiple_of3A_88, %dma_start3A_243] : memref<100096x16xf32, #tpu.memory_space<vmem_shared>> -> memref<512x16xf32, #tpu.memory_space<vmem_shared>>
      tpu.enqueue_dma source(%arg10 : memref<512x16xf32, #tpu.memory_space<vmem>>) target(%dma_start3A_244 : memref<512x16xf32, #tpu.memory_space<vmem_shared>>) target_semaphore(%run_scoped3A : memref<!tpu.dma_semaphore, #tpu.memory_space<semaphore_mem>>)
      %dma_wait3A_245 = arith.constant 0 : i32
      %dma_wait3A_246 = tpu.memref_slice %arg6[%multiple_of3A_88, %dma_wait3A_245] : memref<100096x16xf32, #tpu.memory_space<vmem_shared>> -> memref<512x16xf32, #tpu.memory_space<vmem_shared>>
      %dma_wait3A_247 = arith.constant 0 : i32
      %dma_wait3A_248 = tpu.memref_slice %arg6[%multiple_of3A_88, %dma_wait3A_247] : memref<100096x16xf32, #tpu.memory_space<vmem_shared>> -> memref<512x16xf32, #tpu.memory_space<vmem_shared>>
      tpu.wait_dma2 semaphore(%run_scoped3A : memref<!tpu.dma_semaphore, #tpu.memory_space<semaphore_mem>>) src(%arg10 : memref<512x16xf32, #tpu.memory_space<vmem>>) dst(%dma_wait3A_248 : memref<512x16xf32, #tpu.memory_space<vmem_shared>>)
      tpu.yield
    }) : () -> ()
    %mul3A_89 = arith.constant 6256 : i32
    %mul3A_90 = arith.muli %arg1, %mul3A_89 : i32
    %add3A_91 = arith.constant 5632 : i32
    %add3A_92 = arith.addi %mul3A_90, %add3A_91 : i32
    %multiple_of3A_93 = tpu.assume_multiple %add3A_92, 8 : i32
    "tpu.region"() ({
      %run_scoped3A = tpu.sem_alloc : memref<!tpu.dma_semaphore, #tpu.memory_space<semaphore_mem>>
      %dma_start3A_241 = arith.constant 0 : i32
      %dma_start3A_242 = tpu.memref_slice %arg6[%multiple_of3A_93, %dma_start3A_241] : memref<100096x16xf32, #tpu.memory_space<vmem_shared>> -> memref<512x16xf32, #tpu.memory_space<vmem_shared>>
      %dma_start3A_243 = arith.constant 0 : i32
      %dma_start3A_244 = tpu.memref_slice %arg6[%multiple_of3A_93, %dma_start3A_243] : memref<100096x16xf32, #tpu.memory_space<vmem_shared>> -> memref<512x16xf32, #tpu.memory_space<vmem_shared>>
      tpu.enqueue_dma source(%arg10 : memref<512x16xf32, #tpu.memory_space<vmem>>) target(%dma_start3A_244 : memref<512x16xf32, #tpu.memory_space<vmem_shared>>) target_semaphore(%run_scoped3A : memref<!tpu.dma_semaphore, #tpu.memory_space<semaphore_mem>>)
      %dma_wait3A_245 = arith.constant 0 : i32
      %dma_wait3A_246 = tpu.memref_slice %arg6[%multiple_of3A_93, %dma_wait3A_245] : memref<100096x16xf32, #tpu.memory_space<vmem_shared>> -> memref<512x16xf32, #tpu.memory_space<vmem_shared>>
      %dma_wait3A_247 = arith.constant 0 : i32
      %dma_wait3A_248 = tpu.memref_slice %arg6[%multiple_of3A_93, %dma_wait3A_247] : memref<100096x16xf32, #tpu.memory_space<vmem_shared>> -> memref<512x16xf32, #tpu.memory_space<vmem_shared>>
      tpu.wait_dma2 semaphore(%run_scoped3A : memref<!tpu.dma_semaphore, #tpu.memory_space<semaphore_mem>>) src(%arg10 : memref<512x16xf32, #tpu.memory_space<vmem>>) dst(%dma_wait3A_248 : memref<512x16xf32, #tpu.memory_space<vmem_shared>>)
      tpu.yield
    }) : () -> ()
    %mul3A_94 = arith.constant 6256 : i32
    %mul3A_95 = arith.muli %arg1, %mul3A_94 : i32
    %add3A_96 = arith.constant 6144 : i32
    %add3A_97 = arith.addi %mul3A_95, %add3A_96 : i32
    %multiple_of3A_98 = tpu.assume_multiple %add3A_97, 8 : i32
    "tpu.region"() ({
      %run_scoped3A = tpu.sem_alloc : memref<!tpu.dma_semaphore, #tpu.memory_space<semaphore_mem>>
      %dma_start3A_241 = arith.constant 0 : i32
      %dma_start3A_242 = arith.constant 0 : i32
      %dma_start3A_243 = tpu.memref_slice %arg10[%dma_start3A_241, %dma_start3A_242] : memref<512x16xf32, #tpu.memory_space<vmem>> -> memref<112x16xf32, #tpu.memory_space<vmem>>
      %dma_start3A_244 = arith.constant 0 : i32
      %dma_start3A_245 = tpu.memref_slice %arg6[%multiple_of3A_98, %dma_start3A_244] : memref<100096x16xf32, #tpu.memory_space<vmem_shared>> -> memref<112x16xf32, #tpu.memory_space<vmem_shared>>
      %dma_start3A_246 = arith.constant 0 : i32
      %dma_start3A_247 = tpu.memref_slice %arg6[%multiple_of3A_98, %dma_start3A_246] : memref<100096x16xf32, #tpu.memory_space<vmem_shared>> -> memref<112x16xf32, #tpu.memory_space<vmem_shared>>
      %dma_start3A_248 = arith.constant 0 : i32
      %dma_start3A_249 = arith.constant 0 : i32
      %dma_start3A_250 = tpu.memref_slice %arg10[%dma_start3A_248, %dma_start3A_249] : memref<512x16xf32, #tpu.memory_space<vmem>> -> memref<112x16xf32, #tpu.memory_space<vmem>>
      tpu.enqueue_dma source(%dma_start3A_250 : memref<112x16xf32, #tpu.memory_space<vmem>>) target(%dma_start3A_247 : memref<112x16xf32, #tpu.memory_space<vmem_shared>>) target_semaphore(%run_scoped3A : memref<!tpu.dma_semaphore, #tpu.memory_space<semaphore_mem>>)
      %dma_wait3A_251 = arith.constant 0 : i32
      %dma_wait3A_252 = arith.constant 0 : i32
      %dma_wait3A_253 = tpu.memref_slice %arg10[%dma_wait3A_251, %dma_wait3A_252] : memref<512x16xf32, #tpu.memory_space<vmem>> -> memref<112x16xf32, #tpu.memory_space<vmem>>
      %dma_wait3A_254 = arith.constant 0 : i32
      %dma_wait3A_255 = tpu.memref_slice %arg6[%multiple_of3A_98, %dma_wait3A_254] : memref<100096x16xf32, #tpu.memory_space<vmem_shared>> -> memref<112x16xf32, #tpu.memory_space<vmem_shared>>
      %dma_wait3A_256 = arith.constant 0 : i32
      %dma_wait3A_257 = tpu.memref_slice %arg6[%multiple_of3A_98, %dma_wait3A_256] : memref<100096x16xf32, #tpu.memory_space<vmem_shared>> -> memref<112x16xf32, #tpu.memory_space<vmem_shared>>
      %dma_wait3A_258 = arith.constant 0 : i32
      %dma_wait3A_259 = arith.constant 0 : i32
      %dma_wait3A_260 = tpu.memref_slice %arg10[%dma_wait3A_258, %dma_wait3A_259] : memref<512x16xf32, #tpu.memory_space<vmem>> -> memref<112x16xf32, #tpu.memory_space<vmem>>
      tpu.wait_dma2 semaphore(%run_scoped3A : memref<!tpu.dma_semaphore, #tpu.memory_space<semaphore_mem>>) src(%dma_wait3A_260 : memref<112x16xf32, #tpu.memory_space<vmem>>) dst(%dma_wait3A_257 : memref<112x16xf32, #tpu.memory_space<vmem_shared>>)
      tpu.yield
    }) : () -> ()
    %barrier3A = arith.constant 0 : index
    tpu.barrier barrier_id(%barrier3A)
    %add3A_99 = arith.constant 0 : i32
    %add3A_100 = arith.addi %select_n3A_29, %add3A_99 : i32
    %dma_start3A = arith.constant 0 : i32
    %dma_start3A_101 = arith.constant 0 : i32
    %dma_start3A_102 = arith.constant 0 : i32
    %dma_start3A_103 = tpu.memref_slice %arg7[%dma_start3A, %dma_start3A_101, %dma_start3A_102] : memref<2x1x512xi32, #tpu.memory_space<vmem>> -> memref<1x1x512xi32, #tpu.memory_space<vmem>>
    %dma_start3A_104 = tpu.memref_squeeze %dma_start3A_103 : memref<1x1x512xi32, #tpu.memory_space<vmem>> -> memref<1x512xi32, #tpu.memory_space<vmem>>
    %dma_start3A_105 = arith.constant 0 : i32
    %dma_start3A_106 = tpu.memref_slice %arg3[%add3A_100, %dma_start3A_105] : memref<6250x512xi32, #tpu.memory_space<hbm>> -> memref<1x512xi32, #tpu.memory_space<hbm>>
    %dma_start3A_107 = arith.constant 0 : i32
    %dma_start3A_108 = arith.constant 0 : i32
    %dma_start3A_109 = tpu.memref_slice %arg7[%dma_start3A, %dma_start3A_107, %dma_start3A_108] : memref<2x1x512xi32, #tpu.memory_space<vmem>> -> memref<1x1x512xi32, #tpu.memory_space<vmem>>
    %dma_start3A_110 = tpu.memref_squeeze %dma_start3A_109 : memref<1x1x512xi32, #tpu.memory_space<vmem>> -> memref<1x512xi32, #tpu.memory_space<vmem>>
    %dma_start3A_111 = arith.constant 0 : i32
    %dma_start3A_112 = tpu.memref_slice %arg3[%add3A_100, %dma_start3A_111] : memref<6250x512xi32, #tpu.memory_space<hbm>> -> memref<1x512xi32, #tpu.memory_space<hbm>>
    tpu.enqueue_dma source(%dma_start3A_112 : memref<1x512xi32, #tpu.memory_space<hbm>>) target(%dma_start3A_110 : memref<1x512xi32, #tpu.memory_space<vmem>>) target_semaphore(%arg15 : memref<!tpu.dma_semaphore, #tpu.memory_space<semaphore_mem>>)
    %dma_start3A_113 = arith.constant 0 : i32
    %dma_start3A_114 = arith.constant 0 : i32
    %dma_start3A_115 = arith.constant 0 : i32
    %dma_start3A_116 = tpu.memref_slice %arg8[%dma_start3A_113, %dma_start3A_114, %dma_start3A_115] : memref<2x1x512xi32, #tpu.memory_space<vmem>> -> memref<1x1x512xi32, #tpu.memory_space<vmem>>
    %dma_start3A_117 = tpu.memref_squeeze %dma_start3A_116 : memref<1x1x512xi32, #tpu.memory_space<vmem>> -> memref<1x512xi32, #tpu.memory_space<vmem>>
    %dma_start3A_118 = arith.constant 0 : i32
    %dma_start3A_119 = tpu.memref_slice %arg4[%add3A_100, %dma_start3A_118] : memref<6250x512xi32, #tpu.memory_space<hbm>> -> memref<1x512xi32, #tpu.memory_space<hbm>>
    %dma_start3A_120 = arith.constant 0 : i32
    %dma_start3A_121 = arith.constant 0 : i32
    %dma_start3A_122 = tpu.memref_slice %arg8[%dma_start3A_113, %dma_start3A_120, %dma_start3A_121] : memref<2x1x512xi32, #tpu.memory_space<vmem>> -> memref<1x1x512xi32, #tpu.memory_space<vmem>>
    %dma_start3A_123 = tpu.memref_squeeze %dma_start3A_122 : memref<1x1x512xi32, #tpu.memory_space<vmem>> -> memref<1x512xi32, #tpu.memory_space<vmem>>
    %dma_start3A_124 = arith.constant 0 : i32
    %dma_start3A_125 = tpu.memref_slice %arg4[%add3A_100, %dma_start3A_124] : memref<6250x512xi32, #tpu.memory_space<hbm>> -> memref<1x512xi32, #tpu.memory_space<hbm>>
    tpu.enqueue_dma source(%dma_start3A_125 : memref<1x512xi32, #tpu.memory_space<hbm>>) target(%dma_start3A_123 : memref<1x512xi32, #tpu.memory_space<vmem>>) target_semaphore(%arg15 : memref<!tpu.dma_semaphore, #tpu.memory_space<semaphore_mem>>)
    %dma_wait3A = arith.constant 0 : i32
    %dma_wait3A_126 = arith.constant 0 : i32
    %dma_wait3A_127 = arith.constant 0 : i32
    %dma_wait3A_128 = tpu.memref_slice %arg7[%dma_wait3A, %dma_wait3A_126, %dma_wait3A_127] : memref<2x1x512xi32, #tpu.memory_space<vmem>> -> memref<1x1x512xi32, #tpu.memory_space<vmem>>
    %dma_wait3A_129 = tpu.memref_squeeze %dma_wait3A_128 : memref<1x1x512xi32, #tpu.memory_space<vmem>> -> memref<1x512xi32, #tpu.memory_space<vmem>>
    %dma_wait3A_130 = arith.constant 0 : i32
    %dma_wait3A_131 = arith.constant 0 : i32
    %dma_wait3A_132 = tpu.memref_slice %arg3[%dma_wait3A_130, %dma_wait3A_131] : memref<6250x512xi32, #tpu.memory_space<hbm>> -> memref<1x512xi32, #tpu.memory_space<hbm>>
    %dma_wait3A_133 = arith.constant 0 : i32
    %dma_wait3A_134 = arith.constant 0 : i32
    %dma_wait3A_135 = tpu.memref_slice %arg7[%dma_wait3A, %dma_wait3A_133, %dma_wait3A_134] : memref<2x1x512xi32, #tpu.memory_space<vmem>> -> memref<1x1x512xi32, #tpu.memory_space<vmem>>
    %dma_wait3A_136 = tpu.memref_squeeze %dma_wait3A_135 : memref<1x1x512xi32, #tpu.memory_space<vmem>> -> memref<1x512xi32, #tpu.memory_space<vmem>>
    %dma_wait3A_137 = arith.constant 0 : i32
    %dma_wait3A_138 = arith.constant 0 : i32
    %dma_wait3A_139 = tpu.memref_slice %arg3[%dma_wait3A_137, %dma_wait3A_138] : memref<6250x512xi32, #tpu.memory_space<hbm>> -> memref<1x512xi32, #tpu.memory_space<hbm>>
    tpu.wait_dma2 semaphore(%arg15 : memref<!tpu.dma_semaphore, #tpu.memory_space<semaphore_mem>>) src(%dma_wait3A_139 : memref<1x512xi32, #tpu.memory_space<hbm>>) dst(%dma_wait3A_136 : memref<1x512xi32, #tpu.memory_space<vmem>>)
    %dma_wait3A_140 = arith.constant 0 : i32
    %dma_wait3A_141 = arith.constant 0 : i32
    %dma_wait3A_142 = arith.constant 0 : i32
    %dma_wait3A_143 = tpu.memref_slice %arg8[%dma_wait3A_140, %dma_wait3A_141, %dma_wait3A_142] : memref<2x1x512xi32, #tpu.memory_space<vmem>> -> memref<1x1x512xi32, #tpu.memory_space<vmem>>
    %dma_wait3A_144 = tpu.memref_squeeze %dma_wait3A_143 : memref<1x1x512xi32, #tpu.memory_space<vmem>> -> memref<1x512xi32, #tpu.memory_space<vmem>>
    %dma_wait3A_145 = arith.constant 0 : i32
    %dma_wait3A_146 = arith.constant 0 : i32
    %dma_wait3A_147 = tpu.memref_slice %arg4[%dma_wait3A_145, %dma_wait3A_146] : memref<6250x512xi32, #tpu.memory_space<hbm>> -> memref<1x512xi32, #tpu.memory_space<hbm>>
    %dma_wait3A_148 = arith.constant 0 : i32
    %dma_wait3A_149 = arith.constant 0 : i32
    %dma_wait3A_150 = tpu.memref_slice %arg8[%dma_wait3A_140, %dma_wait3A_148, %dma_wait3A_149] : memref<2x1x512xi32, #tpu.memory_space<vmem>> -> memref<1x1x512xi32, #tpu.memory_space<vmem>>
    %dma_wait3A_151 = tpu.memref_squeeze %dma_wait3A_150 : memref<1x1x512xi32, #tpu.memory_space<vmem>> -> memref<1x512xi32, #tpu.memory_space<vmem>>
    %dma_wait3A_152 = arith.constant 0 : i32
    %dma_wait3A_153 = arith.constant 0 : i32
    %dma_wait3A_154 = tpu.memref_slice %arg4[%dma_wait3A_152, %dma_wait3A_153] : memref<6250x512xi32, #tpu.memory_space<hbm>> -> memref<1x512xi32, #tpu.memory_space<hbm>>
    tpu.wait_dma2 semaphore(%arg15 : memref<!tpu.dma_semaphore, #tpu.memory_space<semaphore_mem>>) src(%dma_wait3A_154 : memref<1x512xi32, #tpu.memory_space<hbm>>) dst(%dma_wait3A_151 : memref<1x512xi32, #tpu.memory_space<vmem>>)
    %dma_start3A_155 = arith.constant 0 : i32
    %dma_start3A_156 = arith.constant 0 : i32
    %dma_start3A_157 = arith.constant 0 : i32
    %dma_start3A_158 = arith.constant 0 : i32
    %dma_start3A_159 = arith.constant 0 : i32
    %dma_start3A_160 = tpu.memref_slice %arg9[%dma_start3A_157, %dma_start3A_158, %dma_start3A_159] : memref<2x512x16xf32, #tpu.memory_space<vmem>> -> memref<1x512x16xf32, #tpu.memory_space<vmem>>
    %dma_start3A_161 = tpu.memref_squeeze %dma_start3A_160 : memref<1x512x16xf32, #tpu.memory_space<vmem>> -> memref<512x16xf32, #tpu.memory_space<vmem>>
    %dma_start3A_162 = arith.constant 0 : i32
    %dma_start3A_163 = tpu.memref_slice %arg7[%dma_start3A_155, %dma_start3A_156, %dma_start3A_162] : memref<2x1x512xi32, #tpu.memory_space<vmem>> -> memref<1x1x512xi32, #tpu.memory_space<vmem>>
    %dma_start3A_164 = tpu.memref_squeeze %dma_start3A_163 : memref<1x1x512xi32, #tpu.memory_space<vmem>> -> memref<512xi32, #tpu.memory_space<vmem>>
    %dma_start3A_165 = arith.constant 0 : i32
    %dma_start3A_166 = arith.constant 0 : i32
    %dma_start3A_167 = tpu.memref_slice %arg2[%dma_start3A_165, %dma_start3A_166] : memref<100000x16xf32, #tpu.memory_space<hbm>> -> memref<100000x16xf32, #tpu.memory_space<hbm>>
    tpu.enqueue_indirect_dma source(%dma_start3A_167 : memref<100000x16xf32, #tpu.memory_space<hbm>>) target(%dma_start3A_161 : memref<512x16xf32, #tpu.memory_space<vmem>>) offsets(%dma_start3A_164 : memref<512xi32, #tpu.memory_space<vmem>>) semaphore(%arg11 : memref<!tpu.dma_semaphore, #tpu.memory_space<semaphore_mem>>)
    %add3A_168 = arith.constant 1 : i32
    %add3A_169 = arith.addi %select_n3A_29, %add3A_168 : i32
    %dma_start3A_170 = arith.constant 1 : i32
    %dma_start3A_171 = arith.constant 0 : i32
    %dma_start3A_172 = arith.constant 0 : i32
    %dma_start3A_173 = tpu.memref_slice %arg7[%dma_start3A_170, %dma_start3A_171, %dma_start3A_172] : memref<2x1x512xi32, #tpu.memory_space<vmem>> -> memref<1x1x512xi32, #tpu.memory_space<vmem>>
    %dma_start3A_174 = tpu.memref_squeeze %dma_start3A_173 : memref<1x1x512xi32, #tpu.memory_space<vmem>> -> memref<1x512xi32, #tpu.memory_space<vmem>>
    %dma_start3A_175 = arith.constant 0 : i32
    %dma_start3A_176 = tpu.memref_slice %arg3[%add3A_169, %dma_start3A_175] : memref<6250x512xi32, #tpu.memory_space<hbm>> -> memref<1x512xi32, #tpu.memory_space<hbm>>
    %dma_start3A_177 = arith.constant 0 : i32
    %dma_start3A_178 = arith.constant 0 : i32
    %dma_start3A_179 = tpu.memref_slice %arg7[%dma_start3A_170, %dma_start3A_177, %dma_start3A_178] : memref<2x1x512xi32, #tpu.memory_space<vmem>> -> memref<1x1x512xi32, #tpu.memory_space<vmem>>
    %dma_start3A_180 = tpu.memref_squeeze %dma_start3A_179 : memref<1x1x512xi32, #tpu.memory_space<vmem>> -> memref<1x512xi32, #tpu.memory_space<vmem>>
    %dma_start3A_181 = arith.constant 0 : i32
    %dma_start3A_182 = tpu.memref_slice %arg3[%add3A_169, %dma_start3A_181] : memref<6250x512xi32, #tpu.memory_space<hbm>> -> memref<1x512xi32, #tpu.memory_space<hbm>>
    tpu.enqueue_dma source(%dma_start3A_182 : memref<1x512xi32, #tpu.memory_space<hbm>>) target(%dma_start3A_180 : memref<1x512xi32, #tpu.memory_space<vmem>>) target_semaphore(%arg16 : memref<!tpu.dma_semaphore, #tpu.memory_space<semaphore_mem>>)
    %dma_start3A_183 = arith.constant 1 : i32
    %dma_start3A_184 = arith.constant 0 : i32
    %dma_start3A_185 = arith.constant 0 : i32
    %dma_start3A_186 = tpu.memref_slice %arg8[%dma_start3A_183, %dma_start3A_184, %dma_start3A_185] : memref<2x1x512xi32, #tpu.memory_space<vmem>> -> memref<1x1x512xi32, #tpu.memory_space<vmem>>
    %dma_start3A_187 = tpu.memref_squeeze %dma_start3A_186 : memref<1x1x512xi32, #tpu.memory_space<vmem>> -> memref<1x512xi32, #tpu.memory_space<vmem>>
    %dma_start3A_188 = arith.constant 0 : i32
    %dma_start3A_189 = tpu.memref_slice %arg4[%add3A_169, %dma_start3A_188] : memref<6250x512xi32, #tpu.memory_space<hbm>> -> memref<1x512xi32, #tpu.memory_space<hbm>>
    %dma_start3A_190 = arith.constant 0 : i32
    %dma_start3A_191 = arith.constant 0 : i32
    %dma_start3A_192 = tpu.memref_slice %arg8[%dma_start3A_183, %dma_start3A_190, %dma_start3A_191] : memref<2x1x512xi32, #tpu.memory_space<vmem>> -> memref<1x1x512xi32, #tpu.memory_space<vmem>>
    %dma_start3A_193 = tpu.memref_squeeze %dma_start3A_192 : memref<1x1x512xi32, #tpu.memory_space<vmem>> -> memref<1x512xi32, #tpu.memory_space<vmem>>
    %dma_start3A_194 = arith.constant 0 : i32
    %dma_start3A_195 = tpu.memref_slice %arg4[%add3A_169, %dma_start3A_194] : memref<6250x512xi32, #tpu.memory_space<hbm>> -> memref<1x512xi32, #tpu.memory_space<hbm>>
    tpu.enqueue_dma source(%dma_start3A_195 : memref<1x512xi32, #tpu.memory_space<hbm>>) target(%dma_start3A_193 : memref<1x512xi32, #tpu.memory_space<vmem>>) target_semaphore(%arg16 : memref<!tpu.dma_semaphore, #tpu.memory_space<semaphore_mem>>)
    %jit3A_196 = arith.constant 2 : i32
    %div3A_197 = arith.divsi %select_n3A_22, %jit3A_196 : i32
    %sign3A_198 = arith.constant 0 : i32
    %sign3A_199 = arith.cmpi sgt, %select_n3A_22, %sign3A_198 : i32
    %sign3A_200 = arith.extui %sign3A_199 : i1 to i32
    %sign3A_201 = arith.constant 0 : i32
    %sign3A_202 = arith.cmpi slt, %select_n3A_22, %sign3A_201 : i32
    %sign3A_203 = arith.extui %sign3A_202 : i1 to i32
    %sign3A_204 = arith.subi %sign3A_200, %sign3A_203 : i32
    %sign3A_205 = arith.constant 0 : i32
    %sign3A_206 = arith.cmpi sgt, %jit3A_196, %sign3A_205 : i32
    %sign3A_207 = arith.extui %sign3A_206 : i1 to i32
    %sign3A_208 = arith.constant 0 : i32
    %sign3A_209 = arith.cmpi slt, %jit3A_196, %sign3A_208 : i32
    %sign3A_210 = arith.extui %sign3A_209 : i1 to i32
    %sign3A_211 = arith.subi %sign3A_207, %sign3A_210 : i32
    %ne3A_212 = arith.cmpi ne, %sign3A_204, %sign3A_211 : i32
    %rem3A_213 = arith.remsi %select_n3A_22, %jit3A_196 : i32
    %ne3A_214 = arith.constant 0 : i32
    %ne3A_215 = arith.cmpi ne, %rem3A_213, %ne3A_214 : i32
    %and3A_216 = arith.andi %ne3A_212, %ne3A_215 : i1
    %sub3A_217 = arith.constant 1 : i32
    %sub3A_218 = arith.subi %div3A_197, %sub3A_217 : i32
    %select_n3A_219 = arith.select %and3A_216, %sub3A_218, %div3A_197 : i32
    %while3A = arith.constant 0 : i32
    %while3A_220 = arith.constant 0 : i32
    %while3A_221 = arith.subi %select_n3A_219, %while3A_220 : i32
    %while3A_222 = arith.addi %while3A_220, %while3A_221 : i32
    %while3A_223 = arith.constant 1 : i32
    %while3A_224 = arith.divsi %while3A_221, %while3A_223 : i32
    %while3A_225 = arith.muli %while3A_224, %while3A_223 : i32
    %while3A_226 = arith.addi %while3A_220, %while3A_225 : i32
    %while3A_227 = arith.constant 1 : i32
    scf.for %while3A_241 = %while3A_220 to %while3A_226 step %while3A_227  : i32 {
      %mul3A_242 = arith.constant 2 : i32
      %mul3A_243 = arith.muli %while3A_241, %mul3A_242 : i32
      %add3A_244 = arith.constant 0 : i32
      %add3A_245 = arith.addi %mul3A_243, %add3A_244 : i32
      %dma_wait3A_246 = arith.constant 0 : i32
      %dma_wait3A_247 = arith.constant 0 : i32
      %dma_wait3A_248 = arith.constant 0 : i32
      %dma_wait3A_249 = arith.constant 0 : i32
      %dma_wait3A_250 = arith.constant 0 : i32
      %dma_wait3A_251 = tpu.memref_slice %arg9[%dma_wait3A_248, %dma_wait3A_249, %dma_wait3A_250] : memref<2x512x16xf32, #tpu.memory_space<vmem>> -> memref<1x512x16xf32, #tpu.memory_space<vmem>>
      %dma_wait3A_252 = tpu.memref_squeeze %dma_wait3A_251 : memref<1x512x16xf32, #tpu.memory_space<vmem>> -> memref<512x16xf32, #tpu.memory_space<vmem>>
      %dma_wait3A_253 = arith.constant 0 : i32
      %dma_wait3A_254 = tpu.memref_slice %arg7[%dma_wait3A_246, %dma_wait3A_247, %dma_wait3A_253] : memref<2x1x512xi32, #tpu.memory_space<vmem>> -> memref<1x1x512xi32, #tpu.memory_space<vmem>>
      %dma_wait3A_255 = tpu.memref_squeeze %dma_wait3A_254 : memref<1x1x512xi32, #tpu.memory_space<vmem>> -> memref<512xi32, #tpu.memory_space<vmem>>
      %dma_wait3A_256 = arith.constant 0 : i32
      %dma_wait3A_257 = arith.constant 0 : i32
      %dma_wait3A_258 = tpu.memref_slice %arg2[%dma_wait3A_256, %dma_wait3A_257] : memref<100000x16xf32, #tpu.memory_space<hbm>> -> memref<100000x16xf32, #tpu.memory_space<hbm>>
      tpu.wait_indirect_dma semaphore(%arg11 : memref<!tpu.dma_semaphore, #tpu.memory_space<semaphore_mem>>) src(%dma_wait3A_258 : memref<100000x16xf32, #tpu.memory_space<hbm>>) dst(%dma_wait3A_252 : memref<512x16xf32, #tpu.memory_space<vmem>>)
      %dma_start3A_259 = arith.constant 0 : i32
      %dma_start3A_260 = arith.constant 0 : i32
      %dma_start3A_261 = arith.constant 0 : i32
      %dma_start3A_262 = arith.constant 0 : i32
      %dma_start3A_263 = arith.constant 0 : i32
      %dma_start3A_264 = tpu.memref_slice %arg9[%dma_start3A_259, %dma_start3A_262, %dma_start3A_263] : memref<2x512x16xf32, #tpu.memory_space<vmem>> -> memref<1x512x16xf32, #tpu.memory_space<vmem>>
      %dma_start3A_265 = tpu.memref_squeeze %dma_start3A_264 : memref<1x512x16xf32, #tpu.memory_space<vmem>> -> memref<512x16xf32, #tpu.memory_space<vmem>>
      %dma_start3A_266 = arith.constant 0 : i32
      %dma_start3A_267 = tpu.memref_slice %arg8[%dma_start3A_260, %dma_start3A_261, %dma_start3A_266] : memref<2x1x512xi32, #tpu.memory_space<vmem>> -> memref<1x1x512xi32, #tpu.memory_space<vmem>>
      %dma_start3A_268 = tpu.memref_squeeze %dma_start3A_267 : memref<1x1x512xi32, #tpu.memory_space<vmem>> -> memref<512xi32, #tpu.memory_space<vmem>>
      %dma_start3A_269 = arith.constant 0 : i32
      %dma_start3A_270 = arith.constant 0 : i32
      %dma_start3A_271 = tpu.memref_slice %arg6[%dma_start3A_269, %dma_start3A_270] : memref<100096x16xf32, #tpu.memory_space<vmem_shared>> -> memref<100096x16xf32, #tpu.memory_space<vmem_shared>>
      tpu.enqueue_indirect_dma source(%dma_start3A_265 : memref<512x16xf32, #tpu.memory_space<vmem>>) target(%dma_start3A_271 : memref<100096x16xf32, #tpu.memory_space<vmem_shared>>) offsets(%dma_start3A_268 : memref<512xi32, #tpu.memory_space<vmem>>) semaphore(%arg13 : memref<!tpu.dma_semaphore, #tpu.memory_space<semaphore_mem>>) {add = true}
      %add3A_272 = arith.constant 1 : i32
      %add3A_273 = arith.addi %add3A_245, %add3A_272 : i32
      %lt3A_274 = arith.cmpi slt, %add3A_273, %select_n3A_22 : i32
      %convert_element_type3A_275 = arith.extui %lt3A_274 : i1 to i32
      %cond3A_276 = arith.constant 0 : i32
      %cond3A_277 = arith.cmpi ne, %convert_element_type3A_275, %cond3A_276 : i32
      scf.if %cond3A_277 {
        %dma_wait3A_352 = arith.constant 1 : i32
        %dma_wait3A_353 = arith.constant 0 : i32
        %dma_wait3A_354 = arith.constant 0 : i32
        %dma_wait3A_355 = tpu.memref_slice %arg7[%dma_wait3A_352, %dma_wait3A_353, %dma_wait3A_354] : memref<2x1x512xi32, #tpu.memory_space<vmem>> -> memref<1x1x512xi32, #tpu.memory_space<vmem>>
        %dma_wait3A_356 = tpu.memref_squeeze %dma_wait3A_355 : memref<1x1x512xi32, #tpu.memory_space<vmem>> -> memref<1x512xi32, #tpu.memory_space<vmem>>
        %dma_wait3A_357 = arith.constant 0 : i32
        %dma_wait3A_358 = arith.constant 0 : i32
        %dma_wait3A_359 = tpu.memref_slice %arg3[%dma_wait3A_357, %dma_wait3A_358] : memref<6250x512xi32, #tpu.memory_space<hbm>> -> memref<1x512xi32, #tpu.memory_space<hbm>>
        %dma_wait3A_360 = arith.constant 0 : i32
        %dma_wait3A_361 = arith.constant 0 : i32
        %dma_wait3A_362 = tpu.memref_slice %arg7[%dma_wait3A_352, %dma_wait3A_360, %dma_wait3A_361] : memref<2x1x512xi32, #tpu.memory_space<vmem>> -> memref<1x1x512xi32, #tpu.memory_space<vmem>>
        %dma_wait3A_363 = tpu.memref_squeeze %dma_wait3A_362 : memref<1x1x512xi32, #tpu.memory_space<vmem>> -> memref<1x512xi32, #tpu.memory_space<vmem>>
        %dma_wait3A_364 = arith.constant 0 : i32
        %dma_wait3A_365 = arith.constant 0 : i32
        %dma_wait3A_366 = tpu.memref_slice %arg3[%dma_wait3A_364, %dma_wait3A_365] : memref<6250x512xi32, #tpu.memory_space<hbm>> -> memref<1x512xi32, #tpu.memory_space<hbm>>
        tpu.wait_dma2 semaphore(%arg16 : memref<!tpu.dma_semaphore, #tpu.memory_space<semaphore_mem>>) src(%dma_wait3A_366 : memref<1x512xi32, #tpu.memory_space<hbm>>) dst(%dma_wait3A_363 : memref<1x512xi32, #tpu.memory_space<vmem>>)
        %dma_wait3A_367 = arith.constant 1 : i32
        %dma_wait3A_368 = arith.constant 0 : i32
        %dma_wait3A_369 = arith.constant 0 : i32
        %dma_wait3A_370 = tpu.memref_slice %arg8[%dma_wait3A_367, %dma_wait3A_368, %dma_wait3A_369] : memref<2x1x512xi32, #tpu.memory_space<vmem>> -> memref<1x1x512xi32, #tpu.memory_space<vmem>>
        %dma_wait3A_371 = tpu.memref_squeeze %dma_wait3A_370 : memref<1x1x512xi32, #tpu.memory_space<vmem>> -> memref<1x512xi32, #tpu.memory_space<vmem>>
        %dma_wait3A_372 = arith.constant 0 : i32
        %dma_wait3A_373 = arith.constant 0 : i32
        %dma_wait3A_374 = tpu.memref_slice %arg4[%dma_wait3A_372, %dma_wait3A_373] : memref<6250x512xi32, #tpu.memory_space<hbm>> -> memref<1x512xi32, #tpu.memory_space<hbm>>
        %dma_wait3A_375 = arith.constant 0 : i32
        %dma_wait3A_376 = arith.constant 0 : i32
        %dma_wait3A_377 = tpu.memref_slice %arg8[%dma_wait3A_367, %dma_wait3A_375, %dma_wait3A_376] : memref<2x1x512xi32, #tpu.memory_space<vmem>> -> memref<1x1x512xi32, #tpu.memory_space<vmem>>
        %dma_wait3A_378 = tpu.memref_squeeze %dma_wait3A_377 : memref<1x1x512xi32, #tpu.memory_space<vmem>> -> memref<1x512xi32, #tpu.memory_space<vmem>>
        %dma_wait3A_379 = arith.constant 0 : i32
        %dma_wait3A_380 = arith.constant 0 : i32
        %dma_wait3A_381 = tpu.memref_slice %arg4[%dma_wait3A_379, %dma_wait3A_380] : memref<6250x512xi32, #tpu.memory_space<hbm>> -> memref<1x512xi32, #tpu.memory_space<hbm>>
        tpu.wait_dma2 semaphore(%arg16 : memref<!tpu.dma_semaphore, #tpu.memory_space<semaphore_mem>>) src(%dma_wait3A_381 : memref<1x512xi32, #tpu.memory_space<hbm>>) dst(%dma_wait3A_378 : memref<1x512xi32, #tpu.memory_space<vmem>>)
        %dma_start3A_382 = arith.constant 1 : i32
        %dma_start3A_383 = arith.constant 0 : i32
        %dma_start3A_384 = arith.constant 1 : i32
        %dma_start3A_385 = arith.constant 0 : i32
        %dma_start3A_386 = arith.constant 0 : i32
        %dma_start3A_387 = tpu.memref_slice %arg9[%dma_start3A_384, %dma_start3A_385, %dma_start3A_386] : memref<2x512x16xf32, #tpu.memory_space<vmem>> -> memref<1x512x16xf32, #tpu.memory_space<vmem>>
        %dma_start3A_388 = tpu.memref_squeeze %dma_start3A_387 : memref<1x512x16xf32, #tpu.memory_space<vmem>> -> memref<512x16xf32, #tpu.memory_space<vmem>>
        %dma_start3A_389 = arith.constant 0 : i32
        %dma_start3A_390 = tpu.memref_slice %arg7[%dma_start3A_382, %dma_start3A_383, %dma_start3A_389] : memref<2x1x512xi32, #tpu.memory_space<vmem>> -> memref<1x1x512xi32, #tpu.memory_space<vmem>>
        %dma_start3A_391 = tpu.memref_squeeze %dma_start3A_390 : memref<1x1x512xi32, #tpu.memory_space<vmem>> -> memref<512xi32, #tpu.memory_space<vmem>>
        %dma_start3A_392 = arith.constant 0 : i32
        %dma_start3A_393 = arith.constant 0 : i32
        %dma_start3A_394 = tpu.memref_slice %arg2[%dma_start3A_392, %dma_start3A_393] : memref<100000x16xf32, #tpu.memory_space<hbm>> -> memref<100000x16xf32, #tpu.memory_space<hbm>>
        tpu.enqueue_indirect_dma source(%dma_start3A_394 : memref<100000x16xf32, #tpu.memory_space<hbm>>) target(%dma_start3A_388 : memref<512x16xf32, #tpu.memory_space<vmem>>) offsets(%dma_start3A_391 : memref<512xi32, #tpu.memory_space<vmem>>) semaphore(%arg12 : memref<!tpu.dma_semaphore, #tpu.memory_space<semaphore_mem>>)
      } else {
      }
      %dma_wait3A_278 = arith.constant 0 : i32
      %dma_wait3A_279 = arith.constant 0 : i32
      %dma_wait3A_280 = arith.constant 0 : i32
      %dma_wait3A_281 = arith.constant 0 : i32
      %dma_wait3A_282 = arith.constant 0 : i32
      %dma_wait3A_283 = tpu.memref_slice %arg9[%dma_wait3A_278, %dma_wait3A_281, %dma_wait3A_282] : memref<2x512x16xf32, #tpu.memory_space<vmem>> -> memref<1x512x16xf32, #tpu.memory_space<vmem>>
      %dma_wait3A_284 = tpu.memref_squeeze %dma_wait3A_283 : memref<1x512x16xf32, #tpu.memory_space<vmem>> -> memref<512x16xf32, #tpu.memory_space<vmem>>
      %dma_wait3A_285 = arith.constant 0 : i32
      %dma_wait3A_286 = tpu.memref_slice %arg8[%dma_wait3A_279, %dma_wait3A_280, %dma_wait3A_285] : memref<2x1x512xi32, #tpu.memory_space<vmem>> -> memref<1x1x512xi32, #tpu.memory_space<vmem>>
      %dma_wait3A_287 = tpu.memref_squeeze %dma_wait3A_286 : memref<1x1x512xi32, #tpu.memory_space<vmem>> -> memref<512xi32, #tpu.memory_space<vmem>>
      %dma_wait3A_288 = arith.constant 0 : i32
      %dma_wait3A_289 = arith.constant 0 : i32
      %dma_wait3A_290 = tpu.memref_slice %arg6[%dma_wait3A_288, %dma_wait3A_289] : memref<100096x16xf32, #tpu.memory_space<vmem_shared>> -> memref<100096x16xf32, #tpu.memory_space<vmem_shared>>
      tpu.wait_indirect_dma semaphore(%arg13 : memref<!tpu.dma_semaphore, #tpu.memory_space<semaphore_mem>>) src(%dma_wait3A_284 : memref<512x16xf32, #tpu.memory_space<vmem>>) dst(%dma_wait3A_290 : memref<100096x16xf32, #tpu.memory_space<vmem_shared>>)
      %add3A_291 = arith.constant 2 : i32
      %add3A_292 = arith.addi %add3A_245, %add3A_291 : i32
      %lt3A_293 = arith.cmpi slt, %add3A_292, %select_n3A_22 : i32
      %convert_element_type3A_294 = arith.extui %lt3A_293 : i1 to i32
      %cond3A_295 = arith.constant 0 : i32
      %cond3A_296 = arith.cmpi ne, %convert_element_type3A_294, %cond3A_295 : i32
      scf.if %cond3A_296 {
        %add3A_352 = arith.constant 2 : i32
        %add3A_353 = arith.addi %add3A_245, %add3A_352 : i32
        %mul3A_354 = arith.constant 1 : i32
        %mul3A_355 = arith.muli %add3A_353, %mul3A_354 : i32
        %add3A_356 = arith.addi %select_n3A_29, %mul3A_355 : i32
        %dma_start3A_357 = arith.constant 0 : i32
        %dma_start3A_358 = arith.constant 0 : i32
        %dma_start3A_359 = arith.constant 0 : i32
        %dma_start3A_360 = tpu.memref_slice %arg7[%dma_start3A_357, %dma_start3A_358, %dma_start3A_359] : memref<2x1x512xi32, #tpu.memory_space<vmem>> -> memref<1x1x512xi32, #tpu.memory_space<vmem>>
        %dma_start3A_361 = tpu.memref_squeeze %dma_start3A_360 : memref<1x1x512xi32, #tpu.memory_space<vmem>> -> memref<1x512xi32, #tpu.memory_space<vmem>>
        %dma_start3A_362 = arith.constant 0 : i32
        %dma_start3A_363 = tpu.memref_slice %arg3[%add3A_356, %dma_start3A_362] : memref<6250x512xi32, #tpu.memory_space<hbm>> -> memref<1x512xi32, #tpu.memory_space<hbm>>
        %dma_start3A_364 = arith.constant 0 : i32
        %dma_start3A_365 = arith.constant 0 : i32
        %dma_start3A_366 = tpu.memref_slice %arg7[%dma_start3A_357, %dma_start3A_364, %dma_start3A_365] : memref<2x1x512xi32, #tpu.memory_space<vmem>> -> memref<1x1x512xi32, #tpu.memory_space<vmem>>
        %dma_start3A_367 = tpu.memref_squeeze %dma_start3A_366 : memref<1x1x512xi32, #tpu.memory_space<vmem>> -> memref<1x512xi32, #tpu.memory_space<vmem>>
        %dma_start3A_368 = arith.constant 0 : i32
        %dma_start3A_369 = tpu.memref_slice %arg3[%add3A_356, %dma_start3A_368] : memref<6250x512xi32, #tpu.memory_space<hbm>> -> memref<1x512xi32, #tpu.memory_space<hbm>>
        tpu.enqueue_dma source(%dma_start3A_369 : memref<1x512xi32, #tpu.memory_space<hbm>>) target(%dma_start3A_367 : memref<1x512xi32, #tpu.memory_space<vmem>>) target_semaphore(%arg15 : memref<!tpu.dma_semaphore, #tpu.memory_space<semaphore_mem>>)
        %dma_start3A_370 = arith.constant 0 : i32
        %dma_start3A_371 = arith.constant 0 : i32
        %dma_start3A_372 = arith.constant 0 : i32
        %dma_start3A_373 = tpu.memref_slice %arg8[%dma_start3A_370, %dma_start3A_371, %dma_start3A_372] : memref<2x1x512xi32, #tpu.memory_space<vmem>> -> memref<1x1x512xi32, #tpu.memory_space<vmem>>
        %dma_start3A_374 = tpu.memref_squeeze %dma_start3A_373 : memref<1x1x512xi32, #tpu.memory_space<vmem>> -> memref<1x512xi32, #tpu.memory_space<vmem>>
        %dma_start3A_375 = arith.constant 0 : i32
        %dma_start3A_376 = tpu.memref_slice %arg4[%add3A_356, %dma_start3A_375] : memref<6250x512xi32, #tpu.memory_space<hbm>> -> memref<1x512xi32, #tpu.memory_space<hbm>>
        %dma_start3A_377 = arith.constant 0 : i32
        %dma_start3A_378 = arith.constant 0 : i32
        %dma_start3A_379 = tpu.memref_slice %arg8[%dma_start3A_370, %dma_start3A_377, %dma_start3A_378] : memref<2x1x512xi32, #tpu.memory_space<vmem>> -> memref<1x1x512xi32, #tpu.memory_space<vmem>>
        %dma_start3A_380 = tpu.memref_squeeze %dma_start3A_379 : memref<1x1x512xi32, #tpu.memory_space<vmem>> -> memref<1x512xi32, #tpu.memory_space<vmem>>
        %dma_start3A_381 = arith.constant 0 : i32
        %dma_start3A_382 = tpu.memref_slice %arg4[%add3A_356, %dma_start3A_381] : memref<6250x512xi32, #tpu.memory_space<hbm>> -> memref<1x512xi32, #tpu.memory_space<hbm>>
        tpu.enqueue_dma source(%dma_start3A_382 : memref<1x512xi32, #tpu.memory_space<hbm>>) target(%dma_start3A_380 : memref<1x512xi32, #tpu.memory_space<vmem>>) target_semaphore(%arg15 : memref<!tpu.dma_semaphore, #tpu.memory_space<semaphore_mem>>)
      } else {
      }
      %mul3A_297 = arith.constant 2 : i32
      %mul3A_298 = arith.muli %while3A_241, %mul3A_297 : i32
      %add3A_299 = arith.constant 1 : i32
      %add3A_300 = arith.addi %mul3A_298, %add3A_299 : i32
      %dma_wait3A_301 = arith.constant 1 : i32
      %dma_wait3A_302 = arith.constant 0 : i32
      %dma_wait3A_303 = arith.constant 1 : i32
      %dma_wait3A_304 = arith.constant 0 : i32
      %dma_wait3A_305 = arith.constant 0 : i32
      %dma_wait3A_306 = tpu.memref_slice %arg9[%dma_wait3A_303, %dma_wait3A_304, %dma_wait3A_305] : memref<2x512x16xf32, #tpu.memory_space<vmem>> -> memref<1x512x16xf32, #tpu.memory_space<vmem>>
      %dma_wait3A_307 = tpu.memref_squeeze %dma_wait3A_306 : memref<1x512x16xf32, #tpu.memory_space<vmem>> -> memref<512x16xf32, #tpu.memory_space<vmem>>
      %dma_wait3A_308 = arith.constant 0 : i32
      %dma_wait3A_309 = tpu.memref_slice %arg7[%dma_wait3A_301, %dma_wait3A_302, %dma_wait3A_308] : memref<2x1x512xi32, #tpu.memory_space<vmem>> -> memref<1x1x512xi32, #tpu.memory_space<vmem>>
      %dma_wait3A_310 = tpu.memref_squeeze %dma_wait3A_309 : memref<1x1x512xi32, #tpu.memory_space<vmem>> -> memref<512xi32, #tpu.memory_space<vmem>>
      %dma_wait3A_311 = arith.constant 0 : i32
      %dma_wait3A_312 = arith.constant 0 : i32
      %dma_wait3A_313 = tpu.memref_slice %arg2[%dma_wait3A_311, %dma_wait3A_312] : memref<100000x16xf32, #tpu.memory_space<hbm>> -> memref<100000x16xf32, #tpu.memory_space<hbm>>
      tpu.wait_indirect_dma semaphore(%arg12 : memref<!tpu.dma_semaphore, #tpu.memory_space<semaphore_mem>>) src(%dma_wait3A_313 : memref<100000x16xf32, #tpu.memory_space<hbm>>) dst(%dma_wait3A_307 : memref<512x16xf32, #tpu.memory_space<vmem>>)
      %dma_start3A_314 = arith.constant 1 : i32
      %dma_start3A_315 = arith.constant 1 : i32
      %dma_start3A_316 = arith.constant 0 : i32
      %dma_start3A_317 = arith.constant 0 : i32
      %dma_start3A_318 = arith.constant 0 : i32
      %dma_start3A_319 = tpu.memref_slice %arg9[%dma_start3A_314, %dma_start3A_317, %dma_start3A_318] : memref<2x512x16xf32, #tpu.memory_space<vmem>> -> memref<1x512x16xf32, #tpu.memory_space<vmem>>
      %dma_start3A_320 = tpu.memref_squeeze %dma_start3A_319 : memref<1x512x16xf32, #tpu.memory_space<vmem>> -> memref<512x16xf32, #tpu.memory_space<vmem>>
      %dma_start3A_321 = arith.constant 0 : i32
      %dma_start3A_322 = tpu.memref_slice %arg8[%dma_start3A_315, %dma_start3A_316, %dma_start3A_321] : memref<2x1x512xi32, #tpu.memory_space<vmem>> -> memref<1x1x512xi32, #tpu.memory_space<vmem>>
      %dma_start3A_323 = tpu.memref_squeeze %dma_start3A_322 : memref<1x1x512xi32, #tpu.memory_space<vmem>> -> memref<512xi32, #tpu.memory_space<vmem>>
      %dma_start3A_324 = arith.constant 0 : i32
      %dma_start3A_325 = arith.constant 0 : i32
      %dma_start3A_326 = tpu.memref_slice %arg6[%dma_start3A_324, %dma_start3A_325] : memref<100096x16xf32, #tpu.memory_space<vmem_shared>> -> memref<100096x16xf32, #tpu.memory_space<vmem_shared>>
      tpu.enqueue_indirect_dma source(%dma_start3A_320 : memref<512x16xf32, #tpu.memory_space<vmem>>) target(%dma_start3A_326 : memref<100096x16xf32, #tpu.memory_space<vmem_shared>>) offsets(%dma_start3A_323 : memref<512xi32, #tpu.memory_space<vmem>>) semaphore(%arg14 : memref<!tpu.dma_semaphore, #tpu.memory_space<semaphore_mem>>) {add = true}
      %add3A_327 = arith.constant 1 : i32
      %add3A_328 = arith.addi %add3A_300, %add3A_327 : i32
      %lt3A_329 = arith.cmpi slt, %add3A_328, %select_n3A_22 : i32
      %convert_element_type3A_330 = arith.extui %lt3A_329 : i1 to i32
      %cond3A_331 = arith.constant 0 : i32
      %cond3A_332 = arith.cmpi ne, %convert_element_type3A_330, %cond3A_331 : i32
      scf.if %cond3A_332 {
        %dma_wait3A_352 = arith.constant 0 : i32
        %dma_wait3A_353 = arith.constant 0 : i32
        %dma_wait3A_354 = arith.constant 0 : i32
        %dma_wait3A_355 = tpu.memref_slice %arg7[%dma_wait3A_352, %dma_wait3A_353, %dma_wait3A_354] : memref<2x1x512xi32, #tpu.memory_space<vmem>> -> memref<1x1x512xi32, #tpu.memory_space<vmem>>
        %dma_wait3A_356 = tpu.memref_squeeze %dma_wait3A_355 : memref<1x1x512xi32, #tpu.memory_space<vmem>> -> memref<1x512xi32, #tpu.memory_space<vmem>>
        %dma_wait3A_357 = arith.constant 0 : i32
        %dma_wait3A_358 = arith.constant 0 : i32
        %dma_wait3A_359 = tpu.memref_slice %arg3[%dma_wait3A_357, %dma_wait3A_358] : memref<6250x512xi32, #tpu.memory_space<hbm>> -> memref<1x512xi32, #tpu.memory_space<hbm>>
        %dma_wait3A_360 = arith.constant 0 : i32
        %dma_wait3A_361 = arith.constant 0 : i32
        %dma_wait3A_362 = tpu.memref_slice %arg7[%dma_wait3A_352, %dma_wait3A_360, %dma_wait3A_361] : memref<2x1x512xi32, #tpu.memory_space<vmem>> -> memref<1x1x512xi32, #tpu.memory_space<vmem>>
        %dma_wait3A_363 = tpu.memref_squeeze %dma_wait3A_362 : memref<1x1x512xi32, #tpu.memory_space<vmem>> -> memref<1x512xi32, #tpu.memory_space<vmem>>
        %dma_wait3A_364 = arith.constant 0 : i32
        %dma_wait3A_365 = arith.constant 0 : i32
        %dma_wait3A_366 = tpu.memref_slice %arg3[%dma_wait3A_364, %dma_wait3A_365] : memref<6250x512xi32, #tpu.memory_space<hbm>> -> memref<1x512xi32, #tpu.memory_space<hbm>>
        tpu.wait_dma2 semaphore(%arg15 : memref<!tpu.dma_semaphore, #tpu.memory_space<semaphore_mem>>) src(%dma_wait3A_366 : memref<1x512xi32, #tpu.memory_space<hbm>>) dst(%dma_wait3A_363 : memref<1x512xi32, #tpu.memory_space<vmem>>)
        %dma_wait3A_367 = arith.constant 0 : i32
        %dma_wait3A_368 = arith.constant 0 : i32
        %dma_wait3A_369 = arith.constant 0 : i32
        %dma_wait3A_370 = tpu.memref_slice %arg8[%dma_wait3A_367, %dma_wait3A_368, %dma_wait3A_369] : memref<2x1x512xi32, #tpu.memory_space<vmem>> -> memref<1x1x512xi32, #tpu.memory_space<vmem>>
        %dma_wait3A_371 = tpu.memref_squeeze %dma_wait3A_370 : memref<1x1x512xi32, #tpu.memory_space<vmem>> -> memref<1x512xi32, #tpu.memory_space<vmem>>
        %dma_wait3A_372 = arith.constant 0 : i32
        %dma_wait3A_373 = arith.constant 0 : i32
        %dma_wait3A_374 = tpu.memref_slice %arg4[%dma_wait3A_372, %dma_wait3A_373] : memref<6250x512xi32, #tpu.memory_space<hbm>> -> memref<1x512xi32, #tpu.memory_space<hbm>>
        %dma_wait3A_375 = arith.constant 0 : i32
        %dma_wait3A_376 = arith.constant 0 : i32
        %dma_wait3A_377 = tpu.memref_slice %arg8[%dma_wait3A_367, %dma_wait3A_375, %dma_wait3A_376] : memref<2x1x512xi32, #tpu.memory_space<vmem>> -> memref<1x1x512xi32, #tpu.memory_space<vmem>>
        %dma_wait3A_378 = tpu.memref_squeeze %dma_wait3A_377 : memref<1x1x512xi32, #tpu.memory_space<vmem>> -> memref<1x512xi32, #tpu.memory_space<vmem>>
        %dma_wait3A_379 = arith.constant 0 : i32
        %dma_wait3A_380 = arith.constant 0 : i32
        %dma_wait3A_381 = tpu.memref_slice %arg4[%dma_wait3A_379, %dma_wait3A_380] : memref<6250x512xi32, #tpu.memory_space<hbm>> -> memref<1x512xi32, #tpu.memory_space<hbm>>
        tpu.wait_dma2 semaphore(%arg15 : memref<!tpu.dma_semaphore, #tpu.memory_space<semaphore_mem>>) src(%dma_wait3A_381 : memref<1x512xi32, #tpu.memory_space<hbm>>) dst(%dma_wait3A_378 : memref<1x512xi32, #tpu.memory_space<vmem>>)
        %dma_start3A_382 = arith.constant 0 : i32
        %dma_start3A_383 = arith.constant 0 : i32
        %dma_start3A_384 = arith.constant 0 : i32
        %dma_start3A_385 = arith.constant 0 : i32
        %dma_start3A_386 = arith.constant 0 : i32
        %dma_start3A_387 = tpu.memref_slice %arg9[%dma_start3A_384, %dma_start3A_385, %dma_start3A_386] : memref<2x512x16xf32, #tpu.memory_space<vmem>> -> memref<1x512x16xf32, #tpu.memory_space<vmem>>
        %dma_start3A_388 = tpu.memref_squeeze %dma_start3A_387 : memref<1x512x16xf32, #tpu.memory_space<vmem>> -> memref<512x16xf32, #tpu.memory_space<vmem>>
        %dma_start3A_389 = arith.constant 0 : i32
        %dma_start3A_390 = tpu.memref_slice %arg7[%dma_start3A_382, %dma_start3A_383, %dma_start3A_389] : memref<2x1x512xi32, #tpu.memory_space<vmem>> -> memref<1x1x512xi32, #tpu.memory_space<vmem>>
        %dma_start3A_391 = tpu.memref_squeeze %dma_start3A_390 : memref<1x1x512xi32, #tpu.memory_space<vmem>> -> memref<512xi32, #tpu.memory_space<vmem>>
        %dma_start3A_392 = arith.constant 0 : i32
        %dma_start3A_393 = arith.constant 0 : i32
        %dma_start3A_394 = tpu.memref_slice %arg2[%dma_start3A_392, %dma_start3A_393] : memref<100000x16xf32, #tpu.memory_space<hbm>> -> memref<100000x16xf32, #tpu.memory_space<hbm>>
        tpu.enqueue_indirect_dma source(%dma_start3A_394 : memref<100000x16xf32, #tpu.memory_space<hbm>>) target(%dma_start3A_388 : memref<512x16xf32, #tpu.memory_space<vmem>>) offsets(%dma_start3A_391 : memref<512xi32, #tpu.memory_space<vmem>>) semaphore(%arg11 : memref<!tpu.dma_semaphore, #tpu.memory_space<semaphore_mem>>)
      } else {
      }
      %dma_wait3A_333 = arith.constant 1 : i32
      %dma_wait3A_334 = arith.constant 1 : i32
      %dma_wait3A_335 = arith.constant 0 : i32
      %dma_wait3A_336 = arith.constant 0 : i32
      %dma_wait3A_337 = arith.constant 0 : i32
      %dma_wait3A_338 = tpu.memref_slice %arg9[%dma_wait3A_333, %dma_wait3A_336, %dma_wait3A_337] : memref<2x512x16xf32, #tpu.memory_space<vmem>> -> memref<1x512x16xf32, #tpu.memory_space<vmem>>
      %dma_wait3A_339 = tpu.memref_squeeze %dma_wait3A_338 : memref<1x512x16xf32, #tpu.memory_space<vmem>> -> memref<512x16xf32, #tpu.memory_space<vmem>>
      %dma_wait3A_340 = arith.constant 0 : i32
      %dma_wait3A_341 = tpu.memref_slice %arg8[%dma_wait3A_334, %dma_wait3A_335, %dma_wait3A_340] : memref<2x1x512xi32, #tpu.memory_space<vmem>> -> memref<1x1x512xi32, #tpu.memory_space<vmem>>
      %dma_wait3A_342 = tpu.memref_squeeze %dma_wait3A_341 : memref<1x1x512xi32, #tpu.memory_space<vmem>> -> memref<512xi32, #tpu.memory_space<vmem>>
      %dma_wait3A_343 = arith.constant 0 : i32
      %dma_wait3A_344 = arith.constant 0 : i32
      %dma_wait3A_345 = tpu.memref_slice %arg6[%dma_wait3A_343, %dma_wait3A_344] : memref<100096x16xf32, #tpu.memory_space<vmem_shared>> -> memref<100096x16xf32, #tpu.memory_space<vmem_shared>>
      tpu.wait_indirect_dma semaphore(%arg14 : memref<!tpu.dma_semaphore, #tpu.memory_space<semaphore_mem>>) src(%dma_wait3A_339 : memref<512x16xf32, #tpu.memory_space<vmem>>) dst(%dma_wait3A_345 : memref<100096x16xf32, #tpu.memory_space<vmem_shared>>)
      %add3A_346 = arith.constant 2 : i32
      %add3A_347 = arith.addi %add3A_300, %add3A_346 : i32
      %lt3A_348 = arith.cmpi slt, %add3A_347, %select_n3A_22 : i32
      %convert_element_type3A_349 = arith.extui %lt3A_348 : i1 to i32
      %cond3A_350 = arith.constant 0 : i32
      %cond3A_351 = arith.cmpi ne, %convert_element_type3A_349, %cond3A_350 : i32
      scf.if %cond3A_351 {
        %add3A_352 = arith.constant 2 : i32
        %add3A_353 = arith.addi %add3A_300, %add3A_352 : i32
        %mul3A_354 = arith.constant 1 : i32
        %mul3A_355 = arith.muli %add3A_353, %mul3A_354 : i32
        %add3A_356 = arith.addi %select_n3A_29, %mul3A_355 : i32
        %dma_start3A_357 = arith.constant 1 : i32
        %dma_start3A_358 = arith.constant 0 : i32
        %dma_start3A_359 = arith.constant 0 : i32
        %dma_start3A_360 = tpu.memref_slice %arg7[%dma_start3A_357, %dma_start3A_358, %dma_start3A_359] : memref<2x1x512xi32, #tpu.memory_space<vmem>> -> memref<1x1x512xi32, #tpu.memory_space<vmem>>
        %dma_start3A_361 = tpu.memref_squeeze %dma_start3A_360 : memref<1x1x512xi32, #tpu.memory_space<vmem>> -> memref<1x512xi32, #tpu.memory_space<vmem>>
        %dma_start3A_362 = arith.constant 0 : i32
        %dma_start3A_363 = tpu.memref_slice %arg3[%add3A_356, %dma_start3A_362] : memref<6250x512xi32, #tpu.memory_space<hbm>> -> memref<1x512xi32, #tpu.memory_space<hbm>>
        %dma_start3A_364 = arith.constant 0 : i32
        %dma_start3A_365 = arith.constant 0 : i32
        %dma_start3A_366 = tpu.memref_slice %arg7[%dma_start3A_357, %dma_start3A_364, %dma_start3A_365] : memref<2x1x512xi32, #tpu.memory_space<vmem>> -> memref<1x1x512xi32, #tpu.memory_space<vmem>>
        %dma_start3A_367 = tpu.memref_squeeze %dma_start3A_366 : memref<1x1x512xi32, #tpu.memory_space<vmem>> -> memref<1x512xi32, #tpu.memory_space<vmem>>
        %dma_start3A_368 = arith.constant 0 : i32
        %dma_start3A_369 = tpu.memref_slice %arg3[%add3A_356, %dma_start3A_368] : memref<6250x512xi32, #tpu.memory_space<hbm>> -> memref<1x512xi32, #tpu.memory_space<hbm>>
        tpu.enqueue_dma source(%dma_start3A_369 : memref<1x512xi32, #tpu.memory_space<hbm>>) target(%dma_start3A_367 : memref<1x512xi32, #tpu.memory_space<vmem>>) target_semaphore(%arg16 : memref<!tpu.dma_semaphore, #tpu.memory_space<semaphore_mem>>)
        %dma_start3A_370 = arith.constant 1 : i32
        %dma_start3A_371 = arith.constant 0 : i32
        %dma_start3A_372 = arith.constant 0 : i32
        %dma_start3A_373 = tpu.memref_slice %arg8[%dma_start3A_370, %dma_start3A_371, %dma_start3A_372] : memref<2x1x512xi32, #tpu.memory_space<vmem>> -> memref<1x1x512xi32, #tpu.memory_space<vmem>>
        %dma_start3A_374 = tpu.memref_squeeze %dma_start3A_373 : memref<1x1x512xi32, #tpu.memory_space<vmem>> -> memref<1x512xi32, #tpu.memory_space<vmem>>
        %dma_start3A_375 = arith.constant 0 : i32
        %dma_start3A_376 = tpu.memref_slice %arg4[%add3A_356, %dma_start3A_375] : memref<6250x512xi32, #tpu.memory_space<hbm>> -> memref<1x512xi32, #tpu.memory_space<hbm>>
        %dma_start3A_377 = arith.constant 0 : i32
        %dma_start3A_378 = arith.constant 0 : i32
        %dma_start3A_379 = tpu.memref_slice %arg8[%dma_start3A_370, %dma_start3A_377, %dma_start3A_378] : memref<2x1x512xi32, #tpu.memory_space<vmem>> -> memref<1x1x512xi32, #tpu.memory_space<vmem>>
        %dma_start3A_380 = tpu.memref_squeeze %dma_start3A_379 : memref<1x1x512xi32, #tpu.memory_space<vmem>> -> memref<1x512xi32, #tpu.memory_space<vmem>>
        %dma_start3A_381 = arith.constant 0 : i32
        %dma_start3A_382 = tpu.memref_slice %arg4[%add3A_356, %dma_start3A_381] : memref<6250x512xi32, #tpu.memory_space<hbm>> -> memref<1x512xi32, #tpu.memory_space<hbm>>
        tpu.enqueue_dma source(%dma_start3A_382 : memref<1x512xi32, #tpu.memory_space<hbm>>) target(%dma_start3A_380 : memref<1x512xi32, #tpu.memory_space<vmem>>) target_semaphore(%arg16 : memref<!tpu.dma_semaphore, #tpu.memory_space<semaphore_mem>>)
      } else {
      }
    }
    %while3A_228 = arith.constant 1 : i32
    scf.for %while3A_241 = %while3A_226 to %while3A_222 step %while3A_228  : i32 {
      %mul3A_242 = arith.constant 2 : i32
      %mul3A_243 = arith.muli %while3A_241, %mul3A_242 : i32
      %add3A_244 = arith.constant 0 : i32
      %add3A_245 = arith.addi %mul3A_243, %add3A_244 : i32
      %dma_wait3A_246 = arith.constant 0 : i32
      %dma_wait3A_247 = arith.constant 0 : i32
      %dma_wait3A_248 = arith.constant 0 : i32
      %dma_wait3A_249 = arith.constant 0 : i32
      %dma_wait3A_250 = arith.constant 0 : i32
      %dma_wait3A_251 = tpu.memref_slice %arg9[%dma_wait3A_248, %dma_wait3A_249, %dma_wait3A_250] : memref<2x512x16xf32, #tpu.memory_space<vmem>> -> memref<1x512x16xf32, #tpu.memory_space<vmem>>
      %dma_wait3A_252 = tpu.memref_squeeze %dma_wait3A_251 : memref<1x512x16xf32, #tpu.memory_space<vmem>> -> memref<512x16xf32, #tpu.memory_space<vmem>>
      %dma_wait3A_253 = arith.constant 0 : i32
      %dma_wait3A_254 = tpu.memref_slice %arg7[%dma_wait3A_246, %dma_wait3A_247, %dma_wait3A_253] : memref<2x1x512xi32, #tpu.memory_space<vmem>> -> memref<1x1x512xi32, #tpu.memory_space<vmem>>
      %dma_wait3A_255 = tpu.memref_squeeze %dma_wait3A_254 : memref<1x1x512xi32, #tpu.memory_space<vmem>> -> memref<512xi32, #tpu.memory_space<vmem>>
      %dma_wait3A_256 = arith.constant 0 : i32
      %dma_wait3A_257 = arith.constant 0 : i32
      %dma_wait3A_258 = tpu.memref_slice %arg2[%dma_wait3A_256, %dma_wait3A_257] : memref<100000x16xf32, #tpu.memory_space<hbm>> -> memref<100000x16xf32, #tpu.memory_space<hbm>>
      tpu.wait_indirect_dma semaphore(%arg11 : memref<!tpu.dma_semaphore, #tpu.memory_space<semaphore_mem>>) src(%dma_wait3A_258 : memref<100000x16xf32, #tpu.memory_space<hbm>>) dst(%dma_wait3A_252 : memref<512x16xf32, #tpu.memory_space<vmem>>)
      %dma_start3A_259 = arith.constant 0 : i32
      %dma_start3A_260 = arith.constant 0 : i32
      %dma_start3A_261 = arith.constant 0 : i32
      %dma_start3A_262 = arith.constant 0 : i32
      %dma_start3A_263 = arith.constant 0 : i32
      %dma_start3A_264 = tpu.memref_slice %arg9[%dma_start3A_259, %dma_start3A_262, %dma_start3A_263] : memref<2x512x16xf32, #tpu.memory_space<vmem>> -> memref<1x512x16xf32, #tpu.memory_space<vmem>>
      %dma_start3A_265 = tpu.memref_squeeze %dma_start3A_264 : memref<1x512x16xf32, #tpu.memory_space<vmem>> -> memref<512x16xf32, #tpu.memory_space<vmem>>
      %dma_start3A_266 = arith.constant 0 : i32
      %dma_start3A_267 = tpu.memref_slice %arg8[%dma_start3A_260, %dma_start3A_261, %dma_start3A_266] : memref<2x1x512xi32, #tpu.memory_space<vmem>> -> memref<1x1x512xi32, #tpu.memory_space<vmem>>
      %dma_start3A_268 = tpu.memref_squeeze %dma_start3A_267 : memref<1x1x512xi32, #tpu.memory_space<vmem>> -> memref<512xi32, #tpu.memory_space<vmem>>
      %dma_start3A_269 = arith.constant 0 : i32
      %dma_start3A_270 = arith.constant 0 : i32
      %dma_start3A_271 = tpu.memref_slice %arg6[%dma_start3A_269, %dma_start3A_270] : memref<100096x16xf32, #tpu.memory_space<vmem_shared>> -> memref<100096x16xf32, #tpu.memory_space<vmem_shared>>
      tpu.enqueue_indirect_dma source(%dma_start3A_265 : memref<512x16xf32, #tpu.memory_space<vmem>>) target(%dma_start3A_271 : memref<100096x16xf32, #tpu.memory_space<vmem_shared>>) offsets(%dma_start3A_268 : memref<512xi32, #tpu.memory_space<vmem>>) semaphore(%arg13 : memref<!tpu.dma_semaphore, #tpu.memory_space<semaphore_mem>>) {add = true}
      %add3A_272 = arith.constant 1 : i32
      %add3A_273 = arith.addi %add3A_245, %add3A_272 : i32
      %lt3A_274 = arith.cmpi slt, %add3A_273, %select_n3A_22 : i32
      %convert_element_type3A_275 = arith.extui %lt3A_274 : i1 to i32
      %cond3A_276 = arith.constant 0 : i32
      %cond3A_277 = arith.cmpi ne, %convert_element_type3A_275, %cond3A_276 : i32
      scf.if %cond3A_277 {
        %dma_wait3A_352 = arith.constant 1 : i32
        %dma_wait3A_353 = arith.constant 0 : i32
        %dma_wait3A_354 = arith.constant 0 : i32
        %dma_wait3A_355 = tpu.memref_slice %arg7[%dma_wait3A_352, %dma_wait3A_353, %dma_wait3A_354] : memref<2x1x512xi32, #tpu.memory_space<vmem>> -> memref<1x1x512xi32, #tpu.memory_space<vmem>>
        %dma_wait3A_356 = tpu.memref_squeeze %dma_wait3A_355 : memref<1x1x512xi32, #tpu.memory_space<vmem>> -> memref<1x512xi32, #tpu.memory_space<vmem>>
        %dma_wait3A_357 = arith.constant 0 : i32
        %dma_wait3A_358 = arith.constant 0 : i32
        %dma_wait3A_359 = tpu.memref_slice %arg3[%dma_wait3A_357, %dma_wait3A_358] : memref<6250x512xi32, #tpu.memory_space<hbm>> -> memref<1x512xi32, #tpu.memory_space<hbm>>
        %dma_wait3A_360 = arith.constant 0 : i32
        %dma_wait3A_361 = arith.constant 0 : i32
        %dma_wait3A_362 = tpu.memref_slice %arg7[%dma_wait3A_352, %dma_wait3A_360, %dma_wait3A_361] : memref<2x1x512xi32, #tpu.memory_space<vmem>> -> memref<1x1x512xi32, #tpu.memory_space<vmem>>
        %dma_wait3A_363 = tpu.memref_squeeze %dma_wait3A_362 : memref<1x1x512xi32, #tpu.memory_space<vmem>> -> memref<1x512xi32, #tpu.memory_space<vmem>>
        %dma_wait3A_364 = arith.constant 0 : i32
        %dma_wait3A_365 = arith.constant 0 : i32
        %dma_wait3A_366 = tpu.memref_slice %arg3[%dma_wait3A_364, %dma_wait3A_365] : memref<6250x512xi32, #tpu.memory_space<hbm>> -> memref<1x512xi32, #tpu.memory_space<hbm>>
        tpu.wait_dma2 semaphore(%arg16 : memref<!tpu.dma_semaphore, #tpu.memory_space<semaphore_mem>>) src(%dma_wait3A_366 : memref<1x512xi32, #tpu.memory_space<hbm>>) dst(%dma_wait3A_363 : memref<1x512xi32, #tpu.memory_space<vmem>>)
        %dma_wait3A_367 = arith.constant 1 : i32
        %dma_wait3A_368 = arith.constant 0 : i32
        %dma_wait3A_369 = arith.constant 0 : i32
        %dma_wait3A_370 = tpu.memref_slice %arg8[%dma_wait3A_367, %dma_wait3A_368, %dma_wait3A_369] : memref<2x1x512xi32, #tpu.memory_space<vmem>> -> memref<1x1x512xi32, #tpu.memory_space<vmem>>
        %dma_wait3A_371 = tpu.memref_squeeze %dma_wait3A_370 : memref<1x1x512xi32, #tpu.memory_space<vmem>> -> memref<1x512xi32, #tpu.memory_space<vmem>>
        %dma_wait3A_372 = arith.constant 0 : i32
        %dma_wait3A_373 = arith.constant 0 : i32
        %dma_wait3A_374 = tpu.memref_slice %arg4[%dma_wait3A_372, %dma_wait3A_373] : memref<6250x512xi32, #tpu.memory_space<hbm>> -> memref<1x512xi32, #tpu.memory_space<hbm>>
        %dma_wait3A_375 = arith.constant 0 : i32
        %dma_wait3A_376 = arith.constant 0 : i32
        %dma_wait3A_377 = tpu.memref_slice %arg8[%dma_wait3A_367, %dma_wait3A_375, %dma_wait3A_376] : memref<2x1x512xi32, #tpu.memory_space<vmem>> -> memref<1x1x512xi32, #tpu.memory_space<vmem>>
        %dma_wait3A_378 = tpu.memref_squeeze %dma_wait3A_377 : memref<1x1x512xi32, #tpu.memory_space<vmem>> -> memref<1x512xi32, #tpu.memory_space<vmem>>
        %dma_wait3A_379 = arith.constant 0 : i32
        %dma_wait3A_380 = arith.constant 0 : i32
        %dma_wait3A_381 = tpu.memref_slice %arg4[%dma_wait3A_379, %dma_wait3A_380] : memref<6250x512xi32, #tpu.memory_space<hbm>> -> memref<1x512xi32, #tpu.memory_space<hbm>>
        tpu.wait_dma2 semaphore(%arg16 : memref<!tpu.dma_semaphore, #tpu.memory_space<semaphore_mem>>) src(%dma_wait3A_381 : memref<1x512xi32, #tpu.memory_space<hbm>>) dst(%dma_wait3A_378 : memref<1x512xi32, #tpu.memory_space<vmem>>)
        %dma_start3A_382 = arith.constant 1 : i32
        %dma_start3A_383 = arith.constant 0 : i32
        %dma_start3A_384 = arith.constant 1 : i32
        %dma_start3A_385 = arith.constant 0 : i32
        %dma_start3A_386 = arith.constant 0 : i32
        %dma_start3A_387 = tpu.memref_slice %arg9[%dma_start3A_384, %dma_start3A_385, %dma_start3A_386] : memref<2x512x16xf32, #tpu.memory_space<vmem>> -> memref<1x512x16xf32, #tpu.memory_space<vmem>>
        %dma_start3A_388 = tpu.memref_squeeze %dma_start3A_387 : memref<1x512x16xf32, #tpu.memory_space<vmem>> -> memref<512x16xf32, #tpu.memory_space<vmem>>
        %dma_start3A_389 = arith.constant 0 : i32
        %dma_start3A_390 = tpu.memref_slice %arg7[%dma_start3A_382, %dma_start3A_383, %dma_start3A_389] : memref<2x1x512xi32, #tpu.memory_space<vmem>> -> memref<1x1x512xi32, #tpu.memory_space<vmem>>
        %dma_start3A_391 = tpu.memref_squeeze %dma_start3A_390 : memref<1x1x512xi32, #tpu.memory_space<vmem>> -> memref<512xi32, #tpu.memory_space<vmem>>
        %dma_start3A_392 = arith.constant 0 : i32
        %dma_start3A_393 = arith.constant 0 : i32
        %dma_start3A_394 = tpu.memref_slice %arg2[%dma_start3A_392, %dma_start3A_393] : memref<100000x16xf32, #tpu.memory_space<hbm>> -> memref<100000x16xf32, #tpu.memory_space<hbm>>
        tpu.enqueue_indirect_dma source(%dma_start3A_394 : memref<100000x16xf32, #tpu.memory_space<hbm>>) target(%dma_start3A_388 : memref<512x16xf32, #tpu.memory_space<vmem>>) offsets(%dma_start3A_391 : memref<512xi32, #tpu.memory_space<vmem>>) semaphore(%arg12 : memref<!tpu.dma_semaphore, #tpu.memory_space<semaphore_mem>>)
      } else {
      }
      %dma_wait3A_278 = arith.constant 0 : i32
      %dma_wait3A_279 = arith.constant 0 : i32
      %dma_wait3A_280 = arith.constant 0 : i32
      %dma_wait3A_281 = arith.constant 0 : i32
      %dma_wait3A_282 = arith.constant 0 : i32
      %dma_wait3A_283 = tpu.memref_slice %arg9[%dma_wait3A_278, %dma_wait3A_281, %dma_wait3A_282] : memref<2x512x16xf32, #tpu.memory_space<vmem>> -> memref<1x512x16xf32, #tpu.memory_space<vmem>>
      %dma_wait3A_284 = tpu.memref_squeeze %dma_wait3A_283 : memref<1x512x16xf32, #tpu.memory_space<vmem>> -> memref<512x16xf32, #tpu.memory_space<vmem>>
      %dma_wait3A_285 = arith.constant 0 : i32
      %dma_wait3A_286 = tpu.memref_slice %arg8[%dma_wait3A_279, %dma_wait3A_280, %dma_wait3A_285] : memref<2x1x512xi32, #tpu.memory_space<vmem>> -> memref<1x1x512xi32, #tpu.memory_space<vmem>>
      %dma_wait3A_287 = tpu.memref_squeeze %dma_wait3A_286 : memref<1x1x512xi32, #tpu.memory_space<vmem>> -> memref<512xi32, #tpu.memory_space<vmem>>
      %dma_wait3A_288 = arith.constant 0 : i32
      %dma_wait3A_289 = arith.constant 0 : i32
      %dma_wait3A_290 = tpu.memref_slice %arg6[%dma_wait3A_288, %dma_wait3A_289] : memref<100096x16xf32, #tpu.memory_space<vmem_shared>> -> memref<100096x16xf32, #tpu.memory_space<vmem_shared>>
      tpu.wait_indirect_dma semaphore(%arg13 : memref<!tpu.dma_semaphore, #tpu.memory_space<semaphore_mem>>) src(%dma_wait3A_284 : memref<512x16xf32, #tpu.memory_space<vmem>>) dst(%dma_wait3A_290 : memref<100096x16xf32, #tpu.memory_space<vmem_shared>>)
      %add3A_291 = arith.constant 2 : i32
      %add3A_292 = arith.addi %add3A_245, %add3A_291 : i32
      %lt3A_293 = arith.cmpi slt, %add3A_292, %select_n3A_22 : i32
      %convert_element_type3A_294 = arith.extui %lt3A_293 : i1 to i32
      %cond3A_295 = arith.constant 0 : i32
      %cond3A_296 = arith.cmpi ne, %convert_element_type3A_294, %cond3A_295 : i32
      scf.if %cond3A_296 {
        %add3A_352 = arith.constant 2 : i32
        %add3A_353 = arith.addi %add3A_245, %add3A_352 : i32
        %mul3A_354 = arith.constant 1 : i32
        %mul3A_355 = arith.muli %add3A_353, %mul3A_354 : i32
        %add3A_356 = arith.addi %select_n3A_29, %mul3A_355 : i32
        %dma_start3A_357 = arith.constant 0 : i32
        %dma_start3A_358 = arith.constant 0 : i32
        %dma_start3A_359 = arith.constant 0 : i32
        %dma_start3A_360 = tpu.memref_slice %arg7[%dma_start3A_357, %dma_start3A_358, %dma_start3A_359] : memref<2x1x512xi32, #tpu.memory_space<vmem>> -> memref<1x1x512xi32, #tpu.memory_space<vmem>>
        %dma_start3A_361 = tpu.memref_squeeze %dma_start3A_360 : memref<1x1x512xi32, #tpu.memory_space<vmem>> -> memref<1x512xi32, #tpu.memory_space<vmem>>
        %dma_start3A_362 = arith.constant 0 : i32
        %dma_start3A_363 = tpu.memref_slice %arg3[%add3A_356, %dma_start3A_362] : memref<6250x512xi32, #tpu.memory_space<hbm>> -> memref<1x512xi32, #tpu.memory_space<hbm>>
        %dma_start3A_364 = arith.constant 0 : i32
        %dma_start3A_365 = arith.constant 0 : i32
        %dma_start3A_366 = tpu.memref_slice %arg7[%dma_start3A_357, %dma_start3A_364, %dma_start3A_365] : memref<2x1x512xi32, #tpu.memory_space<vmem>> -> memref<1x1x512xi32, #tpu.memory_space<vmem>>
        %dma_start3A_367 = tpu.memref_squeeze %dma_start3A_366 : memref<1x1x512xi32, #tpu.memory_space<vmem>> -> memref<1x512xi32, #tpu.memory_space<vmem>>
        %dma_start3A_368 = arith.constant 0 : i32
        %dma_start3A_369 = tpu.memref_slice %arg3[%add3A_356, %dma_start3A_368] : memref<6250x512xi32, #tpu.memory_space<hbm>> -> memref<1x512xi32, #tpu.memory_space<hbm>>
        tpu.enqueue_dma source(%dma_start3A_369 : memref<1x512xi32, #tpu.memory_space<hbm>>) target(%dma_start3A_367 : memref<1x512xi32, #tpu.memory_space<vmem>>) target_semaphore(%arg15 : memref<!tpu.dma_semaphore, #tpu.memory_space<semaphore_mem>>)
        %dma_start3A_370 = arith.constant 0 : i32
        %dma_start3A_371 = arith.constant 0 : i32
        %dma_start3A_372 = arith.constant 0 : i32
        %dma_start3A_373 = tpu.memref_slice %arg8[%dma_start3A_370, %dma_start3A_371, %dma_start3A_372] : memref<2x1x512xi32, #tpu.memory_space<vmem>> -> memref<1x1x512xi32, #tpu.memory_space<vmem>>
        %dma_start3A_374 = tpu.memref_squeeze %dma_start3A_373 : memref<1x1x512xi32, #tpu.memory_space<vmem>> -> memref<1x512xi32, #tpu.memory_space<vmem>>
        %dma_start3A_375 = arith.constant 0 : i32
        %dma_start3A_376 = tpu.memref_slice %arg4[%add3A_356, %dma_start3A_375] : memref<6250x512xi32, #tpu.memory_space<hbm>> -> memref<1x512xi32, #tpu.memory_space<hbm>>
        %dma_start3A_377 = arith.constant 0 : i32
        %dma_start3A_378 = arith.constant 0 : i32
        %dma_start3A_379 = tpu.memref_slice %arg8[%dma_start3A_370, %dma_start3A_377, %dma_start3A_378] : memref<2x1x512xi32, #tpu.memory_space<vmem>> -> memref<1x1x512xi32, #tpu.memory_space<vmem>>
        %dma_start3A_380 = tpu.memref_squeeze %dma_start3A_379 : memref<1x1x512xi32, #tpu.memory_space<vmem>> -> memref<1x512xi32, #tpu.memory_space<vmem>>
        %dma_start3A_381 = arith.constant 0 : i32
        %dma_start3A_382 = tpu.memref_slice %arg4[%add3A_356, %dma_start3A_381] : memref<6250x512xi32, #tpu.memory_space<hbm>> -> memref<1x512xi32, #tpu.memory_space<hbm>>
        tpu.enqueue_dma source(%dma_start3A_382 : memref<1x512xi32, #tpu.memory_space<hbm>>) target(%dma_start3A_380 : memref<1x512xi32, #tpu.memory_space<vmem>>) target_semaphore(%arg15 : memref<!tpu.dma_semaphore, #tpu.memory_space<semaphore_mem>>)
      } else {
      }
      %mul3A_297 = arith.constant 2 : i32
      %mul3A_298 = arith.muli %while3A_241, %mul3A_297 : i32
      %add3A_299 = arith.constant 1 : i32
      %add3A_300 = arith.addi %mul3A_298, %add3A_299 : i32
      %dma_wait3A_301 = arith.constant 1 : i32
      %dma_wait3A_302 = arith.constant 0 : i32
      %dma_wait3A_303 = arith.constant 1 : i32
      %dma_wait3A_304 = arith.constant 0 : i32
      %dma_wait3A_305 = arith.constant 0 : i32
      %dma_wait3A_306 = tpu.memref_slice %arg9[%dma_wait3A_303, %dma_wait3A_304, %dma_wait3A_305] : memref<2x512x16xf32, #tpu.memory_space<vmem>> -> memref<1x512x16xf32, #tpu.memory_space<vmem>>
      %dma_wait3A_307 = tpu.memref_squeeze %dma_wait3A_306 : memref<1x512x16xf32, #tpu.memory_space<vmem>> -> memref<512x16xf32, #tpu.memory_space<vmem>>
      %dma_wait3A_308 = arith.constant 0 : i32
      %dma_wait3A_309 = tpu.memref_slice %arg7[%dma_wait3A_301, %dma_wait3A_302, %dma_wait3A_308] : memref<2x1x512xi32, #tpu.memory_space<vmem>> -> memref<1x1x512xi32, #tpu.memory_space<vmem>>
      %dma_wait3A_310 = tpu.memref_squeeze %dma_wait3A_309 : memref<1x1x512xi32, #tpu.memory_space<vmem>> -> memref<512xi32, #tpu.memory_space<vmem>>
      %dma_wait3A_311 = arith.constant 0 : i32
      %dma_wait3A_312 = arith.constant 0 : i32
      %dma_wait3A_313 = tpu.memref_slice %arg2[%dma_wait3A_311, %dma_wait3A_312] : memref<100000x16xf32, #tpu.memory_space<hbm>> -> memref<100000x16xf32, #tpu.memory_space<hbm>>
      tpu.wait_indirect_dma semaphore(%arg12 : memref<!tpu.dma_semaphore, #tpu.memory_space<semaphore_mem>>) src(%dma_wait3A_313 : memref<100000x16xf32, #tpu.memory_space<hbm>>) dst(%dma_wait3A_307 : memref<512x16xf32, #tpu.memory_space<vmem>>)
      %dma_start3A_314 = arith.constant 1 : i32
      %dma_start3A_315 = arith.constant 1 : i32
      %dma_start3A_316 = arith.constant 0 : i32
      %dma_start3A_317 = arith.constant 0 : i32
      %dma_start3A_318 = arith.constant 0 : i32
      %dma_start3A_319 = tpu.memref_slice %arg9[%dma_start3A_314, %dma_start3A_317, %dma_start3A_318] : memref<2x512x16xf32, #tpu.memory_space<vmem>> -> memref<1x512x16xf32, #tpu.memory_space<vmem>>
      %dma_start3A_320 = tpu.memref_squeeze %dma_start3A_319 : memref<1x512x16xf32, #tpu.memory_space<vmem>> -> memref<512x16xf32, #tpu.memory_space<vmem>>
      %dma_start3A_321 = arith.constant 0 : i32
      %dma_start3A_322 = tpu.memref_slice %arg8[%dma_start3A_315, %dma_start3A_316, %dma_start3A_321] : memref<2x1x512xi32, #tpu.memory_space<vmem>> -> memref<1x1x512xi32, #tpu.memory_space<vmem>>
      %dma_start3A_323 = tpu.memref_squeeze %dma_start3A_322 : memref<1x1x512xi32, #tpu.memory_space<vmem>> -> memref<512xi32, #tpu.memory_space<vmem>>
      %dma_start3A_324 = arith.constant 0 : i32
      %dma_start3A_325 = arith.constant 0 : i32
      %dma_start3A_326 = tpu.memref_slice %arg6[%dma_start3A_324, %dma_start3A_325] : memref<100096x16xf32, #tpu.memory_space<vmem_shared>> -> memref<100096x16xf32, #tpu.memory_space<vmem_shared>>
      tpu.enqueue_indirect_dma source(%dma_start3A_320 : memref<512x16xf32, #tpu.memory_space<vmem>>) target(%dma_start3A_326 : memref<100096x16xf32, #tpu.memory_space<vmem_shared>>) offsets(%dma_start3A_323 : memref<512xi32, #tpu.memory_space<vmem>>) semaphore(%arg14 : memref<!tpu.dma_semaphore, #tpu.memory_space<semaphore_mem>>) {add = true}
      %add3A_327 = arith.constant 1 : i32
      %add3A_328 = arith.addi %add3A_300, %add3A_327 : i32
      %lt3A_329 = arith.cmpi slt, %add3A_328, %select_n3A_22 : i32
      %convert_element_type3A_330 = arith.extui %lt3A_329 : i1 to i32
      %cond3A_331 = arith.constant 0 : i32
      %cond3A_332 = arith.cmpi ne, %convert_element_type3A_330, %cond3A_331 : i32
      scf.if %cond3A_332 {
        %dma_wait3A_352 = arith.constant 0 : i32
        %dma_wait3A_353 = arith.constant 0 : i32
        %dma_wait3A_354 = arith.constant 0 : i32
        %dma_wait3A_355 = tpu.memref_slice %arg7[%dma_wait3A_352, %dma_wait3A_353, %dma_wait3A_354] : memref<2x1x512xi32, #tpu.memory_space<vmem>> -> memref<1x1x512xi32, #tpu.memory_space<vmem>>
        %dma_wait3A_356 = tpu.memref_squeeze %dma_wait3A_355 : memref<1x1x512xi32, #tpu.memory_space<vmem>> -> memref<1x512xi32, #tpu.memory_space<vmem>>
        %dma_wait3A_357 = arith.constant 0 : i32
        %dma_wait3A_358 = arith.constant 0 : i32
        %dma_wait3A_359 = tpu.memref_slice %arg3[%dma_wait3A_357, %dma_wait3A_358] : memref<6250x512xi32, #tpu.memory_space<hbm>> -> memref<1x512xi32, #tpu.memory_space<hbm>>
        %dma_wait3A_360 = arith.constant 0 : i32
        %dma_wait3A_361 = arith.constant 0 : i32
        %dma_wait3A_362 = tpu.memref_slice %arg7[%dma_wait3A_352, %dma_wait3A_360, %dma_wait3A_361] : memref<2x1x512xi32, #tpu.memory_space<vmem>> -> memref<1x1x512xi32, #tpu.memory_space<vmem>>
        %dma_wait3A_363 = tpu.memref_squeeze %dma_wait3A_362 : memref<1x1x512xi32, #tpu.memory_space<vmem>> -> memref<1x512xi32, #tpu.memory_space<vmem>>
        %dma_wait3A_364 = arith.constant 0 : i32
        %dma_wait3A_365 = arith.constant 0 : i32
        %dma_wait3A_366 = tpu.memref_slice %arg3[%dma_wait3A_364, %dma_wait3A_365] : memref<6250x512xi32, #tpu.memory_space<hbm>> -> memref<1x512xi32, #tpu.memory_space<hbm>>
        tpu.wait_dma2 semaphore(%arg15 : memref<!tpu.dma_semaphore, #tpu.memory_space<semaphore_mem>>) src(%dma_wait3A_366 : memref<1x512xi32, #tpu.memory_space<hbm>>) dst(%dma_wait3A_363 : memref<1x512xi32, #tpu.memory_space<vmem>>)
        %dma_wait3A_367 = arith.constant 0 : i32
        %dma_wait3A_368 = arith.constant 0 : i32
        %dma_wait3A_369 = arith.constant 0 : i32
        %dma_wait3A_370 = tpu.memref_slice %arg8[%dma_wait3A_367, %dma_wait3A_368, %dma_wait3A_369] : memref<2x1x512xi32, #tpu.memory_space<vmem>> -> memref<1x1x512xi32, #tpu.memory_space<vmem>>
        %dma_wait3A_371 = tpu.memref_squeeze %dma_wait3A_370 : memref<1x1x512xi32, #tpu.memory_space<vmem>> -> memref<1x512xi32, #tpu.memory_space<vmem>>
        %dma_wait3A_372 = arith.constant 0 : i32
        %dma_wait3A_373 = arith.constant 0 : i32
        %dma_wait3A_374 = tpu.memref_slice %arg4[%dma_wait3A_372, %dma_wait3A_373] : memref<6250x512xi32, #tpu.memory_space<hbm>> -> memref<1x512xi32, #tpu.memory_space<hbm>>
        %dma_wait3A_375 = arith.constant 0 : i32
        %dma_wait3A_376 = arith.constant 0 : i32
        %dma_wait3A_377 = tpu.memref_slice %arg8[%dma_wait3A_367, %dma_wait3A_375, %dma_wait3A_376] : memref<2x1x512xi32, #tpu.memory_space<vmem>> -> memref<1x1x512xi32, #tpu.memory_space<vmem>>
        %dma_wait3A_378 = tpu.memref_squeeze %dma_wait3A_377 : memref<1x1x512xi32, #tpu.memory_space<vmem>> -> memref<1x512xi32, #tpu.memory_space<vmem>>
        %dma_wait3A_379 = arith.constant 0 : i32
        %dma_wait3A_380 = arith.constant 0 : i32
        %dma_wait3A_381 = tpu.memref_slice %arg4[%dma_wait3A_379, %dma_wait3A_380] : memref<6250x512xi32, #tpu.memory_space<hbm>> -> memref<1x512xi32, #tpu.memory_space<hbm>>
        tpu.wait_dma2 semaphore(%arg15 : memref<!tpu.dma_semaphore, #tpu.memory_space<semaphore_mem>>) src(%dma_wait3A_381 : memref<1x512xi32, #tpu.memory_space<hbm>>) dst(%dma_wait3A_378 : memref<1x512xi32, #tpu.memory_space<vmem>>)
        %dma_start3A_382 = arith.constant 0 : i32
        %dma_start3A_383 = arith.constant 0 : i32
        %dma_start3A_384 = arith.constant 0 : i32
        %dma_start3A_385 = arith.constant 0 : i32
        %dma_start3A_386 = arith.constant 0 : i32
        %dma_start3A_387 = tpu.memref_slice %arg9[%dma_start3A_384, %dma_start3A_385, %dma_start3A_386] : memref<2x512x16xf32, #tpu.memory_space<vmem>> -> memref<1x512x16xf32, #tpu.memory_space<vmem>>
        %dma_start3A_388 = tpu.memref_squeeze %dma_start3A_387 : memref<1x512x16xf32, #tpu.memory_space<vmem>> -> memref<512x16xf32, #tpu.memory_space<vmem>>
        %dma_start3A_389 = arith.constant 0 : i32
        %dma_start3A_390 = tpu.memref_slice %arg7[%dma_start3A_382, %dma_start3A_383, %dma_start3A_389] : memref<2x1x512xi32, #tpu.memory_space<vmem>> -> memref<1x1x512xi32, #tpu.memory_space<vmem>>
        %dma_start3A_391 = tpu.memref_squeeze %dma_start3A_390 : memref<1x1x512xi32, #tpu.memory_space<vmem>> -> memref<512xi32, #tpu.memory_space<vmem>>
        %dma_start3A_392 = arith.constant 0 : i32
        %dma_start3A_393 = arith.constant 0 : i32
        %dma_start3A_394 = tpu.memref_slice %arg2[%dma_start3A_392, %dma_start3A_393] : memref<100000x16xf32, #tpu.memory_space<hbm>> -> memref<100000x16xf32, #tpu.memory_space<hbm>>
        tpu.enqueue_indirect_dma source(%dma_start3A_394 : memref<100000x16xf32, #tpu.memory_space<hbm>>) target(%dma_start3A_388 : memref<512x16xf32, #tpu.memory_space<vmem>>) offsets(%dma_start3A_391 : memref<512xi32, #tpu.memory_space<vmem>>) semaphore(%arg11 : memref<!tpu.dma_semaphore, #tpu.memory_space<semaphore_mem>>)
      } else {
      }
      %dma_wait3A_333 = arith.constant 1 : i32
      %dma_wait3A_334 = arith.constant 1 : i32
      %dma_wait3A_335 = arith.constant 0 : i32
      %dma_wait3A_336 = arith.constant 0 : i32
      %dma_wait3A_337 = arith.constant 0 : i32
      %dma_wait3A_338 = tpu.memref_slice %arg9[%dma_wait3A_333, %dma_wait3A_336, %dma_wait3A_337] : memref<2x512x16xf32, #tpu.memory_space<vmem>> -> memref<1x512x16xf32, #tpu.memory_space<vmem>>
      %dma_wait3A_339 = tpu.memref_squeeze %dma_wait3A_338 : memref<1x512x16xf32, #tpu.memory_space<vmem>> -> memref<512x16xf32, #tpu.memory_space<vmem>>
      %dma_wait3A_340 = arith.constant 0 : i32
      %dma_wait3A_341 = tpu.memref_slice %arg8[%dma_wait3A_334, %dma_wait3A_335, %dma_wait3A_340] : memref<2x1x512xi32, #tpu.memory_space<vmem>> -> memref<1x1x512xi32, #tpu.memory_space<vmem>>
      %dma_wait3A_342 = tpu.memref_squeeze %dma_wait3A_341 : memref<1x1x512xi32, #tpu.memory_space<vmem>> -> memref<512xi32, #tpu.memory_space<vmem>>
      %dma_wait3A_343 = arith.constant 0 : i32
      %dma_wait3A_344 = arith.constant 0 : i32
      %dma_wait3A_345 = tpu.memref_slice %arg6[%dma_wait3A_343, %dma_wait3A_344] : memref<100096x16xf32, #tpu.memory_space<vmem_shared>> -> memref<100096x16xf32, #tpu.memory_space<vmem_shared>>
      tpu.wait_indirect_dma semaphore(%arg14 : memref<!tpu.dma_semaphore, #tpu.memory_space<semaphore_mem>>) src(%dma_wait3A_339 : memref<512x16xf32, #tpu.memory_space<vmem>>) dst(%dma_wait3A_345 : memref<100096x16xf32, #tpu.memory_space<vmem_shared>>)
      %add3A_346 = arith.constant 2 : i32
      %add3A_347 = arith.addi %add3A_300, %add3A_346 : i32
      %lt3A_348 = arith.cmpi slt, %add3A_347, %select_n3A_22 : i32
      %convert_element_type3A_349 = arith.extui %lt3A_348 : i1 to i32
      %cond3A_350 = arith.constant 0 : i32
      %cond3A_351 = arith.cmpi ne, %convert_element_type3A_349, %cond3A_350 : i32
      scf.if %cond3A_351 {
        %add3A_352 = arith.constant 2 : i32
        %add3A_353 = arith.addi %add3A_300, %add3A_352 : i32
        %mul3A_354 = arith.constant 1 : i32
        %mul3A_355 = arith.muli %add3A_353, %mul3A_354 : i32
        %add3A_356 = arith.addi %select_n3A_29, %mul3A_355 : i32
        %dma_start3A_357 = arith.constant 1 : i32
        %dma_start3A_358 = arith.constant 0 : i32
        %dma_start3A_359 = arith.constant 0 : i32
        %dma_start3A_360 = tpu.memref_slice %arg7[%dma_start3A_357, %dma_start3A_358, %dma_start3A_359] : memref<2x1x512xi32, #tpu.memory_space<vmem>> -> memref<1x1x512xi32, #tpu.memory_space<vmem>>
        %dma_start3A_361 = tpu.memref_squeeze %dma_start3A_360 : memref<1x1x512xi32, #tpu.memory_space<vmem>> -> memref<1x512xi32, #tpu.memory_space<vmem>>
        %dma_start3A_362 = arith.constant 0 : i32
        %dma_start3A_363 = tpu.memref_slice %arg3[%add3A_356, %dma_start3A_362] : memref<6250x512xi32, #tpu.memory_space<hbm>> -> memref<1x512xi32, #tpu.memory_space<hbm>>
        %dma_start3A_364 = arith.constant 0 : i32
        %dma_start3A_365 = arith.constant 0 : i32
        %dma_start3A_366 = tpu.memref_slice %arg7[%dma_start3A_357, %dma_start3A_364, %dma_start3A_365] : memref<2x1x512xi32, #tpu.memory_space<vmem>> -> memref<1x1x512xi32, #tpu.memory_space<vmem>>
        %dma_start3A_367 = tpu.memref_squeeze %dma_start3A_366 : memref<1x1x512xi32, #tpu.memory_space<vmem>> -> memref<1x512xi32, #tpu.memory_space<vmem>>
        %dma_start3A_368 = arith.constant 0 : i32
        %dma_start3A_369 = tpu.memref_slice %arg3[%add3A_356, %dma_start3A_368] : memref<6250x512xi32, #tpu.memory_space<hbm>> -> memref<1x512xi32, #tpu.memory_space<hbm>>
        tpu.enqueue_dma source(%dma_start3A_369 : memref<1x512xi32, #tpu.memory_space<hbm>>) target(%dma_start3A_367 : memref<1x512xi32, #tpu.memory_space<vmem>>) target_semaphore(%arg16 : memref<!tpu.dma_semaphore, #tpu.memory_space<semaphore_mem>>)
        %dma_start3A_370 = arith.constant 1 : i32
        %dma_start3A_371 = arith.constant 0 : i32
        %dma_start3A_372 = arith.constant 0 : i32
        %dma_start3A_373 = tpu.memref_slice %arg8[%dma_start3A_370, %dma_start3A_371, %dma_start3A_372] : memref<2x1x512xi32, #tpu.memory_space<vmem>> -> memref<1x1x512xi32, #tpu.memory_space<vmem>>
        %dma_start3A_374 = tpu.memref_squeeze %dma_start3A_373 : memref<1x1x512xi32, #tpu.memory_space<vmem>> -> memref<1x512xi32, #tpu.memory_space<vmem>>
        %dma_start3A_375 = arith.constant 0 : i32
        %dma_start3A_376 = tpu.memref_slice %arg4[%add3A_356, %dma_start3A_375] : memref<6250x512xi32, #tpu.memory_space<hbm>> -> memref<1x512xi32, #tpu.memory_space<hbm>>
        %dma_start3A_377 = arith.constant 0 : i32
        %dma_start3A_378 = arith.constant 0 : i32
        %dma_start3A_379 = tpu.memref_slice %arg8[%dma_start3A_370, %dma_start3A_377, %dma_start3A_378] : memref<2x1x512xi32, #tpu.memory_space<vmem>> -> memref<1x1x512xi32, #tpu.memory_space<vmem>>
        %dma_start3A_380 = tpu.memref_squeeze %dma_start3A_379 : memref<1x1x512xi32, #tpu.memory_space<vmem>> -> memref<1x512xi32, #tpu.memory_space<vmem>>
        %dma_start3A_381 = arith.constant 0 : i32
        %dma_start3A_382 = tpu.memref_slice %arg4[%add3A_356, %dma_start3A_381] : memref<6250x512xi32, #tpu.memory_space<hbm>> -> memref<1x512xi32, #tpu.memory_space<hbm>>
        tpu.enqueue_dma source(%dma_start3A_382 : memref<1x512xi32, #tpu.memory_space<hbm>>) target(%dma_start3A_380 : memref<1x512xi32, #tpu.memory_space<vmem>>) target_semaphore(%arg16 : memref<!tpu.dma_semaphore, #tpu.memory_space<semaphore_mem>>)
      } else {
      }
    }
    %barrier3A_229 = arith.constant 0 : index
    tpu.barrier barrier_id(%barrier3A_229)
    %mul3A_230 = arith.constant 6256 : i32
    %mul3A_231 = arith.muli %arg1, %mul3A_230 : i32
    %multiple_of3A_232 = tpu.assume_multiple %mul3A_231, 8 : i32
    %lt3A_233 = arith.constant 15 : i32
    %lt3A_234 = arith.cmpi slt, %arg1, %lt3A_233 : i32
    %convert_element_type3A = arith.extui %lt3A_234 : i1 to i32
    %cond3A = arith.constant 0 : i32
    %cond3A_235 = arith.cmpi ne, %convert_element_type3A, %cond3A : i32
    scf.if %cond3A_235 {
      "tpu.region"() ({
        %run_scoped3A = tpu.sem_alloc : memref<!tpu.dma_semaphore, #tpu.memory_space<semaphore_mem>>
        %dma_start3A_241 = arith.constant 0 : i32
        %dma_start3A_242 = tpu.memref_slice %arg5[%arg0, %multiple_of3A_232, %dma_start3A_241] : memref<2x100000x16xf32, #tpu.memory_space<hbm>> -> memref<1x6256x16xf32, #tpu.memory_space<hbm>>
        %dma_start3A_243 = tpu.memref_squeeze %dma_start3A_242 : memref<1x6256x16xf32, #tpu.memory_space<hbm>> -> memref<6256x16xf32, #tpu.memory_space<hbm>>
        %dma_start3A_244 = arith.constant 0 : i32
        %dma_start3A_245 = tpu.memref_slice %arg6[%multiple_of3A_232, %dma_start3A_244] : memref<100096x16xf32, #tpu.memory_space<vmem_shared>> -> memref<6256x16xf32, #tpu.memory_space<vmem_shared>>
        tpu.enqueue_dma source(%dma_start3A_245 : memref<6256x16xf32, #tpu.memory_space<vmem_shared>>) target(%dma_start3A_243 : memref<6256x16xf32, #tpu.memory_space<hbm>>) target_semaphore(%run_scoped3A : memref<!tpu.dma_semaphore, #tpu.memory_space<semaphore_mem>>)
        %dma_wait3A_246 = arith.constant 0 : i32
        %dma_wait3A_247 = tpu.memref_slice %arg5[%arg0, %multiple_of3A_232, %dma_wait3A_246] : memref<2x100000x16xf32, #tpu.memory_space<hbm>> -> memref<1x6256x16xf32, #tpu.memory_space<hbm>>
        %dma_wait3A_248 = tpu.memref_squeeze %dma_wait3A_247 : memref<1x6256x16xf32, #tpu.memory_space<hbm>> -> memref<6256x16xf32, #tpu.memory_space<hbm>>
        %dma_wait3A_249 = arith.constant 0 : i32
        %dma_wait3A_250 = tpu.memref_slice %arg6[%multiple_of3A_232, %dma_wait3A_249] : memref<100096x16xf32, #tpu.memory_space<vmem_shared>> -> memref<6256x16xf32, #tpu.memory_space<vmem_shared>>
        tpu.wait_dma2 semaphore(%run_scoped3A : memref<!tpu.dma_semaphore, #tpu.memory_space<semaphore_mem>>) src(%dma_wait3A_250 : memref<6256x16xf32, #tpu.memory_space<vmem_shared>>) dst(%dma_wait3A_248 : memref<6256x16xf32, #tpu.memory_space<hbm>>)
        tpu.yield
      }) : () -> ()
    } else {
    }
    %eq3A_236 = arith.constant 15 : i32
    %eq3A_237 = arith.cmpi eq, %arg1, %eq3A_236 : i32
    %convert_element_type3A_238 = arith.extui %eq3A_237 : i1 to i32
    %cond3A_239 = arith.constant 0 : i32
    %cond3A_240 = arith.cmpi ne, %convert_element_type3A_238, %cond3A_239 : i32
    scf.if %cond3A_240 {
      "tpu.region"() ({
        %run_scoped3A = tpu.sem_alloc : memref<!tpu.dma_semaphore, #tpu.memory_space<semaphore_mem>>
        %dma_start3A_241 = arith.constant 93840 : i32
        %dma_start3A_242 = arith.constant 0 : i32
        %dma_start3A_243 = tpu.memref_slice %arg5[%arg0, %dma_start3A_241, %dma_start3A_242] : memref<2x100000x16xf32, #tpu.memory_space<hbm>> -> memref<1x6160x16xf32, #tpu.memory_space<hbm>>
        %dma_start3A_244 = tpu.memref_squeeze %dma_start3A_243 : memref<1x6160x16xf32, #tpu.memory_space<hbm>> -> memref<6160x16xf32, #tpu.memory_space<hbm>>
        %dma_start3A_245 = arith.constant 93840 : i32
        %dma_start3A_246 = arith.constant 0 : i32
        %dma_start3A_247 = tpu.memref_slice %arg6[%dma_start3A_245, %dma_start3A_246] : memref<100096x16xf32, #tpu.memory_space<vmem_shared>> -> memref<6160x16xf32, #tpu.memory_space<vmem_shared>>
        tpu.enqueue_dma source(%dma_start3A_247 : memref<6160x16xf32, #tpu.memory_space<vmem_shared>>) target(%dma_start3A_244 : memref<6160x16xf32, #tpu.memory_space<hbm>>) target_semaphore(%run_scoped3A : memref<!tpu.dma_semaphore, #tpu.memory_space<semaphore_mem>>)
        %dma_wait3A_248 = arith.constant 93840 : i32
        %dma_wait3A_249 = arith.constant 0 : i32
        %dma_wait3A_250 = tpu.memref_slice %arg5[%arg0, %dma_wait3A_248, %dma_wait3A_249] : memref<2x100000x16xf32, #tpu.memory_space<hbm>> -> memref<1x6160x16xf32, #tpu.memory_space<hbm>>
        %dma_wait3A_251 = tpu.memref_squeeze %dma_wait3A_250 : memref<1x6160x16xf32, #tpu.memory_space<hbm>> -> memref<6160x16xf32, #tpu.memory_space<hbm>>
        %dma_wait3A_252 = arith.constant 93840 : i32
        %dma_wait3A_253 = arith.constant 0 : i32
        %dma_wait3A_254 = tpu.memref_slice %arg6[%dma_wait3A_252, %dma_wait3A_253] : memref<100096x16xf32, #tpu.memory_space<vmem_shared>> -> memref<6160x16xf32, #tpu.memory_space<vmem_shared>>
        tpu.wait_dma2 semaphore(%run_scoped3A : memref<!tpu.dma_semaphore, #tpu.memory_space<semaphore_mem>>) src(%dma_wait3A_254 : memref<6160x16xf32, #tpu.memory_space<vmem_shared>>) dst(%dma_wait3A_251 : memref<6160x16xf32, #tpu.memory_space<hbm>>)
        tpu.yield
      }) : () -> ()
    } else {
    }
    return
  }
}

module attributes {stable_mosaic.version = 14 : i64} {
  func.func @_mm_body(%arg0: memref<12500x80xf32, #tpu.memory_space<vmem>>, %arg1: memref<80x128xf32, #tpu.memory_space<vmem>>, %arg2: memref<12500x128xf32, #tpu.memory_space<vmem>>) attributes {dimension_semantics = [], scalar_prefetch = 0 : i64, scratch_operands = 0 : i64, tpu.core_type = #tpu.core_type<tc>} {
    %get3A = arith.constant 0 : index
    %get3A_0 = arith.constant 0 : index
    %get3A_1 = vector.load %arg0[%get3A, %get3A_0] : memref<12500x80xf32, #tpu.memory_space<vmem>>, vector<12500x80xf32>
    %get3A_2 = arith.constant 0 : index
    %get3A_3 = arith.constant 0 : index
    %get3A_4 = vector.load %arg1[%get3A_2, %get3A_3] : memref<80x128xf32, #tpu.memory_space<vmem>>, vector<80x128xf32>
    %dot_general3A = arith.constant dense<0.000000e+00> : vector<12500x128xf32>
    %dot_general3A_5 = tpu.matmul %get3A_1, %get3A_4, %dot_general3A {dimension_numbers = #tpu.dot_dimension_numbers<[1], [0], [0], [1], [0, 0, 1, 1], [], []>, transpose_lhs_hint = false} : vector<12500x80xf32>, vector<80x128xf32>, vector<12500x128xf32> -> vector<12500x128xf32>
    %swap3A = arith.constant 0 : index
    %swap3A_6 = arith.constant 0 : index
    %swap3A_7 = vector.load %arg2[%swap3A, %swap3A_6] : memref<12500x128xf32, #tpu.memory_space<vmem>>, vector<12500x128xf32>
    tpu.vector_store %arg2[%swap3A, %swap3A_6], %dot_general3A_5 {strides = array<i32>} : memref<12500x128xf32, #tpu.memory_space<vmem>>, vector<12500x128xf32>,
    return
  }
}

module attributes {stable_mosaic.version = 14 : i64} {
  func.func @_relu_body(%arg0: memref<2x12500x128xf32, #tpu.memory_space<vmem>>, %arg1: memref<1x128xf32, #tpu.memory_space<vmem>>, %arg2: memref<12500x128xf32, #tpu.memory_space<vmem>>) attributes {dimension_semantics = [], scalar_prefetch = 0 : i64, scratch_operands = 0 : i64, tpu.core_type = #tpu.core_type<tc>} {
    %get3A = arith.constant 0 : index
    %get3A_0 = arith.constant 0 : index
    %get3A_1 = arith.constant 0 : index
    %get3A_2 = vector.load %arg0[%get3A, %get3A_0, %get3A_1] : memref<2x12500x128xf32, #tpu.memory_space<vmem>>, vector<1x12500x128xf32>
    %get3A_3 = vector.shape_cast %get3A_2 : vector<1x12500x128xf32> to vector<12500x128xf32>
    %get3A_4 = arith.constant 1 : index
    %get3A_5 = arith.constant 0 : index
    %get3A_6 = arith.constant 0 : index
    %get3A_7 = vector.load %arg0[%get3A_4, %get3A_5, %get3A_6] : memref<2x12500x128xf32, #tpu.memory_space<vmem>>, vector<1x12500x128xf32>
    %get3A_8 = vector.shape_cast %get3A_7 : vector<1x12500x128xf32> to vector<12500x128xf32>
    %add3A = arith.addf %get3A_3, %get3A_8 : vector<12500x128xf32>
    %get3A_9 = arith.constant 0 : index
    %get3A_10 = arith.constant 0 : index
    %get3A_11 = vector.load %arg1[%get3A_9, %get3A_10] : memref<1x128xf32, #tpu.memory_space<vmem>>, vector<1x128xf32>
    %add3A_12 = vector.broadcast %get3A_11 : vector<1x128xf32> to vector<12500x128xf32>
    %add3A_13 = arith.addf %add3A, %add3A_12 : vector<12500x128xf32>
    %max3A = arith.constant 0.000000e+00 : f32
    %max3A_14 = vector.broadcast %max3A : f32 to vector<12500x128xf32>
    %max3A_15 = arith.maximumf %add3A_13, %max3A_14 : vector<12500x128xf32>
    %swap3A = arith.constant 0 : index
    %swap3A_16 = arith.constant 0 : index
    %swap3A_17 = vector.load %arg2[%swap3A, %swap3A_16] : memref<12500x128xf32, #tpu.memory_space<vmem>>, vector<12500x128xf32>
    tpu.vector_store %arg2[%swap3A, %swap3A_16], %max3A_15 {strides = array<i32>} : memref<12500x128xf32, #tpu.memory_space<vmem>>, vector<12500x128xf32>,
    return
  }
}

module attributes {stable_mosaic.version = 14 : i64} {
  func.func @_out_body(%arg0: memref<2x12500x128xf32, #tpu.memory_space<vmem>>, %arg1: memref<128x80xf32, #tpu.memory_space<vmem>>, %arg2: memref<1x80xf32, #tpu.memory_space<vmem>>, %arg3: memref<12500x80xf32, #tpu.memory_space<vmem>>) attributes {dimension_semantics = [], scalar_prefetch = 0 : i64, scratch_operands = 0 : i64, tpu.core_type = #tpu.core_type<tc>} {
    %get3A = arith.constant 0 : index
    %get3A_0 = arith.constant 0 : index
    %get3A_1 = arith.constant 0 : index
    %get3A_2 = vector.load %arg0[%get3A, %get3A_0, %get3A_1] : memref<2x12500x128xf32, #tpu.memory_space<vmem>>, vector<1x12500x128xf32>
    %get3A_3 = vector.shape_cast %get3A_2 : vector<1x12500x128xf32> to vector<12500x128xf32>
    %get3A_4 = arith.constant 1 : index
    %get3A_5 = arith.constant 0 : index
    %get3A_6 = arith.constant 0 : index
    %get3A_7 = vector.load %arg0[%get3A_4, %get3A_5, %get3A_6] : memref<2x12500x128xf32, #tpu.memory_space<vmem>>, vector<1x12500x128xf32>
    %get3A_8 = vector.shape_cast %get3A_7 : vector<1x12500x128xf32> to vector<12500x128xf32>
    %add3A = arith.addf %get3A_3, %get3A_8 : vector<12500x128xf32>
    %get3A_9 = arith.constant 0 : index
    %get3A_10 = arith.constant 0 : index
    %get3A_11 = vector.load %arg1[%get3A_9, %get3A_10] : memref<128x80xf32, #tpu.memory_space<vmem>>, vector<128x80xf32>
    %dot_general3A = arith.constant dense<0.000000e+00> : vector<12500x80xf32>
    %dot_general3A_12 = tpu.matmul %add3A, %get3A_11, %dot_general3A {dimension_numbers = #tpu.dot_dimension_numbers<[1], [0], [0], [1], [0, 0, 1, 1], [], []>, transpose_lhs_hint = false} : vector<12500x128xf32>, vector<128x80xf32>, vector<12500x80xf32> -> vector<12500x80xf32>
    %get3A_13 = arith.constant 0 : index
    %get3A_14 = arith.constant 0 : index
    %get3A_15 = vector.load %arg2[%get3A_13, %get3A_14] : memref<1x80xf32, #tpu.memory_space<vmem>>, vector<1x80xf32>
    %add3A_16 = vector.broadcast %get3A_15 : vector<1x80xf32> to vector<12500x80xf32>
    %add3A_17 = arith.addf %dot_general3A_12, %add3A_16 : vector<12500x80xf32>
    %swap3A = arith.constant 0 : index
    %swap3A_18 = arith.constant 0 : index
    %swap3A_19 = vector.load %arg3[%swap3A, %swap3A_18] : memref<12500x80xf32, #tpu.memory_space<vmem>>, vector<12500x80xf32>
    tpu.vector_store %arg3[%swap3A, %swap3A_18], %add3A_17 {strides = array<i32>} : memref<12500x80xf32, #tpu.memory_space<vmem>>, vector<12500x80xf32>,
    return
  }
}

</mosaic_0001>

<sc_bundles>
// kernel: kernel.10.cloned.1.call-start
scs
__scs_entry_jumppad:
0x0: {  	(pc) =	sbr.rel $0x88, $3  }
0x1: {  	(tag) =	ssettag $0x0;
	lr =	simm.s32 $0x1  }
0x2: {  	[smem:$0x3F9B] =	sst lr;
	_ =	strace $0xD0000000  }
0x3: {  	_ = 	snop  }
0x4: {  	_ = 	snop  }
0x5: {  	_ = 	snop  }
0x6: {  	_ = 	snop  }
0x7: {  	_ = 	snop  }
__scs_overlays_trampoline_lowered:
0x8: {  	[smem:$0x3FAA] =	sst s0  }
0x9: {  	[smem:$0x3FAB] =	sst s1  }
0xa: {  	[smem:$0x3FAC] =	sst s2  }
0xb: {  	[smem:$0x3FAD] =	sst s3  }
0xc: {  	[smem:$0x3FAE] =	sst s4  }
0xd: {  	[smem:$0x3FAF] =	sst s5  }
0xe: {  	[smem:$0x3FB0] =	sst s6  }
0xf: {  	[smem:$0x3FB1] =	sst s7  }
0x10: {  	[smem:$0x3FB2] =	sst s8  }
0x11: {  	[smem:$0x3FB3] =	sst s9;
	s0 =	simm.s32 @!p0 $0x0  }
0x12: {  	s1 =	sld [smem:$0x3F99];
	s0 =	simm.s32 @p0 $0x1  }
0x13: {  	[smem:$0x3FB4] =	sst s0;
	s0 =	simm.s32 @!p1 $0x0  }
0x14: {  	s2 =	sld [smem:$0x3F98];
	s0 =	simm.s32 @p1 $0x1  }
0x15: {  	[smem:$0x3FB5] =	sst s0;
	s0 =	simm.s32 @!p2 $0x0  }
0x16: {  	s3 =	sld [smem:$0x3FDB];
	s0 =	simm.s32 @p2 $0x1  }
0x17: {  	s4 =	simm.s32 $0x1BF5;
	[smem:$0x3FB7] =	sst s0  }
0x18: {  	s0 =	sld [smem:$0x3F9A];
	_ =	swait.ge [sflag:s4], $0x0  }
0x19: {  	s7 =	sld [smem:$0x3F9B]  }
0x1a: {  	s8 =	sadd.s32 $0xFFFFE003, lr  }
0x1b: {  	s9 =	sadd.s32 $0xFFFFFEF7, lr;
	s5 =	simm.s32 $0xFFFFFFFF;
	p2 =	slt.u32 s8, $0xFFFFF086  }
0x1c: {  	p1 =	slt.u32 s9, $0xF7A;
	s5 =	simm.s32 @!p2 $0x0  }
0x1d: {  	s5 =	simm.s32 @p1 $0x1;
	p0 =	seq.s32 s7, s2  }
0x1e: {  	s7 =	smul.u32 @!p0 $0xF7A, s2;
	p2 =	seq.s32 @!p0 s5, $0x0  }
0x1f: {  	s9 =	smul.u32 $0xF7A, s1;
	s8 =	simm.s32 @!p0 $0x1BF5;
	p2 =	por !p2, p0  }
0x20: {  	[sflag:s8] =	ssyncset.s32 @!p0 $0xFFFFF086;
	s6 =	sadd.s32 @!p0 s3, s7;
	s7 =	simm.s32 @!p0 $0x108  }
0x21: {  	s3 =	sadd.s32 s3, s9;
	s6 =	sadd.s32 @!p0 $0x88, s6;
	s7 =	simm.s32 @p2 $0x1082  }
0x22: {  	[simem:s7], [sflag:s8] =	dma.local @!p0 [hbm:s6], $0xF7A  }
0x23: {  	s9 =	sor.u32 $0xD0000000, s2;
	s6 =	simm.s32 $0x108;
	_ =	swait.ge @!p0 [sflag:s8], $0x0  }
0x24: {  	s3 =	sadd.s32 $0x88, s3;
	s6 =	simm.s32 @!p1 $0x1082;
	[sflag:s4] =	ssyncset.s32 $0xFFFFF086  }
0x25: {  	[simem:s6], [sflag:s4] =	dma.local [hbm:s3], $0xF7A  }
0x26: {  	[smem:$0x3F9B] =	sst s1;
	(tag) =	ssettag s2;
	_ =	strace s9  }
0x27: {  	s1 =	sld [smem:$0x3FAB]  }
0x28: {  	s2 =	sld [smem:$0x3FAC]  }
0x29: {  	s4 =	sld [smem:$0x3FAE]  }
0x2a: {  	p0 =	seq.s32 s5, $0x0;
	s5 =	sld [smem:$0x3FAF]  }
0x2b: {  	s6 =	sld [smem:$0x3FB0]  }
0x2c: {  	s7 =	sld [smem:$0x3FB1]  }
0x2d: {  	s3 =	simm.s32 $0x108;
	s8 =	sld [smem:$0x3FB2]  }
0x2e: {  	s3 =	simm.s32 @!p0 $0x1082;
	s9 =	sld [smem:$0x3FB3]  }
0x2f: {  	lr =	sadd.s32 s0, s3;
	s0 =	sld [smem:$0x3FAA]  }
0x30: {  	s3 =	sld [smem:$0x3FAD]  }
0x31: {  	[smem:$0x3FB6] =	sst s10  }
0x32: {  	s10 =	sld [smem:$0x3FB4];
	_ =	sdelay $0x3  }
0x33: {  	p0 =	seq.s32 s10, $0x1;
	s10 =	sld [smem:$0x3FB6];
	_ =	sdelay $0x3  }
0x34: {  	[smem:$0x3FB6] =	sst s10  }
0x35: {  	s10 =	sld [smem:$0x3FB5];
	_ =	sdelay $0x3  }
0x36: {  	p1 =	seq.s32 s10, $0x1;
	s10 =	sld [smem:$0x3FB6];
	_ =	sdelay $0x3  }
0x37: {  	[smem:$0x3FB6] =	sst s10  }
0x38: {  	s10 =	sld [smem:$0x3FB7]  }
0x39: {  	_ = 	snop;
	(pc) =	sbr.ind lr, $3  }
0x3a: {  	_ = 	snop  }
0x3b: {  	_ = 	snop  }
0x3c: {  	p2 =	seq.s32 s10, $0x1;
	s10 =	sld [smem:$0x3FB6]  }
0x3d: {  	_ =	shalt  }
0x3e: {  	_ =	shalt  }
0x3f: {  	_ =	shalt  }
0x40: {  	_ =	shalt  }
0x41: {  	_ =	shalt  }
0x42: {  	_ =	shalt  }
0x43: {  	_ =	shalt  }
0x44: {  	_ =	shalt  }
0x45: {  	_ =	shalt  }
0x46: {  	_ =	shalt  }
0x47: {  	_ =	shalt  }
0x48: {  	_ =	shalt  }
0x49: {  	_ =	shalt  }
0x4a: {  	_ =	shalt  }
0x4b: {  	_ =	shalt  }
0x4c: {  	_ =	shalt  }
0x4d: {  	_ =	shalt  }
0x4e: {  	_ =	shalt  }
0x4f: {  	_ =	shalt  }
0x50: {  	_ =	shalt  }
0x51: {  	_ =	shalt  }
0x52: {  	_ =	shalt  }
0x53: {  	_ =	shalt  }
0x54: {  	_ =	shalt  }
0x55: {  	_ =	shalt  }
0x56: {  	_ =	shalt  }
0x57: {  	_ =	shalt  }
0x58: {  	_ =	shalt  }
0x59: {  	_ =	shalt  }
0x5a: {  	_ =	shalt  }
0x5b: {  	_ =	shalt  }
0x5c: {  	_ =	shalt  }
0x5d: {  	_ =	shalt  }
0x5e: {  	_ =	shalt  }
0x5f: {  	_ =	shalt  }
0x60: {  	_ =	shalt  }
0x61: {  	_ =	shalt  }
0x62: {  	_ =	shalt  }
0x63: {  	_ =	shalt  }
0x64: {  	_ =	shalt  }
0x65: {  	_ =	shalt  }
0x66: {  	_ =	shalt  }
0x67: {  	_ =	shalt  }
0x68: {  	_ =	shalt  }
0x69: {  	_ =	shalt  }
0x6a: {  	_ =	shalt  }
0x6b: {  	_ =	shalt  }
0x6c: {  	_ =	shalt  }
0x6d: {  	_ =	shalt  }
0x6e: {  	_ =	shalt  }
0x6f: {  	_ =	shalt  }
0x70: {  	_ =	shalt  }
0x71: {  	_ =	shalt  }
0x72: {  	_ =	shalt  }
0x73: {  	_ =	shalt  }
0x74: {  	_ =	shalt  }
0x75: {  	_ =	shalt  }
0x76: {  	_ =	shalt  }
0x77: {  	_ =	shalt  }
0x78: {  	_ =	shalt  }
0x79: {  	_ =	shalt  }
0x7a: {  	_ =	shalt  }
0x7b: {  	_ =	shalt  }
0x7c: {  	_ =	shalt  }
0x7d: {  	_ =	shalt  }
0x7e: {  	_ =	shalt  }
0x7f: {  	_ =	shalt  }
0x80: {  	_ =	shalt  }
0x81: {  	_ =	shalt  }
0x82: {  	_ =	shalt  }
0x83: {  	_ =	shalt  }
0x84: {  	_ =	shalt  }
0x85: {  	_ =	shalt  }
0x86: {  	_ =	shalt  }
0x87: {  	_ =	shalt  }
.Lfunc_end0:
.L_simem_size_0:
called_computation.1_lowered:
.L_overlay_start_0:
0x88: {  	s2 =	sld [smem:$0x3FD9]  }
0x89: {  	s3 =	sld [smem:$0x3FFE];
	_ =	sdelay $0x1  }
0x8a: {  	s1 =	srdreg.scid  }
0x8b: {  	s0 =	sand.u32 $0x1, s1  }
0x8c: {  	s17 =	sshll.u32 s0, $0xA;
	s2 =	sadd.s32 s3, s2  }
0x8d: {  	s2 =	sadd.s32 s2, s17  }
0x8e: {  	[smem:$0x3FC2] =	sst s2  }
0x8f: {  	_ = 	snop  }
0x90: {  	s2 =	sld [smem:$0x3FD0];
	(tm) =	ssettm $0x1  }
0x91: {  	s18 =	sld [smem:$0x3FFB];
	_ =	sdelay $0x3  }
0x92: {  	_ =	strace s18  }
0x93: {  	s3 =	sld [smem:$0x3FFC];
	_ =	sdelay $0x3  }
0x94: {  	_ =	strace s3  }
0x95: {  	s3 =	sld [smem:$0x3FFD];
	_ =	sdelay $0x3  }
0x96: {  	_ =	strace s3  }
0x97: {  	_ =	strace $0x8FFFFFFF  }
0x98: {  	s19 =	sld [smem:$0x3FDB];
	_ =	sdelay $0x1  }
0x99: {  	s4 =	simm.s32 $_scs_section_size  }
0x9a: {  	s5 =	simm.s32 $_size__tile_overlayer_lowered;
	s6 =	simm.s32 $_tile_overlayer_lowered  }
0x9b: {  	s22 =	simm.s32 $0x1BFF;
	s21 =	sshll.u32 s6, $0x1;
	s3 =	sadd.s32 s4, s19  }
0x9c: {  	s7 =	simm.s32 $0x0;
	s20 =	sshll.u32 s5, $0x1;
	s5 =	sadd.s32 s21, s3  }
0x9d: {  	[timem:s7], [sflag:s22] =	dma.local [hbm:s5], s20  }
0x9e: {  	_ =	swait.ge [sflag:s22], s20  }
0x9f: {  	s4 =	ssub.s32 $0x0, s20;
	[sflag:s22] =	ssyncset.done $0x0  }
0xa0: {  	[sflag:s22] =	ssyncadd.s32 s4;
	_ =	sdelay $0x1  }
0xa1: {  	s23 =	simm.s32 $0x1B8B  }
0xa2: {  	_ =	swait.ge [sflag:s23], $0x1  }
0xa3: {  	[sflag:s23] =	ssyncset.done $0x0  }
0xa4: {  	s25 =	simm.s32 $0x1B8E;
	s24 =	sld [smem:$0x3FFE];
	[sflag:s23] =	ssyncadd.s32 $0xFFFFFFFF  }
0xa5: {  	s26 =	simm.s32 $execute0_lowered;
	[smem:$0x3FD2] =	sst s25  }
0xa6: {  	s5 =	sshll.u32 s26, $0x1;
	_ =	strace $0x80000049;
	[dreg:$0x1] =	wrdreg $0xFFFFFFFF  }
0xa7: {  	s28 =	simm.s32 $_size_execute0_lowered;
	s3 =	sadd.s32 s3, s5;
	[dreg:$0x0] =	wrdreg $0x0  }
0xa8: {  	s5 =	sshll.u32 s28, $0x1;
	[dreg:$0x2] =	wrdreg s3  }
0xa9: {  	[dreg:$0x3] =	wrdreg s5  }
0xaa: {  	[dreg:$0x4] =	wrdreg $0xC0  }
0xab: {  	_ =	task [dreg:s7], $0x5FFFF  }
0xac: {  	[dreg:$0x1] =	wrdreg $0xFFFFFFFF  }
0xad: {  	[dreg:$0x0] =	wrdreg $0x60  }
0xae: {  	[dreg:$0x2] =	wrdreg s2  }
0xaf: {  	[dreg:$0x3] =	wrdreg s24  }
0xb0: {  	[dreg:$0x4] =	wrdreg $0x0  }
0xb1: {  	[dreg:$0x5] =	wrdreg $0x9  }
0xb2: {  	_ =	task.clear_ibuf [dreg:s7], $0x6FFFF;
	_ =	strace $0x90000049  }
0xb3: {  	s29 =	simm.s32 $0x9;
	_ =	strace $0x8000004B  }
0xb4: {  	_ =	swait.ge [sflag:s29], $0x1  }
0xb5: {  	[sflag:s29] =	ssyncadd.s32 $0xFFFFFFFF  }
0xb6: {  	_ =	strace $0x9000004B  }
0xb7: {  	_ =	sfence  }
0xb8: {  	s30 =	sld [smem:$0x0];
	_ =	sdelay $0x2  }
0xb9: {  	s31 =	sshll.u32 s1, $0xD;
	s1 =	sshrl.u32 s1, $0x2  }
0xba: {  	s3 =	sand.u32 $0x4000, s31;
	s1 =	sadd.s32 s1, s30  }
0xbb: {  	s0 =	sor.u32 s3, s0;
	s1 =	sshll.u32 s1, $0x11  }
0xbc: {  	s0 =	sor.u32 s1, s0  }
0xbd: {  	s0 =	sadd.s32 $0x8F2B, s0  }
0xbe: {  	[sflag:s0] =	ssyncadd.remote.s32 $0x1  }
0xbf: {  	_ =	sfence.sel $0xFFFF  }
0xc0: {  	[dreg:$0x0] =	wrdreg $0xFFFFFFFF;
	(pc) =	sbr.abs _section_cstart, $3  }
0xc1: {  	[dreg:$0x1] =	wrdreg $0xFFFFFFFF  }
0xc2: {  	_ =	task.clear_ibuf [dreg:s7], $0x2FFFF;
	_ =	strace $0x9FFFFFFF  }
0xc3: {  	(tm) =	ssettm $0x7FFFFFFF  }
tec
execute0_lowered:
.L_overlay_start_1:
0x0: {  	(tag) =	ssettag $0x1  }
0x1: {  	s1 =	rddreg [dreg:$0x0]  }
0x2: {  	s0 =	rddreg [dreg:$0x1]  }
0x3: {  	s2 =	rddreg [dreg:$0x2];
	s3 =	simm.s32 $0x0  }
0x4: {  	s4 =	srdreg.scid;
	s13 =	stileid.u32;
	s29 =	simm.s32 $0x1CF00  }
0x5: {  	s30 =	simm.s32 $0x7;
	s31 =	simm.s32 $0x18700;
	s24 =	smul.u32 $0xAE, s13  }
0x6: {  	[smem:$0x7FF] =	sst s3;
	s4 =	sand.u32 $0x1, s4;
	s10 =	smul.u32 $0x61C00, s13  }
0x7: {  	s7 =	sadd.s32 $0x64E00, s0;
	s8 =	sadd.s32 $0x3200, s0;
	s11 =	smul.u32 $0xD8, s13  }
0x8: {  	s0 =	sadd.s32 $0xC6A00, s0;
	p0 =	seq.s32 s13, $0xF;
	s13 =	smul.u32 $0x18700, s13  }
0x9: {  	_ =	strace $0x8000004A;
	s5 =	ssub.s32 $0x2, s4;
	s25 =	sshrl.u32 s10, $0x2  }
0xa: {  	p1 =	seq.s32 s4, $0x0;
	s4 =	smul.u32 $0x186A00, s4;
	s10 =	sadd.s32 s25, s2  }
0xb: {  	s6 =	sshrl.u32 s5, $0x1;
	s12 =	sadd.s32 $0xD80, s24;
	s26 =	sadd.s32 $0x2000, s10  }
0xc: {  	s9 =	ssub.s32 s5, s6;
	s14 =	sadd.s32 $0x4000, s10;
	[dreg:$0x5] =	wrdreg s26  }
0xd: {  	s5 =	simm.s32 $0xB8;
	s15 =	sadd.s32 $0x6000, s10;
	[dreg:$0x6] =	wrdreg s14  }
0xe: {  	s12 =	smov.u32 @p1 s11;
	s16 =	sadd.s32 $0x8000, s10;
	[dreg:$0x7] =	wrdreg s15  }
0xf: {  	s6 =	sadd.s32 s13, s2;
	s17 =	sadd.s32 $0xA000, s10;
	[dreg:$0x8] =	wrdreg s16  }
0x10: {  	s24 =	sadd.s32 s13, s4;
	s18 =	sadd.s32 $0xC000, s10;
	[dreg:$0x9] =	wrdreg s17  }
0x11: {  	s4 =	sshrl.u32 s4, $0x3;
	s19 =	sadd.s32 $0xE000, s10;
	[dreg:$0xa] =	wrdreg s18  }
0x12: {  	s5 =	simm.s32 @!p0 $0xAE;
	s20 =	sadd.s32 $0x10000, s10;
	[dreg:$0xb] =	wrdreg s19  }
0x13: {  	s21 =	sadd.s32 $0x12000, s10;
	s22 =	sshll.u32 s12, $0x6;
	[dreg:$0xc] =	wrdreg s20  }
0x14: {  	s5 =	simm.s32 @p1 $0xD8;
	[dreg:$0xd] =	wrdreg s21;
	s16 =	sadd.s32 s7, s22  }
0x15: {  	s17 =	sadd.s32 s8, s22;
	s11 =	sor.u32 $0x40, s22;
	s21 =	sadd.s32 $0x14000, s10  }
0x16: {  	s22 =	sadd.s32 $0x16000, s10;
	s7 =	sadd.s32 s7, s11;
	s23 =	sadd.s32 s8, s11  }
0x17: {  	s25 =	sshll.u32 s5, $0x6;
	s28 =	sadd.s32 $0xFFFFFFFF, s5;
	[dreg:$0xe] =	wrdreg s7  }
0x18: {  	s8 =	simm.s32 $0x18F00;
	s11 =	simm.s32 $0x4;
	[dreg:$0xf] =	wrdreg s23  }
0x19: {  	s7 =	sshrl.u32 s24, $0x3;
	s26 =	sadd.s32 $0xFFFFFF80, s25;
	s23 =	sadd.s32 $0x18000, s10  }
0x1a: {  	s25 =	smax.u32 s9, $0x1;
	s9 =	simm.s32 $0x1;
	s10 =	simm.s32 $0x3  }
0x1b: {  	s20 =	sadd.s32 s0, s7;
	s0 =	sadd.s32 s0, s4;
	[dreg:$0x4] =	wrdreg s26  }
0x1c: {  	s4 =	simm.s32 $0x5;
	s24 =	sadd.s32 $0x2DD20, s0;
	s0 =	sadd.s32 $0x16E900, s2  }
0x1d: {  	v0 =	vimm.f32 $0.0e+00;
	s7 =	simm.s32 $0x200;
	s26 =	sshrl.u32 @p0 s0, $0x3;
	s0 =	simm.s32 $0x18B00  }
.LBB2_1:
0x1e: {  	s12 =	simm.s32 $0x40;
	s13 =	simm.s32 $0x0  }
.LBB2_2:
0x1f: {  	p1 =	sne.s32 s12, $0x7FC0;
	[tilespmem:s13+$0x1CF00] =	vst v0;
	s13 =	smov.u32 s12;
	s12 =	sadd.s32 $0x40, s12  }
.Ltmp0:
0x20: {  	(pc) =	sbr.rel @p1 .LBB2_2-.Ltmp0, $2  }
0x21: {  	_ =	sdelay $0x2  }
0x22: {  	s13 =	sshra.s32 s13, $0x2  }
0x23: {  	[tilespmem:s13+$0x1CF00] =	vst v0  }
0x24: {  	[spmem:s6] =	stream.linear.scatter [tilespmem:s29], [sflag:$0x7], $0x2000, $0x38;
	[tilespmem:$0x1EF00] =	vst v63  }
0x25: {  	_ =	swait.ge [sflag:s30], $0x2000  }
0x26: {  	[sflag:s30] =	ssyncset.done $0x0  }
0x27: {  	s12 =	rddreg [dreg:$0x5];
	[sflag:s30] =	ssyncadd.s32 $0xFFFFE000  }
0x28: {  	[spmem:s12] =	stream.linear.scatter [tilespmem:s29], [sflag:$0x7], $0x2000, $0x38;
	[tilespmem:$0x1EF00] =	vst v63  }
0x29: {  	_ =	swait.ge [sflag:s30], $0x2000  }
0x2a: {  	[sflag:s30] =	ssyncset.done $0x0  }
0x2b: {  	s19 =	rddreg [dreg:$0x6];
	[sflag:s30] =	ssyncadd.s32 $0xFFFFE000  }
0x2c: {  	[spmem:s19] =	stream.linear.scatter [tilespmem:s29], [sflag:$0x7], $0x2000, $0x38;
	[tilespmem:$0x1EF00] =	vst v63  }
0x2d: {  	_ =	swait.ge [sflag:s30], $0x2000  }
0x2e: {  	[sflag:s30] =	ssyncset.done $0x0  }
0x2f: {  	s13 =	rddreg [dreg:$0x7];
	[sflag:s30] =	ssyncadd.s32 $0xFFFFE000  }
0x30: {  	[spmem:s13] =	stream.linear.scatter [tilespmem:s29], [sflag:$0x7], $0x2000, $0x38;
	[tilespmem:$0x1EF00] =	vst v63  }
0x31: {  	_ =	swait.ge [sflag:s30], $0x2000  }
0x32: {  	[sflag:s30] =	ssyncset.done $0x0  }
0x33: {  	s14 =	rddreg [dreg:$0x8];
	[sflag:s30] =	ssyncadd.s32 $0xFFFFE000  }
0x34: {  	[spmem:s14] =	stream.linear.scatter [tilespmem:s29], [sflag:$0x7], $0x2000, $0x38;
	[tilespmem:$0x1EF00] =	vst v63  }
0x35: {  	_ =	swait.ge [sflag:s30], $0x2000  }
0x36: {  	[sflag:s30] =	ssyncset.done $0x0  }
0x37: {  	s15 =	rddreg [dreg:$0x9];
	[sflag:s30] =	ssyncadd.s32 $0xFFFFE000  }
0x38: {  	[spmem:s15] =	stream.linear.scatter [tilespmem:s29], [sflag:$0x7], $0x2000, $0x38;
	[tilespmem:$0x1EF00] =	vst v63  }
0x39: {  	_ =	swait.ge [sflag:s30], $0x2000  }
0x3a: {  	[sflag:s30] =	ssyncset.done $0x0  }
0x3b: {  	s18 =	rddreg [dreg:$0xa];
	[sflag:s30] =	ssyncadd.s32 $0xFFFFE000  }
0x3c: {  	[spmem:s18] =	stream.linear.scatter [tilespmem:s29], [sflag:$0x7], $0x2000, $0x38;
	[tilespmem:$0x1EF00] =	vst v63  }
0x3d: {  	_ =	swait.ge [sflag:s30], $0x2000  }
0x3e: {  	[sflag:s30] =	ssyncset.done $0x0  }
0x3f: {  	s19 =	rddreg [dreg:$0xb];
	[sflag:s30] =	ssyncadd.s32 $0xFFFFE000  }
0x40: {  	[spmem:s19] =	stream.linear.scatter [tilespmem:s29], [sflag:$0x7], $0x2000, $0x38;
	[tilespmem:$0x1EF00] =	vst v63  }
0x41: {  	_ =	swait.ge [sflag:s30], $0x2000  }
0x42: {  	[sflag:s30] =	ssyncset.done $0x0  }
0x43: {  	s13 =	rddreg [dreg:$0xc];
	[sflag:s30] =	ssyncadd.s32 $0xFFFFE000  }
0x44: {  	[spmem:s13] =	stream.linear.scatter [tilespmem:s29], [sflag:$0x7], $0x2000, $0x38;
	[tilespmem:$0x1EF00] =	vst v63  }
0x45: {  	_ =	swait.ge [sflag:s30], $0x2000  }
0x46: {  	[sflag:s30] =	ssyncset.done $0x0  }
0x47: {  	s14 =	rddreg [dreg:$0xd];
	[sflag:s30] =	ssyncadd.s32 $0xFFFFE000  }
0x48: {  	[spmem:s14] =	stream.linear.scatter [tilespmem:s29], [sflag:$0x7], $0x2000, $0x38;
	[tilespmem:$0x1EF00] =	vst v63  }
0x49: {  	_ =	swait.ge [sflag:s30], $0x2000  }
0x4a: {  	[sflag:s30] =	ssyncset.done $0x0  }
0x4b: {  	[sflag:s30] =	ssyncadd.s32 $0xFFFFE000  }
0x4c: {  	[spmem:s21] =	stream.linear.scatter [tilespmem:s29], [sflag:$0x7], $0x2000, $0x38;
	[tilespmem:$0x1EF00] =	vst v63  }
0x4d: {  	_ =	swait.ge [sflag:s30], $0x2000  }
0x4e: {  	[sflag:s30] =	ssyncset.done $0x0  }
0x4f: {  	[sflag:s30] =	ssyncadd.s32 $0xFFFFE000  }
0x50: {  	[spmem:s22] =	stream.linear.scatter [tilespmem:s29], [sflag:$0x7], $0x2000, $0x38;
	[tilespmem:$0x1EF00] =	vst v63  }
0x51: {  	_ =	swait.ge [sflag:s30], $0x2000  }
0x52: {  	[sflag:s30] =	ssyncset.done $0x0  }
0x53: {  	[sflag:s30] =	ssyncadd.s32 $0xFFFFE000  }
0x54: {  	[spmem:s23] =	stream.linear.scatter [tilespmem:s29], [sflag:$0x7], $0x700, $0x38;
	[tilespmem:$0x1EF00] =	vst v63  }
0x55: {  	_ =	swait.ge [sflag:s30], $0x700  }
0x56: {  	[sflag:s30] =	ssyncset.done $0x0  }
0x57: {  	[sflag:s30] =	ssyncadd.s32 $0xFFFFF900  }
0x58: {  	s12 =	simm.s32 $0x0;
	[bflag:$0x0] =	sbarrier.arrive $0xFFFF  }
0x59: {  	[tilespmem:s31], [sflag:$0x5] =	stream.linear.gather [hbm4b:s16+s12], $0x200, $0x38;
	[tilespmem:$0x1EF00] =	vst v63  }
0x5a: {  	_ = 	snop  }
0x5b: {  	[tilespmem:s0], [sflag:$0x5] =	stream.linear.gather [hbm4b:s17+s12], $0x200, $0x38;
	[tilespmem:$0x1EF00] =	vst v63  }
0x5c: {  	_ =	swait.ge [sflag:s4], $0x200  }
0x5d: {  	[sflag:s4] =	ssyncset.done $0x0  }
0x5e: {  	[sflag:s4] =	ssyncadd.s32 $0xFFFFFE00  }
0x5f: {  	_ =	swait.ge [sflag:s4], $0x200  }
0x60: {  	[sflag:s4] =	ssyncset.done $0x0  }
0x61: {  	[sflag:s4] =	ssyncadd.s32 $0xFFFFFE00  }
0x62: {  	[tilespmem:s8], [sflag:$0x1] =	stream.indirect.gather [hbm4b:s1+s7], $0x10, s31, s7, $0xb8;
	[tilespmem:$0x1EF00] =	vst v63  }
0x63: {  	s14 =	simm.s32 $0x18900;
	s15 =	rddreg [dreg:$0xe]  }
0x64: {  	[tilespmem:s14], [sflag:$0x6] =	stream.linear.gather [hbm4b:s15+s12], $0x200, $0x38;
	[tilespmem:$0x1EF00] =	vst v63  }
0x65: {  	s19 =	simm.s32 $0x18D00;
	s13 =	simm.s32 $0x3;
	s18 =	rddreg [dreg:$0xf]  }
0x66: {  	[tilespmem:s19], [sflag:$0x6] =	stream.linear.gather [hbm4b:s18+s12], $0x200, $0x38;
	[tilespmem:$0x1EF00] =	vst v63  }
.LBB2_4:
0x67: {  	_ =	swait.ge [sflag:s9], $0x2000;
	s14 =	sadd.s32 $0xFFFFFFFD, s13  }
0x68: {  	[sflag:s9] =	ssyncset.done $0x0;
	p1 =	sge.u32 s14, s28  }
0x69: {  	[sflag:s9] =	ssyncadd.s32 $0xFFFFE000;
	s14 =	simm.s32 @!p1 $0x6  }
0x6a: {  	[spmem:s2] =	stream.indirect.scatter.add.f32 [tilespmem:s8], [sflag:$0x3], $0x10, s0, s7, $0xb8;
	[tilespmem:$0x1EF00] =	vst v63  }
0x6b: {  	_ =	swait.ge @!p1 [sflag:s14], $0x200  }
0x6c: {  	[sflag:s14] =	ssyncset.done @!p1 $0x0  }
0x6d: {  	[sflag:s14] =	ssyncadd.s32 @!p1 $0xFFFFFE00  }
0x6e: {  	_ =	swait.ge @!p1 [sflag:s14], $0x200  }
0x6f: {  	s15 =	simm.s32 @!p1 $0x18900;
	[sflag:s14] =	ssyncset.done @!p1 $0x0  }
0x70: {  	s18 =	simm.s32 @!p1 $0x1AF00;
	[sflag:s14] =	ssyncadd.s32 @!p1 $0xFFFFFE00;
	s14 =	simm.s32 @!p1 $0x200  }
0x71: {  	[tilespmem:s18], [sflag:$0x2] =	stream.indirect.gather @!p1 [hbm4b:s1+s14], $0x10, s15, s14, $0xb8;
	[tilespmem:$0x1EF00] =	vst v63  }
0x72: {  	s19 =	sadd.s32 $0xFFFFFFFF, s13;
	_ =	swait.ge [sflag:s10], $0x2000  }
0x73: {  	p1 =	sge.u32 s19, s5;
	[sflag:s10] =	ssyncset.done $0x0  }
0x74: {  	s14 =	simm.s32 @p1 $0x2;
	[sflag:s10] =	ssyncadd.s32 $0xFFFFE000  }
0x75: {  	_ =	swait.ge @p1 [sflag:s14], $0x2000  }
0x76: {  	s15 =	simm.s32 @p1 $0x18D00;
	[sflag:s14] =	ssyncset.done @p1 $0x0  }
0x77: {  	s18 =	simm.s32 @p1 $0x1AF00;
	[sflag:s14] =	ssyncadd.s32 @p1 $0xFFFFE000;
	s14 =	simm.s32 @p1 $0x200  }
0x78: {  	[spmem:s2] =	stream.indirect.scatter.add.f32 @p1 [tilespmem:s18], [sflag:$0x4], $0x10, s15, s14, $0xb8;
	[tilespmem:$0x1EF00] =	vst v63  }
0x79: {  	s14 =	sadd.s32 @!p1 s12, s16  }
0x7a: {  	s15 =	simm.s32 @!p1 $0x0;
	s18 =	simm.s32 @!p1 $0x18700;
	s14 =	sadd.s32 @!p1 $0x80, s14  }
0x7b: {  	[tilespmem:s18], [sflag:$0x5] =	stream.linear.gather @!p1 [hbm4b:s14+s15], $0x200, $0x38;
	[tilespmem:$0x1EF00] =	vst v63  }
0x7c: {  	s14 =	sadd.s32 @!p1 s12, s17  }
0x7d: {  	s19 =	simm.s32 @!p1 $0x18B00;
	s14 =	sadd.s32 @!p1 $0x80, s14  }
0x7e: {  	[tilespmem:s19], [sflag:$0x5] =	stream.linear.gather @!p1 [hbm4b:s14+s15], $0x200, $0x38;
	[tilespmem:$0x1EF00] =	vst v63  }
0x7f: {  	s14 =	simm.s32 @!p1 $0x2  }
0x80: {  	_ =	swait.ge @!p1 [sflag:s14], $0x2000  }
0x81: {  	s15 =	simm.s32 @!p1 $0x18D00;
	[sflag:s14] =	ssyncset.done @!p1 $0x0  }
0x82: {  	s19 =	simm.s32 @!p1 $0x1AF00;
	[sflag:s14] =	ssyncadd.s32 @!p1 $0xFFFFE000;
	s14 =	simm.s32 @!p1 $0x200  }
0x83: {  	[spmem:s2] =	stream.indirect.scatter.add.f32 @!p1 [tilespmem:s19], [sflag:$0x4], $0x10, s15, s14, $0xb8;
	[tilespmem:$0x1EF00] =	vst v63  }
0x84: {  	s15 =	simm.s32 @!p1 $0x5  }
0x85: {  	_ =	swait.ge @!p1 [sflag:s15], $0x200  }
0x86: {  	[sflag:s15] =	ssyncset.done @!p1 $0x0  }
0x87: {  	[sflag:s15] =	ssyncadd.s32 @!p1 $0xFFFFFE00  }
0x88: {  	_ =	swait.ge @!p1 [sflag:s15], $0x200  }
0x89: {  	[sflag:s15] =	ssyncset.done @!p1 $0x0  }
0x8a: {  	[sflag:s15] =	ssyncadd.s32 @!p1 $0xFFFFFE00;
	s15 =	simm.s32 @!p1 $0x18F00  }
0x8b: {  	[tilespmem:s15], [sflag:$0x1] =	stream.indirect.gather @!p1 [hbm4b:s1+s14], $0x10, s18, s14, $0xb8;
	[tilespmem:$0x1EF00] =	vst v63  }
0x8c: {  	p1 =	sge.u32 s13, s5;
	_ =	swait.ge [sflag:s11], $0x2000  }
0x8d: {  	s14 =	sadd.s32 @!p1 s12, s16;
	s15 =	simm.s32 @!p1 $0x0;
	[sflag:s11] =	ssyncset.done $0x0  }
0x8e: {  	s18 =	simm.s32 @!p1 $0x18900;
	s14 =	sadd.s32 @!p1 $0xC0, s14;
	[sflag:s11] =	ssyncadd.s32 $0xFFFFE000  }
0x8f: {  	[tilespmem:s18], [sflag:$0x6] =	stream.linear.gather @!p1 [hbm4b:s14+s15], $0x200, $0x38;
	[tilespmem:$0x1EF00] =	vst v63  }
0x90: {  	s19 =	rddreg [dreg:$0x4];
	s14 =	sadd.s32 @!p1 s12, s17  }
0x91: {  	s18 =	simm.s32 @!p1 $0x18D00;
	s12 =	sadd.s32 $0x80, s12;
	s14 =	sadd.s32 @!p1 $0xC0, s14  }
0x92: {  	[tilespmem:s18], [sflag:$0x6] =	stream.linear.gather @!p1 [hbm4b:s14+s15], $0x200, $0x38;
	[tilespmem:$0x1EF00] =	vst v63  }
0x93: {  	p1 =	sne.s32 s19, s12  }
.Ltmp1:
0x94: {  	_ = 	snop;
	(pc) =	sbr.rel @p1 .LBB2_4-.Ltmp1, $2  }
0x95: {  	_ =	sdelay $0x2  }
0x96: {  	s13 =	sadd.s32 $0x2, s13  }
0x97: {  	_ =	swait.ge [sflag:s9], $0x2000;
	s14 =	sadd.s32 $0xFFFFFFFD, s13  }
0x98: {  	[sflag:s9] =	ssyncset.done $0x0;
	p1 =	sge.u32 s14, s28  }
0x99: {  	[sflag:s9] =	ssyncadd.s32 $0xFFFFE000;
	s14 =	simm.s32 @!p1 $0x6  }
0x9a: {  	[spmem:s2] =	stream.indirect.scatter.add.f32 [tilespmem:s8], [sflag:$0x3], $0x10, s0, s7, $0xb8;
	[tilespmem:$0x1EF00] =	vst v63  }
0x9b: {  	_ =	swait.ge @!p1 [sflag:s14], $0x200  }
0x9c: {  	[sflag:s14] =	ssyncset.done @!p1 $0x0  }
0x9d: {  	[sflag:s14] =	ssyncadd.s32 @!p1 $0xFFFFFE00  }
0x9e: {  	_ =	swait.ge @!p1 [sflag:s14], $0x200  }
0x9f: {  	s19 =	sadd.s32 $0xFFFFFFFF, s13;
	s15 =	simm.s32 @!p1 $0x18900;
	[sflag:s14] =	ssyncset.done @!p1 $0x0  }
0xa0: {  	s18 =	simm.s32 @!p1 $0x1AF00;
	[sflag:s14] =	ssyncadd.s32 @!p1 $0xFFFFFE00;
	s14 =	simm.s32 @!p1 $0x200  }
0xa1: {  	[tilespmem:s18], [sflag:$0x2] =	stream.indirect.gather @!p1 [hbm4b:s1+s14], $0x10, s15, s14, $0xb8;
	[tilespmem:$0x1EF00] =	vst v63  }
0xa2: {  	p1 =	slt.u32 s19, s5;
	_ =	swait.ge [sflag:s10], $0x2000  }
0xa3: {  	s14 =	sadd.s32 @p1 s12, s16;
	s15 =	simm.s32 @p1 $0x0;
	[sflag:s10] =	ssyncset.done $0x0  }
0xa4: {  	s18 =	simm.s32 @p1 $0x18700;
	s14 =	sadd.s32 @p1 $0x80, s14;
	[sflag:s10] =	ssyncadd.s32 $0xFFFFE000  }
0xa5: {  	[tilespmem:s18], [sflag:$0x5] =	stream.linear.gather @p1 [hbm4b:s14+s15], $0x200, $0x38;
	[tilespmem:$0x1EF00] =	vst v63  }
0xa6: {  	s14 =	sadd.s32 @p1 s12, s17  }
0xa7: {  	s19 =	simm.s32 @p1 $0x18B00;
	s14 =	sadd.s32 @p1 $0x80, s14  }
0xa8: {  	[tilespmem:s19], [sflag:$0x5] =	stream.linear.gather @p1 [hbm4b:s14+s15], $0x200, $0x38;
	[tilespmem:$0x1EF00] =	vst v63  }
0xa9: {  	s14 =	simm.s32 @p1 $0x2  }
0xaa: {  	_ =	swait.ge @p1 [sflag:s14], $0x2000  }
0xab: {  	s15 =	simm.s32 @p1 $0x18D00;
	[sflag:s14] =	ssyncset.done @p1 $0x0  }
0xac: {  	s19 =	simm.s32 @p1 $0x1AF00;
	[sflag:s14] =	ssyncadd.s32 @p1 $0xFFFFE000;
	s14 =	simm.s32 @p1 $0x200  }
0xad: {  	[spmem:s2] =	stream.indirect.scatter.add.f32 @p1 [tilespmem:s19], [sflag:$0x4], $0x10, s15, s14, $0xb8;
	[tilespmem:$0x1EF00] =	vst v63  }
0xae: {  	s15 =	simm.s32 @p1 $0x5  }
0xaf: {  	_ =	swait.ge @p1 [sflag:s15], $0x200  }
0xb0: {  	[sflag:s15] =	ssyncset.done @p1 $0x0  }
0xb1: {  	[sflag:s15] =	ssyncadd.s32 @p1 $0xFFFFFE00  }
0xb2: {  	_ =	swait.ge @p1 [sflag:s15], $0x200  }
0xb3: {  	[sflag:s15] =	ssyncset.done @p1 $0x0  }
0xb4: {  	[sflag:s15] =	ssyncadd.s32 @p1 $0xFFFFFE00;
	s15 =	simm.s32 @p1 $0x18F00  }
0xb5: {  	[tilespmem:s15], [sflag:$0x1] =	stream.indirect.gather @p1 [hbm4b:s1+s14], $0x10, s18, s14, $0xb8;
	[tilespmem:$0x1EF00] =	vst v63  }
0xb6: {  	s14 =	simm.s32 @!p1 $0x2  }
0xb7: {  	_ =	swait.ge @!p1 [sflag:s14], $0x2000  }
0xb8: {  	s15 =	simm.s32 @!p1 $0x18D00;
	[sflag:s14] =	ssyncset.done @!p1 $0x0  }
0xb9: {  	s18 =	simm.s32 @!p1 $0x1AF00;
	[sflag:s14] =	ssyncadd.s32 @!p1 $0xFFFFE000;
	s14 =	simm.s32 @!p1 $0x200  }
0xba: {  	[spmem:s2] =	stream.indirect.scatter.add.f32 @!p1 [tilespmem:s18], [sflag:$0x4], $0x10, s15, s14, $0xb8;
	[tilespmem:$0x1EF00] =	vst v63  }
0xbb: {  	p1 =	sge.u32 s13, s5  }
0xbc: {  	_ =	swait.ge [sflag:s11], $0x2000;
	s13 =	sadd.s32 @!p1 s12, s16  }
0xbd: {  	s14 =	simm.s32 @!p1 $0x0;
	s15 =	simm.s32 @!p1 $0x18900;
	[sflag:s11] =	ssyncset.done $0x0  }
0xbe: {  	s12 =	sadd.s32 @!p1 s12, s17;
	s13 =	sadd.s32 @!p1 $0xC0, s13;
	[sflag:s11] =	ssyncadd.s32 $0xFFFFE000  }
0xbf: {  	[tilespmem:s15], [sflag:$0x6] =	stream.linear.gather @!p1 [hbm4b:s13+s14], $0x200, $0x38;
	[tilespmem:$0x1EF00] =	vst v63  }
0xc0: {  	s12 =	sadd.s32 @!p1 $0xC0, s12;
	s13 =	simm.s32 @!p1 $0x18D00  }
0xc1: {  	[tilespmem:s13], [sflag:$0x6] =	stream.linear.gather @!p1 [hbm4b:s12+s14], $0x200, $0x38;
	[tilespmem:$0x1EF00] =	vst v63  }
0xc2: {  	s12 =	simm.s32 @p0 $0x1FC7;
	[bflag:$0x0] =	sbarrier.arrive $0xFFFF  }
0xc3: {  	[hbm:s24], [sflag:s12] =	dma.local @p0 [spmem:s26], $0x3020  }
0xc4: {  	s12 =	simm.s32 @p0 $0x7  }
0xc5: {  	s3 =	sadd.s32 $0x1, s3;
	s13 =	stileid.u32;
	_ =	swait.ge @p0 [sflag:s12], $0x3020  }
0xc6: {  	p1 =	sne.s32 s3, s25;
	s13 =	sshll.u32 @!p0 s13, $0x6;
	[sflag:s12] =	ssyncset.done @p0 $0x0  }
0xc7: {  	[sflag:s12] =	ssyncadd.s32 @p0 $0xFFFFCFE0;
	s12 =	sor.u32 @!p0 $0x1C07, s13;
	s13 =	sshrl.u32 @!p0 s6, $0x3  }
0xc8: {  	[hbm:s20], [sflag:s12] =	dma.local @!p0 [spmem:s13], $0x30E0  }
.Ltmp2:
0xc9: {  	_ = 	snop;
	(pc) =	sbr.rel @p1 .LBB2_1-.Ltmp2, $4  }
0xca: {  	s12 =	simm.s32 @!p0 $0x7  }
0xcb: {  	_ =	swait.ge @!p0 [sflag:s12], $0x30E0  }
0xcc: {  	[sflag:s12] =	ssyncset.done @!p0 $0x0  }
0xcd: {  	[sflag:s12] =	ssyncadd.s32 @!p0 $0xFFFFCF20  }
0xce: {  	_ =	sfence.sel $0x180000  }
0xcf: {  	[bflag:$0x0] =	sbarrier.arrive $0xFFFF  }
0xd0: {  	_ =	strace $0x9000004A  }
0xd1: {  	s0 =	stileid.u32;
	[bflag:$0x2] =	sbarrier.arrive $0xFFFF  }
0xd2: {  	p0 =	sne.s32 s0, $0x0;
	s0 =	rddreg [dreg:$0x3]  }
0xd3: {  	s0 =	sadd.s32 @!p0 $0x100000, s0  }
0xd4: {  	[sflag:s0] =	ssyncadd.tile.s32 @!p0 $0x1;
	_ =	shalt  }
.Lfunc_end2:
_tile_overlayer_lowered:
.L_overlay_start_2:
0xd5: {  	(tag) =	ssettag $0x2  }
0xd6: {  	s0 =	rddreg [dreg:$0x0];
	s2 =	stileid.u32  }
0xd7: {  	s1 =	rddreg [dreg:$0x1];
	p0 =	sne.s32 s2, $0x0  }
0xd8: {  	s3 =	rddreg [dreg:$0x2];
	[bflag:$0x3] =	sbarrier.arrive $0xFFFF;
	s2 =	simm.s32 @!p0 $0x1C07  }
0xd9: {  	[timem:s3], [sflag:s2] =	dma.local @!p0 [hbm:s0], s1  }
0xda: {  	s0 =	simm.s32 @!p0 $0x7  }
0xdb: {  	_ =	swait.ge @!p0 [sflag:s0], s1  }
0xdc: {  	s1 =	ssub.s32 @!p0 $0x0, s1;
	[sflag:s0] =	ssyncset.done @!p0 $0x0  }
0xdd: {  	[sflag:s0] =	ssyncadd.s32 @!p0 s1  }
0xde: {  	[bflag:$0x3] =	sbarrier.arrive $0xFFFF  }
0xdf: {  	_ =	shalt  }

// kernel: kernel.7.cloned.1.call-start
scs
__scs_entry_jumppad:
0x0: {  	(pc) =	sbr.rel $0x88, $3  }
0x1: {  	(tag) =	ssettag $0x0;
	lr =	simm.s32 $0x1  }
0x2: {  	[smem:$0x3F9B] =	sst lr;
	_ =	strace $0xD0000000  }
0x3: {  	_ = 	snop  }
0x4: {  	_ = 	snop  }
0x5: {  	_ = 	snop  }
0x6: {  	_ = 	snop  }
0x7: {  	_ = 	snop  }
__scs_overlays_trampoline_lowered:
0x8: {  	[smem:$0x3FAA] =	sst s0  }
0x9: {  	[smem:$0x3FAB] =	sst s1  }
0xa: {  	[smem:$0x3FAC] =	sst s2  }
0xb: {  	[smem:$0x3FAD] =	sst s3  }
0xc: {  	[smem:$0x3FAE] =	sst s4  }
0xd: {  	[smem:$0x3FAF] =	sst s5  }
0xe: {  	[smem:$0x3FB0] =	sst s6  }
0xf: {  	[smem:$0x3FB1] =	sst s7  }
0x10: {  	[smem:$0x3FB2] =	sst s8  }
0x11: {  	[smem:$0x3FB3] =	sst s9;
	s0 =	simm.s32 @!p0 $0x0  }
0x12: {  	s1 =	sld [smem:$0x3F99];
	s0 =	simm.s32 @p0 $0x1  }
0x13: {  	[smem:$0x3FB4] =	sst s0;
	s0 =	simm.s32 @!p1 $0x0  }
0x14: {  	s2 =	sld [smem:$0x3F98];
	s0 =	simm.s32 @p1 $0x1  }
0x15: {  	[smem:$0x3FB5] =	sst s0;
	s0 =	simm.s32 @!p2 $0x0  }
0x16: {  	s3 =	sld [smem:$0x3FDB];
	s0 =	simm.s32 @p2 $0x1  }
0x17: {  	s4 =	simm.s32 $0x1BF5;
	[smem:$0x3FB7] =	sst s0  }
0x18: {  	s0 =	sld [smem:$0x3F9A];
	_ =	swait.ge [sflag:s4], $0x0  }
0x19: {  	s7 =	sld [smem:$0x3F9B]  }
0x1a: {  	s8 =	sadd.s32 $0xFFFFE003, lr  }
0x1b: {  	s9 =	sadd.s32 $0xFFFFFEF7, lr;
	s5 =	simm.s32 $0xFFFFFFFF;
	p2 =	slt.u32 s8, $0xFFFFF086  }
0x1c: {  	p1 =	slt.u32 s9, $0xF7A;
	s5 =	simm.s32 @!p2 $0x0  }
0x1d: {  	s5 =	simm.s32 @p1 $0x1;
	p0 =	seq.s32 s7, s2  }
0x1e: {  	s7 =	smul.u32 @!p0 $0xF7A, s2;
	p2 =	seq.s32 @!p0 s5, $0x0  }
0x1f: {  	s9 =	smul.u32 $0xF7A, s1;
	s8 =	simm.s32 @!p0 $0x1BF5;
	p2 =	por !p2, p0  }
0x20: {  	[sflag:s8] =	ssyncset.s32 @!p0 $0xFFFFF086;
	s6 =	sadd.s32 @!p0 s3, s7;
	s7 =	simm.s32 @!p0 $0x108  }
0x21: {  	s3 =	sadd.s32 s3, s9;
	s6 =	sadd.s32 @!p0 $0x88, s6;
	s7 =	simm.s32 @p2 $0x1082  }
0x22: {  	[simem:s7], [sflag:s8] =	dma.local @!p0 [hbm:s6], $0xF7A  }
0x23: {  	s9 =	sor.u32 $0xD0000000, s2;
	s6 =	simm.s32 $0x108;
	_ =	swait.ge @!p0 [sflag:s8], $0x0  }
0x24: {  	s3 =	sadd.s32 $0x88, s3;
	s6 =	simm.s32 @!p1 $0x1082;
	[sflag:s4] =	ssyncset.s32 $0xFFFFF086  }
0x25: {  	[simem:s6], [sflag:s4] =	dma.local [hbm:s3], $0xF7A  }
0x26: {  	[smem:$0x3F9B] =	sst s1;
	(tag) =	ssettag s2;
	_ =	strace s9  }
0x27: {  	s1 =	sld [smem:$0x3FAB]  }
0x28: {  	s2 =	sld [smem:$0x3FAC]  }
0x29: {  	s4 =	sld [smem:$0x3FAE]  }
0x2a: {  	p0 =	seq.s32 s5, $0x0;
	s5 =	sld [smem:$0x3FAF]  }
0x2b: {  	s6 =	sld [smem:$0x3FB0]  }
0x2c: {  	s7 =	sld [smem:$0x3FB1]  }
0x2d: {  	s3 =	simm.s32 $0x108;
	s8 =	sld [smem:$0x3FB2]  }
0x2e: {  	s3 =	simm.s32 @!p0 $0x1082;
	s9 =	sld [smem:$0x3FB3]  }
0x2f: {  	lr =	sadd.s32 s0, s3;
	s0 =	sld [smem:$0x3FAA]  }
0x30: {  	s3 =	sld [smem:$0x3FAD]  }
0x31: {  	[smem:$0x3FB6] =	sst s10  }
0x32: {  	s10 =	sld [smem:$0x3FB4];
	_ =	sdelay $0x3  }
0x33: {  	p0 =	seq.s32 s10, $0x1;
	s10 =	sld [smem:$0x3FB6];
	_ =	sdelay $0x3  }
0x34: {  	[smem:$0x3FB6] =	sst s10  }
0x35: {  	s10 =	sld [smem:$0x3FB5];
	_ =	sdelay $0x3  }
0x36: {  	p1 =	seq.s32 s10, $0x1;
	s10 =	sld [smem:$0x3FB6];
	_ =	sdelay $0x3  }
0x37: {  	[smem:$0x3FB6] =	sst s10  }
0x38: {  	s10 =	sld [smem:$0x3FB7]  }
0x39: {  	_ = 	snop;
	(pc) =	sbr.ind lr, $3  }
0x3a: {  	_ = 	snop  }
0x3b: {  	_ = 	snop  }
0x3c: {  	p2 =	seq.s32 s10, $0x1;
	s10 =	sld [smem:$0x3FB6]  }
0x3d: {  	_ =	shalt  }
0x3e: {  	_ =	shalt  }
0x3f: {  	_ =	shalt  }
0x40: {  	_ =	shalt  }
0x41: {  	_ =	shalt  }
0x42: {  	_ =	shalt  }
0x43: {  	_ =	shalt  }
0x44: {  	_ =	shalt  }
0x45: {  	_ =	shalt  }
0x46: {  	_ =	shalt  }
0x47: {  	_ =	shalt  }
0x48: {  	_ =	shalt  }
0x49: {  	_ =	shalt  }
0x4a: {  	_ =	shalt  }
0x4b: {  	_ =	shalt  }
0x4c: {  	_ =	shalt  }
0x4d: {  	_ =	shalt  }
0x4e: {  	_ =	shalt  }
0x4f: {  	_ =	shalt  }
0x50: {  	_ =	shalt  }
0x51: {  	_ =	shalt  }
0x52: {  	_ =	shalt  }
0x53: {  	_ =	shalt  }
0x54: {  	_ =	shalt  }
0x55: {  	_ =	shalt  }
0x56: {  	_ =	shalt  }
0x57: {  	_ =	shalt  }
0x58: {  	_ =	shalt  }
0x59: {  	_ =	shalt  }
0x5a: {  	_ =	shalt  }
0x5b: {  	_ =	shalt  }
0x5c: {  	_ =	shalt  }
0x5d: {  	_ =	shalt  }
0x5e: {  	_ =	shalt  }
0x5f: {  	_ =	shalt  }
0x60: {  	_ =	shalt  }
0x61: {  	_ =	shalt  }
0x62: {  	_ =	shalt  }
0x63: {  	_ =	shalt  }
0x64: {  	_ =	shalt  }
0x65: {  	_ =	shalt  }
0x66: {  	_ =	shalt  }
0x67: {  	_ =	shalt  }
0x68: {  	_ =	shalt  }
0x69: {  	_ =	shalt  }
0x6a: {  	_ =	shalt  }
0x6b: {  	_ =	shalt  }
0x6c: {  	_ =	shalt  }
0x6d: {  	_ =	shalt  }
0x6e: {  	_ =	shalt  }
0x6f: {  	_ =	shalt  }
0x70: {  	_ =	shalt  }
0x71: {  	_ =	shalt  }
0x72: {  	_ =	shalt  }
0x73: {  	_ =	shalt  }
0x74: {  	_ =	shalt  }
0x75: {  	_ =	shalt  }
0x76: {  	_ =	shalt  }
0x77: {  	_ =	shalt  }
0x78: {  	_ =	shalt  }
0x79: {  	_ =	shalt  }
0x7a: {  	_ =	shalt  }
0x7b: {  	_ =	shalt  }
0x7c: {  	_ =	shalt  }
0x7d: {  	_ =	shalt  }
0x7e: {  	_ =	shalt  }
0x7f: {  	_ =	shalt  }
0x80: {  	_ =	shalt  }
0x81: {  	_ =	shalt  }
0x82: {  	_ =	shalt  }
0x83: {  	_ =	shalt  }
0x84: {  	_ =	shalt  }
0x85: {  	_ =	shalt  }
0x86: {  	_ =	shalt  }
0x87: {  	_ =	shalt  }
.Lfunc_end0:
.L_simem_size_0:
called_computation_lowered:
.L_overlay_start_0:
0x88: {  	s2 =	sld [smem:$0x3FD9]  }
0x89: {  	s3 =	sld [smem:$0x3FFE];
	_ =	sdelay $0x1  }
0x8a: {  	s1 =	srdreg.scid  }
0x8b: {  	s0 =	sand.u32 $0x1, s1  }
0x8c: {  	s17 =	sshll.u32 s0, $0xA;
	s2 =	sadd.s32 s3, s2  }
0x8d: {  	s2 =	sadd.s32 s2, s17  }
0x8e: {  	[smem:$0x3FC2] =	sst s2  }
0x8f: {  	_ = 	snop  }
0x90: {  	s2 =	sld [smem:$0x3FD0];
	(tm) =	ssettm $0x1  }
0x91: {  	s18 =	sld [smem:$0x3FFB];
	_ =	sdelay $0x3  }
0x92: {  	_ =	strace s18  }
0x93: {  	s3 =	sld [smem:$0x3FFC];
	_ =	sdelay $0x3  }
0x94: {  	_ =	strace s3  }
0x95: {  	s3 =	sld [smem:$0x3FFD];
	_ =	sdelay $0x3  }
0x96: {  	_ =	strace s3  }
0x97: {  	_ =	strace $0x8FFFFFFF  }
0x98: {  	s19 =	sld [smem:$0x3FDB];
	_ =	sdelay $0x1  }
0x99: {  	s4 =	simm.s32 $_scs_section_size  }
0x9a: {  	s5 =	simm.s32 $_size__tile_overlayer_lowered;
	s6 =	simm.s32 $_tile_overlayer_lowered  }
0x9b: {  	s22 =	simm.s32 $0x1BFF;
	s21 =	sshll.u32 s6, $0x1;
	s3 =	sadd.s32 s4, s19  }
0x9c: {  	s7 =	simm.s32 $0x0;
	s20 =	sshll.u32 s5, $0x1;
	s5 =	sadd.s32 s21, s3  }
0x9d: {  	[timem:s7], [sflag:s22] =	dma.local [hbm:s5], s20  }
0x9e: {  	_ =	swait.ge [sflag:s22], s20  }
0x9f: {  	s4 =	ssub.s32 $0x0, s20;
	[sflag:s22] =	ssyncset.done $0x0  }
0xa0: {  	[sflag:s22] =	ssyncadd.s32 s4;
	_ =	sdelay $0x1  }
0xa1: {  	s23 =	simm.s32 $0x1B8B  }
0xa2: {  	_ =	swait.ge [sflag:s23], $0x1  }
0xa3: {  	[sflag:s23] =	ssyncset.done $0x0  }
0xa4: {  	s25 =	simm.s32 $0x1B8E;
	s24 =	sld [smem:$0x3FFE];
	[sflag:s23] =	ssyncadd.s32 $0xFFFFFFFF  }
0xa5: {  	s26 =	simm.s32 $execute0_lowered;
	[smem:$0x3FD2] =	sst s25  }
0xa6: {  	s5 =	sshll.u32 s26, $0x1;
	_ =	strace $0x80000046;
	[dreg:$0x1] =	wrdreg $0xFFFFFFFF  }
0xa7: {  	s28 =	simm.s32 $_size_execute0_lowered;
	s3 =	sadd.s32 s3, s5;
	[dreg:$0x0] =	wrdreg $0x0  }
0xa8: {  	s5 =	sshll.u32 s28, $0x1;
	[dreg:$0x2] =	wrdreg s3  }
0xa9: {  	[dreg:$0x3] =	wrdreg s5  }
0xaa: {  	[dreg:$0x4] =	wrdreg $0xC0  }
0xab: {  	_ =	task [dreg:s7], $0x5FFFF  }
0xac: {  	[dreg:$0x1] =	wrdreg $0xFFFFFFFF  }
0xad: {  	[dreg:$0x0] =	wrdreg $0x60  }
0xae: {  	[dreg:$0x2] =	wrdreg s2  }
0xaf: {  	[dreg:$0x3] =	wrdreg s24  }
0xb0: {  	[dreg:$0x4] =	wrdreg $0x0  }
0xb1: {  	[dreg:$0x5] =	wrdreg $0x9  }
0xb2: {  	_ =	task.clear_ibuf [dreg:s7], $0x6FFFF;
	_ =	strace $0x90000046  }
0xb3: {  	s29 =	simm.s32 $0x9;
	_ =	strace $0x80000048  }
0xb4: {  	_ =	swait.ge [sflag:s29], $0x1  }
0xb5: {  	[sflag:s29] =	ssyncadd.s32 $0xFFFFFFFF  }
0xb6: {  	_ =	strace $0x90000048  }
0xb7: {  	_ =	sfence  }
0xb8: {  	s30 =	sld [smem:$0x0];
	_ =	sdelay $0x2  }
0xb9: {  	s31 =	sshll.u32 s1, $0xD;
	s1 =	sshrl.u32 s1, $0x2  }
0xba: {  	s3 =	sand.u32 $0x4000, s31;
	s1 =	sadd.s32 s1, s30  }
0xbb: {  	s0 =	sor.u32 s3, s0;
	s1 =	sshll.u32 s1, $0x11  }
0xbc: {  	s0 =	sor.u32 s1, s0  }
0xbd: {  	s0 =	sadd.s32 $0x8F2B, s0  }
0xbe: {  	[sflag:s0] =	ssyncadd.remote.s32 $0x1  }
0xbf: {  	_ =	sfence.sel $0xFFFF  }
0xc0: {  	[dreg:$0x0] =	wrdreg $0xFFFFFFFF;
	(pc) =	sbr.abs _section_cstart, $3  }
0xc1: {  	[dreg:$0x1] =	wrdreg $0xFFFFFFFF  }
0xc2: {  	_ =	task.clear_ibuf [dreg:s7], $0x2FFFF;
	_ =	strace $0x9FFFFFFF  }
0xc3: {  	(tm) =	ssettm $0x7FFFFFFF  }
tec
execute0_lowered:
.L_overlay_start_1:
0x0: {  	(tag) =	ssettag $0x1  }
0x1: {  	s1 =	rddreg [dreg:$0x0]  }
0x2: {  	s0 =	rddreg [dreg:$0x1]  }
0x3: {  	s2 =	rddreg [dreg:$0x2];
	s3 =	simm.s32 $0x0  }
0x4: {  	s4 =	srdreg.scid;
	s13 =	stileid.u32;
	s29 =	simm.s32 $0x1CF00  }
0x5: {  	s30 =	simm.s32 $0x7;
	s31 =	simm.s32 $0x18700;
	s24 =	smul.u32 $0xAE, s13  }
0x6: {  	[smem:$0x7FF] =	sst s3;
	s4 =	sand.u32 $0x1, s4;
	s10 =	smul.u32 $0x61C00, s13  }
0x7: {  	s7 =	sadd.s32 $0x64E00, s0;
	s8 =	sadd.s32 $0x3200, s0;
	s11 =	smul.u32 $0xD8, s13  }
0x8: {  	s0 =	sadd.s32 $0xC6A00, s0;
	p0 =	seq.s32 s13, $0xF;
	s13 =	smul.u32 $0x18700, s13  }
0x9: {  	_ =	strace $0x80000047;
	s5 =	ssub.s32 $0x2, s4;
	s25 =	sshrl.u32 s10, $0x2  }
0xa: {  	p1 =	seq.s32 s4, $0x0;
	s4 =	smul.u32 $0x186A00, s4;
	s10 =	sadd.s32 s25, s2  }
0xb: {  	s6 =	sshrl.u32 s5, $0x1;
	s12 =	sadd.s32 $0xD80, s24;
	s26 =	sadd.s32 $0x2000, s10  }
0xc: {  	s9 =	ssub.s32 s5, s6;
	s14 =	sadd.s32 $0x4000, s10;
	[dreg:$0x5] =	wrdreg s26  }
0xd: {  	s5 =	simm.s32 $0xB8;
	s15 =	sadd.s32 $0x6000, s10;
	[dreg:$0x6] =	wrdreg s14  }
0xe: {  	s12 =	smov.u32 @p1 s11;
	s16 =	sadd.s32 $0x8000, s10;
	[dreg:$0x7] =	wrdreg s15  }
0xf: {  	s6 =	sadd.s32 s13, s2;
	s17 =	sadd.s32 $0xA000, s10;
	[dreg:$0x8] =	wrdreg s16  }
0x10: {  	s24 =	sadd.s32 s13, s4;
	s18 =	sadd.s32 $0xC000, s10;
	[dreg:$0x9] =	wrdreg s17  }
0x11: {  	s4 =	sshrl.u32 s4, $0x3;
	s19 =	sadd.s32 $0xE000, s10;
	[dreg:$0xa] =	wrdreg s18  }
0x12: {  	s5 =	simm.s32 @!p0 $0xAE;
	s20 =	sadd.s32 $0x10000, s10;
	[dreg:$0xb] =	wrdreg s19  }
0x13: {  	s21 =	sadd.s32 $0x12000, s10;
	s22 =	sshll.u32 s12, $0x6;
	[dreg:$0xc] =	wrdreg s20  }
0x14: {  	s5 =	simm.s32 @p1 $0xD8;
	[dreg:$0xd] =	wrdreg s21;
	s16 =	sadd.s32 s7, s22  }
0x15: {  	s17 =	sadd.s32 s8, s22;
	s11 =	sor.u32 $0x40, s22;
	s21 =	sadd.s32 $0x14000, s10  }
0x16: {  	s22 =	sadd.s32 $0x16000, s10;
	s7 =	sadd.s32 s7, s11;
	s23 =	sadd.s32 s8, s11  }
0x17: {  	s25 =	sshll.u32 s5, $0x6;
	s28 =	sadd.s32 $0xFFFFFFFF, s5;
	[dreg:$0xe] =	wrdreg s7  }
0x18: {  	s8 =	simm.s32 $0x18F00;
	s11 =	simm.s32 $0x4;
	[dreg:$0xf] =	wrdreg s23  }
0x19: {  	s7 =	sshrl.u32 s24, $0x3;
	s26 =	sadd.s32 $0xFFFFFF80, s25;
	s23 =	sadd.s32 $0x18000, s10  }
0x1a: {  	s25 =	smax.u32 s9, $0x1;
	s9 =	simm.s32 $0x1;
	s10 =	simm.s32 $0x3  }
0x1b: {  	s20 =	sadd.s32 s0, s7;
	s0 =	sadd.s32 s0, s4;
	[dreg:$0x4] =	wrdreg s26  }
0x1c: {  	s4 =	simm.s32 $0x5;
	s24 =	sadd.s32 $0x2DD20, s0;
	s0 =	sadd.s32 $0x16E900, s2  }
0x1d: {  	v0 =	vimm.f32 $0.0e+00;
	s7 =	simm.s32 $0x200;
	s26 =	sshrl.u32 @p0 s0, $0x3;
	s0 =	simm.s32 $0x18B00  }
.LBB2_1:
0x1e: {  	s12 =	simm.s32 $0x40;
	s13 =	simm.s32 $0x0  }
.LBB2_2:
0x1f: {  	p1 =	sne.s32 s12, $0x7FC0;
	[tilespmem:s13+$0x1CF00] =	vst v0;
	s13 =	smov.u32 s12;
	s12 =	sadd.s32 $0x40, s12  }
.Ltmp0:
0x20: {  	(pc) =	sbr.rel @p1 .LBB2_2-.Ltmp0, $2  }
0x21: {  	_ =	sdelay $0x2  }
0x22: {  	s13 =	sshra.s32 s13, $0x2  }
0x23: {  	[tilespmem:s13+$0x1CF00] =	vst v0  }
0x24: {  	[spmem:s6] =	stream.linear.scatter [tilespmem:s29], [sflag:$0x7], $0x2000, $0x38;
	[tilespmem:$0x1EF00] =	vst v63  }
0x25: {  	_ =	swait.ge [sflag:s30], $0x2000  }
0x26: {  	[sflag:s30] =	ssyncset.done $0x0  }
0x27: {  	s12 =	rddreg [dreg:$0x5];
	[sflag:s30] =	ssyncadd.s32 $0xFFFFE000  }
0x28: {  	[spmem:s12] =	stream.linear.scatter [tilespmem:s29], [sflag:$0x7], $0x2000, $0x38;
	[tilespmem:$0x1EF00] =	vst v63  }
0x29: {  	_ =	swait.ge [sflag:s30], $0x2000  }
0x2a: {  	[sflag:s30] =	ssyncset.done $0x0  }
0x2b: {  	s19 =	rddreg [dreg:$0x6];
	[sflag:s30] =	ssyncadd.s32 $0xFFFFE000  }
0x2c: {  	[spmem:s19] =	stream.linear.scatter [tilespmem:s29], [sflag:$0x7], $0x2000, $0x38;
	[tilespmem:$0x1EF00] =	vst v63  }
0x2d: {  	_ =	swait.ge [sflag:s30], $0x2000  }
0x2e: {  	[sflag:s30] =	ssyncset.done $0x0  }
0x2f: {  	s13 =	rddreg [dreg:$0x7];
	[sflag:s30] =	ssyncadd.s32 $0xFFFFE000  }
0x30: {  	[spmem:s13] =	stream.linear.scatter [tilespmem:s29], [sflag:$0x7], $0x2000, $0x38;
	[tilespmem:$0x1EF00] =	vst v63  }
0x31: {  	_ =	swait.ge [sflag:s30], $0x2000  }
0x32: {  	[sflag:s30] =	ssyncset.done $0x0  }
0x33: {  	s14 =	rddreg [dreg:$0x8];
	[sflag:s30] =	ssyncadd.s32 $0xFFFFE000  }
0x34: {  	[spmem:s14] =	stream.linear.scatter [tilespmem:s29], [sflag:$0x7], $0x2000, $0x38;
	[tilespmem:$0x1EF00] =	vst v63  }
0x35: {  	_ =	swait.ge [sflag:s30], $0x2000  }
0x36: {  	[sflag:s30] =	ssyncset.done $0x0  }
0x37: {  	s15 =	rddreg [dreg:$0x9];
	[sflag:s30] =	ssyncadd.s32 $0xFFFFE000  }
0x38: {  	[spmem:s15] =	stream.linear.scatter [tilespmem:s29], [sflag:$0x7], $0x2000, $0x38;
	[tilespmem:$0x1EF00] =	vst v63  }
0x39: {  	_ =	swait.ge [sflag:s30], $0x2000  }
0x3a: {  	[sflag:s30] =	ssyncset.done $0x0  }
0x3b: {  	s18 =	rddreg [dreg:$0xa];
	[sflag:s30] =	ssyncadd.s32 $0xFFFFE000  }
0x3c: {  	[spmem:s18] =	stream.linear.scatter [tilespmem:s29], [sflag:$0x7], $0x2000, $0x38;
	[tilespmem:$0x1EF00] =	vst v63  }
0x3d: {  	_ =	swait.ge [sflag:s30], $0x2000  }
0x3e: {  	[sflag:s30] =	ssyncset.done $0x0  }
0x3f: {  	s19 =	rddreg [dreg:$0xb];
	[sflag:s30] =	ssyncadd.s32 $0xFFFFE000  }
0x40: {  	[spmem:s19] =	stream.linear.scatter [tilespmem:s29], [sflag:$0x7], $0x2000, $0x38;
	[tilespmem:$0x1EF00] =	vst v63  }
0x41: {  	_ =	swait.ge [sflag:s30], $0x2000  }
0x42: {  	[sflag:s30] =	ssyncset.done $0x0  }
0x43: {  	s13 =	rddreg [dreg:$0xc];
	[sflag:s30] =	ssyncadd.s32 $0xFFFFE000  }
0x44: {  	[spmem:s13] =	stream.linear.scatter [tilespmem:s29], [sflag:$0x7], $0x2000, $0x38;
	[tilespmem:$0x1EF00] =	vst v63  }
0x45: {  	_ =	swait.ge [sflag:s30], $0x2000  }
0x46: {  	[sflag:s30] =	ssyncset.done $0x0  }
0x47: {  	s14 =	rddreg [dreg:$0xd];
	[sflag:s30] =	ssyncadd.s32 $0xFFFFE000  }
0x48: {  	[spmem:s14] =	stream.linear.scatter [tilespmem:s29], [sflag:$0x7], $0x2000, $0x38;
	[tilespmem:$0x1EF00] =	vst v63  }
0x49: {  	_ =	swait.ge [sflag:s30], $0x2000  }
0x4a: {  	[sflag:s30] =	ssyncset.done $0x0  }
0x4b: {  	[sflag:s30] =	ssyncadd.s32 $0xFFFFE000  }
0x4c: {  	[spmem:s21] =	stream.linear.scatter [tilespmem:s29], [sflag:$0x7], $0x2000, $0x38;
	[tilespmem:$0x1EF00] =	vst v63  }
0x4d: {  	_ =	swait.ge [sflag:s30], $0x2000  }
0x4e: {  	[sflag:s30] =	ssyncset.done $0x0  }
0x4f: {  	[sflag:s30] =	ssyncadd.s32 $0xFFFFE000  }
0x50: {  	[spmem:s22] =	stream.linear.scatter [tilespmem:s29], [sflag:$0x7], $0x2000, $0x38;
	[tilespmem:$0x1EF00] =	vst v63  }
0x51: {  	_ =	swait.ge [sflag:s30], $0x2000  }
0x52: {  	[sflag:s30] =	ssyncset.done $0x0  }
0x53: {  	[sflag:s30] =	ssyncadd.s32 $0xFFFFE000  }
0x54: {  	[spmem:s23] =	stream.linear.scatter [tilespmem:s29], [sflag:$0x7], $0x700, $0x38;
	[tilespmem:$0x1EF00] =	vst v63  }
0x55: {  	_ =	swait.ge [sflag:s30], $0x700  }
0x56: {  	[sflag:s30] =	ssyncset.done $0x0  }
0x57: {  	[sflag:s30] =	ssyncadd.s32 $0xFFFFF900  }
0x58: {  	s12 =	simm.s32 $0x0;
	[bflag:$0x0] =	sbarrier.arrive $0xFFFF  }
0x59: {  	[tilespmem:s31], [sflag:$0x5] =	stream.linear.gather [hbm4b:s16+s12], $0x200, $0x38;
	[tilespmem:$0x1EF00] =	vst v63  }
0x5a: {  	_ = 	snop  }
0x5b: {  	[tilespmem:s0], [sflag:$0x5] =	stream.linear.gather [hbm4b:s17+s12], $0x200, $0x38;
	[tilespmem:$0x1EF00] =	vst v63  }
0x5c: {  	_ =	swait.ge [sflag:s4], $0x200  }
0x5d: {  	[sflag:s4] =	ssyncset.done $0x0  }
0x5e: {  	[sflag:s4] =	ssyncadd.s32 $0xFFFFFE00  }
0x5f: {  	_ =	swait.ge [sflag:s4], $0x200  }
0x60: {  	[sflag:s4] =	ssyncset.done $0x0  }
0x61: {  	[sflag:s4] =	ssyncadd.s32 $0xFFFFFE00  }
0x62: {  	[tilespmem:s8], [sflag:$0x1] =	stream.indirect.gather [hbm4b:s1+s7], $0x10, s31, s7, $0xb8;
	[tilespmem:$0x1EF00] =	vst v63  }
0x63: {  	s14 =	simm.s32 $0x18900;
	s15 =	rddreg [dreg:$0xe]  }
0x64: {  	[tilespmem:s14], [sflag:$0x6] =	stream.linear.gather [hbm4b:s15+s12], $0x200, $0x38;
	[tilespmem:$0x1EF00] =	vst v63  }
0x65: {  	s19 =	simm.s32 $0x18D00;
	s13 =	simm.s32 $0x3;
	s18 =	rddreg [dreg:$0xf]  }
0x66: {  	[tilespmem:s19], [sflag:$0x6] =	stream.linear.gather [hbm4b:s18+s12], $0x200, $0x38;
	[tilespmem:$0x1EF00] =	vst v63  }
.LBB2_4:
0x67: {  	_ =	swait.ge [sflag:s9], $0x2000;
	s14 =	sadd.s32 $0xFFFFFFFD, s13  }
0x68: {  	[sflag:s9] =	ssyncset.done $0x0;
	p1 =	sge.u32 s14, s28  }
0x69: {  	[sflag:s9] =	ssyncadd.s32 $0xFFFFE000;
	s14 =	simm.s32 @!p1 $0x6  }
0x6a: {  	[spmem:s2] =	stream.indirect.scatter.add.f32 [tilespmem:s8], [sflag:$0x3], $0x10, s0, s7, $0xb8;
	[tilespmem:$0x1EF00] =	vst v63  }
0x6b: {  	_ =	swait.ge @!p1 [sflag:s14], $0x200  }
0x6c: {  	[sflag:s14] =	ssyncset.done @!p1 $0x0  }
0x6d: {  	[sflag:s14] =	ssyncadd.s32 @!p1 $0xFFFFFE00  }
0x6e: {  	_ =	swait.ge @!p1 [sflag:s14], $0x200  }
0x6f: {  	s15 =	simm.s32 @!p1 $0x18900;
	[sflag:s14] =	ssyncset.done @!p1 $0x0  }
0x70: {  	s18 =	simm.s32 @!p1 $0x1AF00;
	[sflag:s14] =	ssyncadd.s32 @!p1 $0xFFFFFE00;
	s14 =	simm.s32 @!p1 $0x200  }
0x71: {  	[tilespmem:s18], [sflag:$0x2] =	stream.indirect.gather @!p1 [hbm4b:s1+s14], $0x10, s15, s14, $0xb8;
	[tilespmem:$0x1EF00] =	vst v63  }
0x72: {  	s19 =	sadd.s32 $0xFFFFFFFF, s13;
	_ =	swait.ge [sflag:s10], $0x2000  }
0x73: {  	p1 =	sge.u32 s19, s5;
	[sflag:s10] =	ssyncset.done $0x0  }
0x74: {  	s14 =	simm.s32 @p1 $0x2;
	[sflag:s10] =	ssyncadd.s32 $0xFFFFE000  }
0x75: {  	_ =	swait.ge @p1 [sflag:s14], $0x2000  }
0x76: {  	s15 =	simm.s32 @p1 $0x18D00;
	[sflag:s14] =	ssyncset.done @p1 $0x0  }
0x77: {  	s18 =	simm.s32 @p1 $0x1AF00;
	[sflag:s14] =	ssyncadd.s32 @p1 $0xFFFFE000;
	s14 =	simm.s32 @p1 $0x200  }
0x78: {  	[spmem:s2] =	stream.indirect.scatter.add.f32 @p1 [tilespmem:s18], [sflag:$0x4], $0x10, s15, s14, $0xb8;
	[tilespmem:$0x1EF00] =	vst v63  }
0x79: {  	s14 =	sadd.s32 @!p1 s12, s16  }
0x7a: {  	s15 =	simm.s32 @!p1 $0x0;
	s18 =	simm.s32 @!p1 $0x18700;
	s14 =	sadd.s32 @!p1 $0x80, s14  }
0x7b: {  	[tilespmem:s18], [sflag:$0x5] =	stream.linear.gather @!p1 [hbm4b:s14+s15], $0x200, $0x38;
	[tilespmem:$0x1EF00] =	vst v63  }
0x7c: {  	s14 =	sadd.s32 @!p1 s12, s17  }
0x7d: {  	s19 =	simm.s32 @!p1 $0x18B00;
	s14 =	sadd.s32 @!p1 $0x80, s14  }
0x7e: {  	[tilespmem:s19], [sflag:$0x5] =	stream.linear.gather @!p1 [hbm4b:s14+s15], $0x200, $0x38;
	[tilespmem:$0x1EF00] =	vst v63  }
0x7f: {  	s14 =	simm.s32 @!p1 $0x2  }
0x80: {  	_ =	swait.ge @!p1 [sflag:s14], $0x2000  }
0x81: {  	s15 =	simm.s32 @!p1 $0x18D00;
	[sflag:s14] =	ssyncset.done @!p1 $0x0  }
0x82: {  	s19 =	simm.s32 @!p1 $0x1AF00;
	[sflag:s14] =	ssyncadd.s32 @!p1 $0xFFFFE000;
	s14 =	simm.s32 @!p1 $0x200  }
0x83: {  	[spmem:s2] =	stream.indirect.scatter.add.f32 @!p1 [tilespmem:s19], [sflag:$0x4], $0x10, s15, s14, $0xb8;
	[tilespmem:$0x1EF00] =	vst v63  }
0x84: {  	s15 =	simm.s32 @!p1 $0x5  }
0x85: {  	_ =	swait.ge @!p1 [sflag:s15], $0x200  }
0x86: {  	[sflag:s15] =	ssyncset.done @!p1 $0x0  }
0x87: {  	[sflag:s15] =	ssyncadd.s32 @!p1 $0xFFFFFE00  }
0x88: {  	_ =	swait.ge @!p1 [sflag:s15], $0x200  }
0x89: {  	[sflag:s15] =	ssyncset.done @!p1 $0x0  }
0x8a: {  	[sflag:s15] =	ssyncadd.s32 @!p1 $0xFFFFFE00;
	s15 =	simm.s32 @!p1 $0x18F00  }
0x8b: {  	[tilespmem:s15], [sflag:$0x1] =	stream.indirect.gather @!p1 [hbm4b:s1+s14], $0x10, s18, s14, $0xb8;
	[tilespmem:$0x1EF00] =	vst v63  }
0x8c: {  	p1 =	sge.u32 s13, s5;
	_ =	swait.ge [sflag:s11], $0x2000  }
0x8d: {  	s14 =	sadd.s32 @!p1 s12, s16;
	s15 =	simm.s32 @!p1 $0x0;
	[sflag:s11] =	ssyncset.done $0x0  }
0x8e: {  	s18 =	simm.s32 @!p1 $0x18900;
	s14 =	sadd.s32 @!p1 $0xC0, s14;
	[sflag:s11] =	ssyncadd.s32 $0xFFFFE000  }
0x8f: {  	[tilespmem:s18], [sflag:$0x6] =	stream.linear.gather @!p1 [hbm4b:s14+s15], $0x200, $0x38;
	[tilespmem:$0x1EF00] =	vst v63  }
0x90: {  	s19 =	rddreg [dreg:$0x4];
	s14 =	sadd.s32 @!p1 s12, s17  }
0x91: {  	s18 =	simm.s32 @!p1 $0x18D00;
	s12 =	sadd.s32 $0x80, s12;
	s14 =	sadd.s32 @!p1 $0xC0, s14  }
0x92: {  	[tilespmem:s18], [sflag:$0x6] =	stream.linear.gather @!p1 [hbm4b:s14+s15], $0x200, $0x38;
	[tilespmem:$0x1EF00] =	vst v63  }
0x93: {  	p1 =	sne.s32 s19, s12  }
.Ltmp1:
0x94: {  	_ = 	snop;
	(pc) =	sbr.rel @p1 .LBB2_4-.Ltmp1, $2  }
0x95: {  	_ =	sdelay $0x2  }
0x96: {  	s13 =	sadd.s32 $0x2, s13  }
0x97: {  	_ =	swait.ge [sflag:s9], $0x2000;
	s14 =	sadd.s32 $0xFFFFFFFD, s13  }
0x98: {  	[sflag:s9] =	ssyncset.done $0x0;
	p1 =	sge.u32 s14, s28  }
0x99: {  	[sflag:s9] =	ssyncadd.s32 $0xFFFFE000;
	s14 =	simm.s32 @!p1 $0x6  }
0x9a: {  	[spmem:s2] =	stream.indirect.scatter.add.f32 [tilespmem:s8], [sflag:$0x3], $0x10, s0, s7, $0xb8;
	[tilespmem:$0x1EF00] =	vst v63  }
0x9b: {  	_ =	swait.ge @!p1 [sflag:s14], $0x200  }
0x9c: {  	[sflag:s14] =	ssyncset.done @!p1 $0x0  }
0x9d: {  	[sflag:s14] =	ssyncadd.s32 @!p1 $0xFFFFFE00  }
0x9e: {  	_ =	swait.ge @!p1 [sflag:s14], $0x200  }
0x9f: {  	s19 =	sadd.s32 $0xFFFFFFFF, s13;
	s15 =	simm.s32 @!p1 $0x18900;
	[sflag:s14] =	ssyncset.done @!p1 $0x0  }
0xa0: {  	s18 =	simm.s32 @!p1 $0x1AF00;
	[sflag:s14] =	ssyncadd.s32 @!p1 $0xFFFFFE00;
	s14 =	simm.s32 @!p1 $0x200  }
0xa1: {  	[tilespmem:s18], [sflag:$0x2] =	stream.indirect.gather @!p1 [hbm4b:s1+s14], $0x10, s15, s14, $0xb8;
	[tilespmem:$0x1EF00] =	vst v63  }
0xa2: {  	p1 =	slt.u32 s19, s5;
	_ =	swait.ge [sflag:s10], $0x2000  }
0xa3: {  	s14 =	sadd.s32 @p1 s12, s16;
	s15 =	simm.s32 @p1 $0x0;
	[sflag:s10] =	ssyncset.done $0x0  }
0xa4: {  	s18 =	simm.s32 @p1 $0x18700;
	s14 =	sadd.s32 @p1 $0x80, s14;
	[sflag:s10] =	ssyncadd.s32 $0xFFFFE000  }
0xa5: {  	[tilespmem:s18], [sflag:$0x5] =	stream.linear.gather @p1 [hbm4b:s14+s15], $0x200, $0x38;
	[tilespmem:$0x1EF00] =	vst v63  }
0xa6: {  	s14 =	sadd.s32 @p1 s12, s17  }
0xa7: {  	s19 =	simm.s32 @p1 $0x18B00;
	s14 =	sadd.s32 @p1 $0x80, s14  }
0xa8: {  	[tilespmem:s19], [sflag:$0x5] =	stream.linear.gather @p1 [hbm4b:s14+s15], $0x200, $0x38;
	[tilespmem:$0x1EF00] =	vst v63  }
0xa9: {  	s14 =	simm.s32 @p1 $0x2  }
0xaa: {  	_ =	swait.ge @p1 [sflag:s14], $0x2000  }
0xab: {  	s15 =	simm.s32 @p1 $0x18D00;
	[sflag:s14] =	ssyncset.done @p1 $0x0  }
0xac: {  	s19 =	simm.s32 @p1 $0x1AF00;
	[sflag:s14] =	ssyncadd.s32 @p1 $0xFFFFE000;
	s14 =	simm.s32 @p1 $0x200  }
0xad: {  	[spmem:s2] =	stream.indirect.scatter.add.f32 @p1 [tilespmem:s19], [sflag:$0x4], $0x10, s15, s14, $0xb8;
	[tilespmem:$0x1EF00] =	vst v63  }
0xae: {  	s15 =	simm.s32 @p1 $0x5  }
0xaf: {  	_ =	swait.ge @p1 [sflag:s15], $0x200  }
0xb0: {  	[sflag:s15] =	ssyncset.done @p1 $0x0  }
0xb1: {  	[sflag:s15] =	ssyncadd.s32 @p1 $0xFFFFFE00  }
0xb2: {  	_ =	swait.ge @p1 [sflag:s15], $0x200  }
0xb3: {  	[sflag:s15] =	ssyncset.done @p1 $0x0  }
0xb4: {  	[sflag:s15] =	ssyncadd.s32 @p1 $0xFFFFFE00;
	s15 =	simm.s32 @p1 $0x18F00  }
0xb5: {  	[tilespmem:s15], [sflag:$0x1] =	stream.indirect.gather @p1 [hbm4b:s1+s14], $0x10, s18, s14, $0xb8;
	[tilespmem:$0x1EF00] =	vst v63  }
0xb6: {  	s14 =	simm.s32 @!p1 $0x2  }
0xb7: {  	_ =	swait.ge @!p1 [sflag:s14], $0x2000  }
0xb8: {  	s15 =	simm.s32 @!p1 $0x18D00;
	[sflag:s14] =	ssyncset.done @!p1 $0x0  }
0xb9: {  	s18 =	simm.s32 @!p1 $0x1AF00;
	[sflag:s14] =	ssyncadd.s32 @!p1 $0xFFFFE000;
	s14 =	simm.s32 @!p1 $0x200  }
0xba: {  	[spmem:s2] =	stream.indirect.scatter.add.f32 @!p1 [tilespmem:s18], [sflag:$0x4], $0x10, s15, s14, $0xb8;
	[tilespmem:$0x1EF00] =	vst v63  }
0xbb: {  	p1 =	sge.u32 s13, s5  }
0xbc: {  	_ =	swait.ge [sflag:s11], $0x2000;
	s13 =	sadd.s32 @!p1 s12, s16  }
0xbd: {  	s14 =	simm.s32 @!p1 $0x0;
	s15 =	simm.s32 @!p1 $0x18900;
	[sflag:s11] =	ssyncset.done $0x0  }
0xbe: {  	s12 =	sadd.s32 @!p1 s12, s17;
	s13 =	sadd.s32 @!p1 $0xC0, s13;
	[sflag:s11] =	ssyncadd.s32 $0xFFFFE000  }
0xbf: {  	[tilespmem:s15], [sflag:$0x6] =	stream.linear.gather @!p1 [hbm4b:s13+s14], $0x200, $0x38;
	[tilespmem:$0x1EF00] =	vst v63  }
0xc0: {  	s12 =	sadd.s32 @!p1 $0xC0, s12;
	s13 =	simm.s32 @!p1 $0x18D00  }
0xc1: {  	[tilespmem:s13], [sflag:$0x6] =	stream.linear.gather @!p1 [hbm4b:s12+s14], $0x200, $0x38;
	[tilespmem:$0x1EF00] =	vst v63  }
0xc2: {  	s12 =	simm.s32 @p0 $0x1FC7;
	[bflag:$0x0] =	sbarrier.arrive $0xFFFF  }
0xc3: {  	[hbm:s24], [sflag:s12] =	dma.local @p0 [spmem:s26], $0x3020  }
0xc4: {  	s12 =	simm.s32 @p0 $0x7  }
0xc5: {  	s3 =	sadd.s32 $0x1, s3;
	s13 =	stileid.u32;
	_ =	swait.ge @p0 [sflag:s12], $0x3020  }
0xc6: {  	p1 =	sne.s32 s3, s25;
	s13 =	sshll.u32 @!p0 s13, $0x6;
	[sflag:s12] =	ssyncset.done @p0 $0x0  }
0xc7: {  	[sflag:s12] =	ssyncadd.s32 @p0 $0xFFFFCFE0;
	s12 =	sor.u32 @!p0 $0x1C07, s13;
	s13 =	sshrl.u32 @!p0 s6, $0x3  }
0xc8: {  	[hbm:s20], [sflag:s12] =	dma.local @!p0 [spmem:s13], $0x30E0  }
.Ltmp2:
0xc9: {  	_ = 	snop;
	(pc) =	sbr.rel @p1 .LBB2_1-.Ltmp2, $4  }
0xca: {  	s12 =	simm.s32 @!p0 $0x7  }
0xcb: {  	_ =	swait.ge @!p0 [sflag:s12], $0x30E0  }
0xcc: {  	[sflag:s12] =	ssyncset.done @!p0 $0x0  }
0xcd: {  	[sflag:s12] =	ssyncadd.s32 @!p0 $0xFFFFCF20  }
0xce: {  	_ =	sfence.sel $0x180000  }
0xcf: {  	[bflag:$0x0] =	sbarrier.arrive $0xFFFF  }
0xd0: {  	_ =	strace $0x90000047  }
0xd1: {  	s0 =	stileid.u32;
	[bflag:$0x2] =	sbarrier.arrive $0xFFFF  }
0xd2: {  	p0 =	sne.s32 s0, $0x0;
	s0 =	rddreg [dreg:$0x3]  }
0xd3: {  	s0 =	sadd.s32 @!p0 $0x100000, s0  }
0xd4: {  	[sflag:s0] =	ssyncadd.tile.s32 @!p0 $0x1;
	_ =	shalt  }
.Lfunc_end2:
_tile_overlayer_lowered:
.L_overlay_start_2:
0xd5: {  	(tag) =	ssettag $0x2  }
0xd6: {  	s0 =	rddreg [dreg:$0x0];
	s2 =	stileid.u32  }
0xd7: {  	s1 =	rddreg [dreg:$0x1];
	p0 =	sne.s32 s2, $0x0  }
0xd8: {  	s3 =	rddreg [dreg:$0x2];
	[bflag:$0x3] =	sbarrier.arrive $0xFFFF;
	s2 =	simm.s32 @!p0 $0x1C07  }
0xd9: {  	[timem:s3], [sflag:s2] =	dma.local @!p0 [hbm:s0], s1  }
0xda: {  	s0 =	simm.s32 @!p0 $0x7  }
0xdb: {  	_ =	swait.ge @!p0 [sflag:s0], s1  }
0xdc: {  	s1 =	ssub.s32 @!p0 $0x0, s1;
	[sflag:s0] =	ssyncset.done @!p0 $0x0  }
0xdd: {  	[sflag:s0] =	ssyncadd.s32 @!p0 s1  }
0xde: {  	[bflag:$0x3] =	sbarrier.arrive $0xFFFF  }
0xdf: {  	_ =	shalt  }

</sc_bundles>
